<compile_context>
chip_gen: v7x
topology: tpu7x:2x2x1
jax: 0.10.2.dev20260603
libtpu: 0.0.44.dev20260713+nightly
codegen_flags: <defaults>
</compile_context>

<pallas_src>
import functools

import numpy as np
import jax
import jax.numpy as jnp
from jax import lax
from jax.experimental import pallas as pl
from jax.experimental.pallas import tpu as pltpu
from jax.experimental.pallas import tpu_sc as plsc

_NC = 2
_NS = 16
_NW = _NC * _NS

_CHUNK = 128


def _pe_np(seq_len: int, embed: int) -> np.ndarray:
    pos = np.arange(seq_len, dtype=np.float64)[:, None]
    denom = 10000.0 ** ((np.arange(embed) // 2).astype(np.float64) / embed)[None, :]
    ang = (pos / denom).astype(np.float32)
    pe = np.zeros((seq_len, embed), dtype=np.float32)
    pe[:, 0::2] = np.sin(ang[:, 0::2])
    pe[:, 1::2] = np.cos(ang[:, 1::2])
    return pe


@jax.jit
def kernel(input_x, table):
    batch, seq = input_x.shape
    vocab, embed = table.shape
    n_flat = batch * seq
    per_w = n_flat // _NW
    n_chunks = per_w // _CHUNK
    n_vec = embed // 16

    idx3 = input_x.reshape(_NW, n_chunks, _CHUNK).astype(jnp.int32)

    pe = _pe_np(seq, embed)
    pe2 = jnp.asarray(np.concatenate([pe, pe], axis=0))

    mesh = plsc.VectorSubcoreMesh(core_axis_name="c", subcore_axis_name="s")

    NB = 8
    LOOKAHEAD = 5

    @functools.partial(
        pl.kernel,
        mesh=mesh,
        compiler_params=pltpu.CompilerParams(use_tc_tiling_on_sc=False),
        out_type=jax.ShapeDtypeStruct((n_flat, embed), jnp.float32),
        scratch_types=[
            pltpu.VMEM((n_chunks, _CHUNK), jnp.int32),
            pltpu.VMEM((2 * seq, embed), jnp.float32),
        ]
        + [pltpu.VMEM((_CHUNK, embed), jnp.float32)] * NB
        + [pltpu.SemaphoreType.DMA] * (2 * NB),
    )
    def _emb(idx_hbm, table_hbm, pe_hbm, out_hbm, idx_v, pe_v, *bufs):
        rb = bufs[:NB]
        sg = bufs[NB:2 * NB]
        so = bufs[2 * NB:]
        wid = lax.axis_index("s") * _NC + lax.axis_index("c")
        pltpu.sync_copy(idx_hbm.at[wid], idx_v)
        pltpu.sync_copy(pe_hbm, pe_v)
        base = wid * per_w

        def out_slice(i):
            return out_hbm.at[pl.ds(base + i * _CHUNK, _CHUNK)]

        for j in range(LOOKAHEAD):
            pltpu.async_copy(table_hbm.at[idx_v.at[j]], rb[j], sg[j])

        def step(i, b):
            bg = (b + LOOKAHEAD) % NB

            @pl.when(i >= NB - LOOKAHEAD)
            def _():
                pltpu.make_async_copy(
                    rb[bg], out_slice(i - (NB - LOOKAHEAD)), so[bg]).wait()

            @pl.when(i + LOOKAHEAD < n_chunks)
            def _():
                pltpu.async_copy(
                    table_hbm.at[idx_v.at[i + LOOKAHEAD]], rb[bg], sg[bg])

            pltpu.make_async_copy(table_hbm.at[idx_v.at[i]], rb[b], sg[b]).wait()

            off = (i * _CHUNK) % seq

            @plsc.parallel_loop(0, _CHUNK, unroll=8)
            def _(r):
                for e in range(n_vec):
                    sl = pl.ds(e * 16, 16)
                    rb[b][r, sl] = rb[b][r, sl] + pe_v[off + r, sl]

            pltpu.async_copy(rb[b], out_slice(i), so[b])

        def loop_body(t, carry):
            for b in range(NB):
                step(NB * t + b, b)
            return carry

        lax.fori_loop(0, n_chunks // NB, loop_body, 0)

        for j in range(NB - LOOKAHEAD):
            i = n_chunks - (NB - LOOKAHEAD) + j
            pltpu.make_async_copy(rb[i % NB], out_slice(i), so[i % NB]).wait()

    out_flat = _emb(idx3, table, pe2)
    return out_flat.reshape(batch, seq, embed)

# --- scband reference (transcript-rebuilt; emitter-appended) ---
"""Pipeline reference for scband-input-block-1211180777996 (READ-ONLY COPY).

The authoritative reference and input builder live on the scoring server;
editing this copy changes nothing except your own understanding.
"""

import jax, jax.numpy as jnp
import numpy as np

VOCAB = 1000000
EMBED = 64
BATCH = 4096
SEQ = 200


def setup_inputs(seed: int = 0) -> dict:
    key = jax.random.key(seed)
    k_idx, k_tab = jax.random.split(key)
    input_x = jax.random.randint(k_idx, (BATCH, SEQ), 0, VOCAB, dtype=jnp.int64 if jax.config.jax_enable_x64 else jnp.int32)
    table = jax.random.normal(k_tab, (VOCAB, EMBED), dtype=jnp.float32)
    return {"input_x": input_x, "table": table}


def _positional_encoding(seq_len: int, embed_size: int) -> jnp.ndarray:
    # Faithful translation of PositionalEncoding._positional_encoding_vector
    pos = jnp.arange(0, seq_len, dtype=jnp.float32)[:, None]  # [S, 1] -> tiled [S, E]
    denom = 10000.0 ** ((jnp.arange(embed_size) // 2).astype(jnp.float32) / embed_size)[None, :]
    pos_encoding_element = pos / denom  # [S, E] via broadcasting (same as tile)
    pe = jnp.zeros((seq_len, embed_size), dtype=jnp.float32)
    pe = pe.at[:, 0::2].set(jnp.sin(pos_encoding_element[:, 0::2]))
    pe = pe.at[:, 1::2].set(jnp.cos(pos_encoding_element[:, 1::2]))
    return pe


def reference(input_x, table):
    # InputEmbedding: embedding lookup (gather)
    emb = jnp.take(table, input_x, axis=0)  # [B, S, E]
    seq_len = input_x.shape[1]
    embed_size = table.shape[1]
    pe = _positional_encoding(seq_len, embed_size)  # [S, E]; torch tiles over batch, broadcast is equivalent
    return emb + pe[None, :, :]

if __name__ == "__main__":
    import jax
    _d = setup_inputs()
    print(jax.jit(kernel)(*tuple(_d.values())))

</pallas_src>

<mosaic_0001>
#map = affine_map<(d0, d1) -> (0, 0, 0)>
#map1 = affine_map<(d0, d1) -> (0, 0)>
module attributes {stable_mosaic.version = 14 : i64} {
  func.func @_emb(%arg0: i32, %arg1: i32, %arg2: memref<32x200x128xi32, #tpu.memory_space<hbm>>, %arg3: memref<1000000x64xf32, #tpu.memory_space<hbm>>, %arg4: memref<400x64xf32, #tpu.memory_space<hbm>>, %arg5: memref<819200x64xf32, #tpu.memory_space<hbm>>, %arg6: memref<200x128xi32, #tpu.memory_space<vmem>>, %arg7: memref<400x64xf32, #tpu.memory_space<vmem>>, %arg8: memref<128x64xf32, #tpu.memory_space<vmem>>, %arg9: memref<128x64xf32, #tpu.memory_space<vmem>>, %arg10: memref<128x64xf32, #tpu.memory_space<vmem>>, %arg11: memref<128x64xf32, #tpu.memory_space<vmem>>, %arg12: memref<128x64xf32, #tpu.memory_space<vmem>>, %arg13: memref<128x64xf32, #tpu.memory_space<vmem>>, %arg14: memref<128x64xf32, #tpu.memory_space<vmem>>, %arg15: memref<128x64xf32, #tpu.memory_space<vmem>>, %arg16: memref<!tpu.dma_semaphore, #tpu.memory_space<semaphore_mem>>, %arg17: memref<!tpu.dma_semaphore, #tpu.memory_space<semaphore_mem>>, %arg18: memref<!tpu.dma_semaphore, #tpu.memory_space<semaphore_mem>>, %arg19: memref<!tpu.dma_semaphore, #tpu.memory_space<semaphore_mem>>, %arg20: memref<!tpu.dma_semaphore, #tpu.memory_space<semaphore_mem>>, %arg21: memref<!tpu.dma_semaphore, #tpu.memory_space<semaphore_mem>>, %arg22: memref<!tpu.dma_semaphore, #tpu.memory_space<semaphore_mem>>, %arg23: memref<!tpu.dma_semaphore, #tpu.memory_space<semaphore_mem>>, %arg24: memref<!tpu.dma_semaphore, #tpu.memory_space<semaphore_mem>>, %arg25: memref<!tpu.dma_semaphore, #tpu.memory_space<semaphore_mem>>, %arg26: memref<!tpu.dma_semaphore, #tpu.memory_space<semaphore_mem>>, %arg27: memref<!tpu.dma_semaphore, #tpu.memory_space<semaphore_mem>>, %arg28: memref<!tpu.dma_semaphore, #tpu.memory_space<semaphore_mem>>, %arg29: memref<!tpu.dma_semaphore, #tpu.memory_space<semaphore_mem>>, %arg30: memref<!tpu.dma_semaphore, #tpu.memory_space<semaphore_mem>>, %arg31: memref<!tpu.dma_semaphore, #tpu.memory_space<semaphore_mem>>) attributes {dimension_semantics = [#tpu.dimension_semantics<core_parallel>, #tpu.dimension_semantics<subcore_parallel>], iteration_bounds = array<i64: 2, 16>, scalar_prefetch = 0 : i64, scratch_operands = 26 : i64, tpu.core_type = #tpu.core_type<sc_vector_subcore>, window_params = [{transform_indices = #map}, {transform_indices = #map1}, {transform_indices = #map1}, {transform_indices = #map1}]} {
    %mul3A = arith.constant 2 : i32
    %mul3A_0 = arith.muli %arg1, %mul3A : i32
    %add3A = arith.addi %mul3A_0, %arg0 : i32
    "tpu.region"() ({
      %run_scoped3A = tpu.sem_alloc : memref<!tpu.dma_semaphore, #tpu.memory_space<semaphore_mem>>
      %dma_start3A_59 = arith.constant 0 : i32
      %dma_start3A_60 = arith.constant 0 : i32
      %dma_start3A_61 = tpu.memref_slice %arg2[%add3A, %dma_start3A_59, %dma_start3A_60] : memref<32x200x128xi32, #tpu.memory_space<hbm>> -> memref<1x200x128xi32, #tpu.memory_space<hbm>>
      %dma_start3A_62 = tpu.memref_squeeze %dma_start3A_61 : memref<1x200x128xi32, #tpu.memory_space<hbm>> -> memref<200x128xi32, #tpu.memory_space<hbm>>
      %dma_start3A_63 = arith.constant 0 : i32
      %dma_start3A_64 = arith.constant 0 : i32
      %dma_start3A_65 = tpu.memref_slice %arg2[%add3A, %dma_start3A_63, %dma_start3A_64] : memref<32x200x128xi32, #tpu.memory_space<hbm>> -> memref<1x200x128xi32, #tpu.memory_space<hbm>>
      %dma_start3A_66 = tpu.memref_squeeze %dma_start3A_65 : memref<1x200x128xi32, #tpu.memory_space<hbm>> -> memref<200x128xi32, #tpu.memory_space<hbm>>
      tpu.enqueue_dma source(%dma_start3A_66 : memref<200x128xi32, #tpu.memory_space<hbm>>) target(%arg6 : memref<200x128xi32, #tpu.memory_space<vmem>>) target_semaphore(%run_scoped3A : memref<!tpu.dma_semaphore, #tpu.memory_space<semaphore_mem>>)
      %dma_wait3A_67 = arith.constant 0 : i32
      %dma_wait3A_68 = arith.constant 0 : i32
      %dma_wait3A_69 = tpu.memref_slice %arg2[%add3A, %dma_wait3A_67, %dma_wait3A_68] : memref<32x200x128xi32, #tpu.memory_space<hbm>> -> memref<1x200x128xi32, #tpu.memory_space<hbm>>
      %dma_wait3A_70 = tpu.memref_squeeze %dma_wait3A_69 : memref<1x200x128xi32, #tpu.memory_space<hbm>> -> memref<200x128xi32, #tpu.memory_space<hbm>>
      %dma_wait3A_71 = arith.constant 0 : i32
      %dma_wait3A_72 = arith.constant 0 : i32
      %dma_wait3A_73 = tpu.memref_slice %arg2[%add3A, %dma_wait3A_71, %dma_wait3A_72] : memref<32x200x128xi32, #tpu.memory_space<hbm>> -> memref<1x200x128xi32, #tpu.memory_space<hbm>>
      %dma_wait3A_74 = tpu.memref_squeeze %dma_wait3A_73 : memref<1x200x128xi32, #tpu.memory_space<hbm>> -> memref<200x128xi32, #tpu.memory_space<hbm>>
      tpu.wait_dma2 semaphore(%run_scoped3A : memref<!tpu.dma_semaphore, #tpu.memory_space<semaphore_mem>>) src(%dma_wait3A_74 : memref<200x128xi32, #tpu.memory_space<hbm>>) dst(%arg6 : memref<200x128xi32, #tpu.memory_space<vmem>>)
      tpu.yield
    }) : () -> ()
    "tpu.region"() ({
      %run_scoped3A = tpu.sem_alloc : memref<!tpu.dma_semaphore, #tpu.memory_space<semaphore_mem>>
      tpu.enqueue_dma source(%arg4 : memref<400x64xf32, #tpu.memory_space<hbm>>) target(%arg7 : memref<400x64xf32, #tpu.memory_space<vmem>>) target_semaphore(%run_scoped3A : memref<!tpu.dma_semaphore, #tpu.memory_space<semaphore_mem>>)
      tpu.wait_dma2 semaphore(%run_scoped3A : memref<!tpu.dma_semaphore, #tpu.memory_space<semaphore_mem>>) src(%arg4 : memref<400x64xf32, #tpu.memory_space<hbm>>) dst(%arg7 : memref<400x64xf32, #tpu.memory_space<vmem>>)
      tpu.yield
    }) : () -> ()
    %mul3A_1 = arith.constant 25600 : i32
    %mul3A_2 = arith.muli %add3A, %mul3A_1 : i32
    %dma_start3A = arith.constant 0 : i32
    %dma_start3A_3 = arith.constant 0 : i32
    %dma_start3A_4 = tpu.memref_slice %arg6[%dma_start3A, %dma_start3A_3] : memref<200x128xi32, #tpu.memory_space<vmem>> -> memref<1x128xi32, #tpu.memory_space<vmem>>
    %dma_start3A_5 = tpu.memref_squeeze %dma_start3A_4 : memref<1x128xi32, #tpu.memory_space<vmem>> -> memref<128xi32, #tpu.memory_space<vmem>>
    %dma_start3A_6 = arith.constant 0 : i32
    %dma_start3A_7 = arith.constant 0 : i32
    %dma_start3A_8 = tpu.memref_slice %arg3[%dma_start3A_6, %dma_start3A_7] : memref<1000000x64xf32, #tpu.memory_space<hbm>> -> memref<1000000x64xf32, #tpu.memory_space<hbm>>
    tpu.enqueue_indirect_dma source(%dma_start3A_8 : memref<1000000x64xf32, #tpu.memory_space<hbm>>) target(%arg8 : memref<128x64xf32, #tpu.memory_space<vmem>>) offsets(%dma_start3A_5 : memref<128xi32, #tpu.memory_space<vmem>>) semaphore(%arg16 : memref<!tpu.dma_semaphore, #tpu.memory_space<semaphore_mem>>)
    %dma_start3A_9 = arith.constant 1 : i32
    %dma_start3A_10 = arith.constant 0 : i32
    %dma_start3A_11 = tpu.memref_slice %arg6[%dma_start3A_9, %dma_start3A_10] : memref<200x128xi32, #tpu.memory_space<vmem>> -> memref<1x128xi32, #tpu.memory_space<vmem>>
    %dma_start3A_12 = tpu.memref_squeeze %dma_start3A_11 : memref<1x128xi32, #tpu.memory_space<vmem>> -> memref<128xi32, #tpu.memory_space<vmem>>
    %dma_start3A_13 = arith.constant 0 : i32
    %dma_start3A_14 = arith.constant 0 : i32
    %dma_start3A_15 = tpu.memref_slice %arg3[%dma_start3A_13, %dma_start3A_14] : memref<1000000x64xf32, #tpu.memory_space<hbm>> -> memref<1000000x64xf32, #tpu.memory_space<hbm>>
    tpu.enqueue_indirect_dma source(%dma_start3A_15 : memref<1000000x64xf32, #tpu.memory_space<hbm>>) target(%arg9 : memref<128x64xf32, #tpu.memory_space<vmem>>) offsets(%dma_start3A_12 : memref<128xi32, #tpu.memory_space<vmem>>) semaphore(%arg17 : memref<!tpu.dma_semaphore, #tpu.memory_space<semaphore_mem>>)
    %dma_start3A_16 = arith.constant 2 : i32
    %dma_start3A_17 = arith.constant 0 : i32
    %dma_start3A_18 = tpu.memref_slice %arg6[%dma_start3A_16, %dma_start3A_17] : memref<200x128xi32, #tpu.memory_space<vmem>> -> memref<1x128xi32, #tpu.memory_space<vmem>>
    %dma_start3A_19 = tpu.memref_squeeze %dma_start3A_18 : memref<1x128xi32, #tpu.memory_space<vmem>> -> memref<128xi32, #tpu.memory_space<vmem>>
    %dma_start3A_20 = arith.constant 0 : i32
    %dma_start3A_21 = arith.constant 0 : i32
    %dma_start3A_22 = tpu.memref_slice %arg3[%dma_start3A_20, %dma_start3A_21] : memref<1000000x64xf32, #tpu.memory_space<hbm>> -> memref<1000000x64xf32, #tpu.memory_space<hbm>>
    tpu.enqueue_indirect_dma source(%dma_start3A_22 : memref<1000000x64xf32, #tpu.memory_space<hbm>>) target(%arg10 : memref<128x64xf32, #tpu.memory_space<vmem>>) offsets(%dma_start3A_19 : memref<128xi32, #tpu.memory_space<vmem>>) semaphore(%arg18 : memref<!tpu.dma_semaphore, #tpu.memory_space<semaphore_mem>>)
    %dma_start3A_23 = arith.constant 3 : i32
    %dma_start3A_24 = arith.constant 0 : i32
    %dma_start3A_25 = tpu.memref_slice %arg6[%dma_start3A_23, %dma_start3A_24] : memref<200x128xi32, #tpu.memory_space<vmem>> -> memref<1x128xi32, #tpu.memory_space<vmem>>
    %dma_start3A_26 = tpu.memref_squeeze %dma_start3A_25 : memref<1x128xi32, #tpu.memory_space<vmem>> -> memref<128xi32, #tpu.memory_space<vmem>>
    %dma_start3A_27 = arith.constant 0 : i32
    %dma_start3A_28 = arith.constant 0 : i32
    %dma_start3A_29 = tpu.memref_slice %arg3[%dma_start3A_27, %dma_start3A_28] : memref<1000000x64xf32, #tpu.memory_space<hbm>> -> memref<1000000x64xf32, #tpu.memory_space<hbm>>
    tpu.enqueue_indirect_dma source(%dma_start3A_29 : memref<1000000x64xf32, #tpu.memory_space<hbm>>) target(%arg11 : memref<128x64xf32, #tpu.memory_space<vmem>>) offsets(%dma_start3A_26 : memref<128xi32, #tpu.memory_space<vmem>>) semaphore(%arg19 : memref<!tpu.dma_semaphore, #tpu.memory_space<semaphore_mem>>)
    %dma_start3A_30 = arith.constant 4 : i32
    %dma_start3A_31 = arith.constant 0 : i32
    %dma_start3A_32 = tpu.memref_slice %arg6[%dma_start3A_30, %dma_start3A_31] : memref<200x128xi32, #tpu.memory_space<vmem>> -> memref<1x128xi32, #tpu.memory_space<vmem>>
    %dma_start3A_33 = tpu.memref_squeeze %dma_start3A_32 : memref<1x128xi32, #tpu.memory_space<vmem>> -> memref<128xi32, #tpu.memory_space<vmem>>
    %dma_start3A_34 = arith.constant 0 : i32
    %dma_start3A_35 = arith.constant 0 : i32
    %dma_start3A_36 = tpu.memref_slice %arg3[%dma_start3A_34, %dma_start3A_35] : memref<1000000x64xf32, #tpu.memory_space<hbm>> -> memref<1000000x64xf32, #tpu.memory_space<hbm>>
    tpu.enqueue_indirect_dma source(%dma_start3A_36 : memref<1000000x64xf32, #tpu.memory_space<hbm>>) target(%arg12 : memref<128x64xf32, #tpu.memory_space<vmem>>) offsets(%dma_start3A_33 : memref<128xi32, #tpu.memory_space<vmem>>) semaphore(%arg20 : memref<!tpu.dma_semaphore, #tpu.memory_space<semaphore_mem>>)
    %scan3A = arith.constant 0 : i32
    %scan3A_37 = arith.constant 0 : i32
    %scan3A_38 = arith.constant 25 : i32
    %scan3A_39 = arith.addi %scan3A_37, %scan3A_38 : i32
    %scan3A_40 = arith.constant 1 : i32
    scf.for %scan3A_59 = %scan3A_37 to %scan3A_39 step %scan3A_40  : i32 {
      %mul3A_60 = arith.constant 8 : i32
      %mul3A_61 = arith.muli %mul3A_60, %scan3A_59 : i32
      %add3A_62 = arith.constant 0 : i32
      %add3A_63 = arith.addi %mul3A_61, %add3A_62 : i32
      %ge3A = arith.constant 3 : i32
      %ge3A_64 = arith.cmpi sge, %add3A_63, %ge3A : i32
      %convert_element_type3A = arith.extui %ge3A_64 : i1 to i32
      %cond3A = arith.constant 0 : i32
      %cond3A_65 = arith.cmpi ne, %convert_element_type3A, %cond3A : i32
      scf.if %cond3A_65 {
        %sub3A = arith.constant 3 : i32
        %sub3A_449 = arith.subi %add3A_63, %sub3A : i32
        %mul3A_450 = arith.constant 128 : i32
        %mul3A_451 = arith.muli %sub3A_449, %mul3A_450 : i32
        %add3A_452 = arith.addi %mul3A_2, %mul3A_451 : i32
        %dma_wait3A_453 = arith.constant 0 : i32
        %dma_wait3A_454 = tpu.memref_slice %arg5[%add3A_452, %dma_wait3A_453] : memref<819200x64xf32, #tpu.memory_space<hbm>> -> memref<128x64xf32, #tpu.memory_space<hbm>>
        %dma_wait3A_455 = arith.constant 0 : i32
        %dma_wait3A_456 = tpu.memref_slice %arg5[%add3A_452, %dma_wait3A_455] : memref<819200x64xf32, #tpu.memory_space<hbm>> -> memref<128x64xf32, #tpu.memory_space<hbm>>
        tpu.wait_dma2 semaphore(%arg29 : memref<!tpu.dma_semaphore, #tpu.memory_space<semaphore_mem>>) src(%arg13 : memref<128x64xf32, #tpu.memory_space<vmem>>) dst(%dma_wait3A_456 : memref<128x64xf32, #tpu.memory_space<hbm>>)
      } else {
      }
      %add3A_66 = arith.constant 5 : i32
      %add3A_67 = arith.addi %add3A_63, %add3A_66 : i32
      %lt3A = arith.constant 200 : i32
      %lt3A_68 = arith.cmpi slt, %add3A_67, %lt3A : i32
      %convert_element_type3A_69 = arith.extui %lt3A_68 : i1 to i32
      %cond3A_70 = arith.constant 0 : i32
      %cond3A_71 = arith.cmpi ne, %convert_element_type3A_69, %cond3A_70 : i32
      scf.if %cond3A_71 {
        %add3A_449 = arith.constant 5 : i32
        %add3A_450 = arith.addi %add3A_63, %add3A_449 : i32
        %dma_start3A_451 = arith.constant 0 : i32
        %dma_start3A_452 = tpu.memref_slice %arg6[%add3A_450, %dma_start3A_451] : memref<200x128xi32, #tpu.memory_space<vmem>> -> memref<1x128xi32, #tpu.memory_space<vmem>>
        %dma_start3A_453 = tpu.memref_squeeze %dma_start3A_452 : memref<1x128xi32, #tpu.memory_space<vmem>> -> memref<128xi32, #tpu.memory_space<vmem>>
        %dma_start3A_454 = arith.constant 0 : i32
        %dma_start3A_455 = arith.constant 0 : i32
        %dma_start3A_456 = tpu.memref_slice %arg3[%dma_start3A_454, %dma_start3A_455] : memref<1000000x64xf32, #tpu.memory_space<hbm>> -> memref<1000000x64xf32, #tpu.memory_space<hbm>>
        tpu.enqueue_indirect_dma source(%dma_start3A_456 : memref<1000000x64xf32, #tpu.memory_space<hbm>>) target(%arg13 : memref<128x64xf32, #tpu.memory_space<vmem>>) offsets(%dma_start3A_453 : memref<128xi32, #tpu.memory_space<vmem>>) semaphore(%arg21 : memref<!tpu.dma_semaphore, #tpu.memory_space<semaphore_mem>>)
      } else {
      }
      %dma_wait3A_72 = arith.constant 0 : i32
      %dma_wait3A_73 = tpu.memref_slice %arg6[%add3A_63, %dma_wait3A_72] : memref<200x128xi32, #tpu.memory_space<vmem>> -> memref<1x128xi32, #tpu.memory_space<vmem>>
      %dma_wait3A_74 = tpu.memref_squeeze %dma_wait3A_73 : memref<1x128xi32, #tpu.memory_space<vmem>> -> memref<128xi32, #tpu.memory_space<vmem>>
      %dma_wait3A_75 = arith.constant 0 : i32
      %dma_wait3A_76 = arith.constant 0 : i32
      %dma_wait3A_77 = tpu.memref_slice %arg3[%dma_wait3A_75, %dma_wait3A_76] : memref<1000000x64xf32, #tpu.memory_space<hbm>> -> memref<1000000x64xf32, #tpu.memory_space<hbm>>
      tpu.wait_indirect_dma semaphore(%arg16 : memref<!tpu.dma_semaphore, #tpu.memory_space<semaphore_mem>>) src(%dma_wait3A_77 : memref<1000000x64xf32, #tpu.memory_space<hbm>>) dst(%arg8 : memref<128x64xf32, #tpu.memory_space<vmem>>)
      %mul3A_78 = arith.constant 128 : i32
      %mul3A_79 = arith.muli %add3A_63, %mul3A_78 : i32
      %jit3A = arith.constant 200 : i32
      %eq3A = arith.constant 0 : i32
      %eq3A_80 = arith.cmpi eq, %jit3A, %eq3A : i32
      %jit3A_81 = arith.constant 1 : i32
      %select_n3A = arith.select %eq3A_80, %jit3A_81, %jit3A : i32
      %rem3A = arith.remsi %mul3A_79, %select_n3A : i32
      %ne3A = arith.constant 0 : i32
      %ne3A_82 = arith.cmpi ne, %rem3A, %ne3A : i32
      %lt3A_83 = arith.constant 0 : i32
      %lt3A_84 = arith.cmpi slt, %rem3A, %lt3A_83 : i32
      %lt3A_85 = arith.constant 0 : i32
      %lt3A_86 = arith.cmpi slt, %select_n3A, %lt3A_85 : i32
      %ne3A_87 = arith.xori %lt3A_84, %lt3A_86 : i1
      %and3A = arith.andi %ne3A_87, %ne3A_82 : i1
      %add3A_88 = arith.addi %rem3A, %select_n3A : i32
      %select_n3A_89 = arith.select %and3A, %add3A_88, %rem3A : i32
      %parallel_loop3A = arith.constant 0 : i32
      %parallel_loop3A_90 = arith.constant 128 : i32
      %parallel_loop3A_91 = arith.constant 1 : i32
      scf.for %parallel_loop3A_449 = %parallel_loop3A to %parallel_loop3A_90 step %parallel_loop3A_91  : i32 {
        %parallel_loop3A_450 = arith.index_cast %parallel_loop3A_449 : i32 to index
        %parallel_loop3A_451 = arith.constant 0 : index
        %parallel_loop3A_452 = tpu.vector_load %arg8[%parallel_loop3A_450, %parallel_loop3A_451] {strides = array<i32>} : memref<128x64xf32, #tpu.memory_space<vmem>>, vector<1x16xf32>,
        %parallel_loop3A_453 = vector.shape_cast %parallel_loop3A_452 : vector<1x16xf32> to vector<16xf32>
        %parallel_loop3A_454 = arith.addi %select_n3A_89, %parallel_loop3A_449 : i32
        %parallel_loop3A_455 = arith.index_cast %parallel_loop3A_454 : i32 to index
        %parallel_loop3A_456 = arith.constant 0 : index
        %parallel_loop3A_457 = tpu.vector_load %arg7[%parallel_loop3A_455, %parallel_loop3A_456] {strides = array<i32>} : memref<400x64xf32, #tpu.memory_space<vmem>>, vector<1x16xf32>,
        %parallel_loop3A_458 = vector.shape_cast %parallel_loop3A_457 : vector<1x16xf32> to vector<16xf32>
        %parallel_loop3A_459 = arith.addf %parallel_loop3A_453, %parallel_loop3A_458 : vector<16xf32>
        %parallel_loop3A_460 = arith.index_cast %parallel_loop3A_449 : i32 to index
        %parallel_loop3A_461 = arith.constant 0 : index
        %parallel_loop3A_462 = tpu.vector_load %arg8[%parallel_loop3A_460, %parallel_loop3A_461] {strides = array<i32>} : memref<128x64xf32, #tpu.memory_space<vmem>>, vector<1x16xf32>,
        %parallel_loop3A_463 = vector.shape_cast %parallel_loop3A_462 : vector<1x16xf32> to vector<16xf32>
        %parallel_loop3A_464 = vector.shape_cast %parallel_loop3A_459 : vector<16xf32> to vector<1x16xf32>
        tpu.vector_store %arg8[%parallel_loop3A_460, %parallel_loop3A_461], %parallel_loop3A_464 {strides = array<i32>} : memref<128x64xf32, #tpu.memory_space<vmem>>, vector<1x16xf32>,
        %parallel_loop3A_465 = arith.index_cast %parallel_loop3A_449 : i32 to index
        %parallel_loop3A_466 = arith.constant 16 : index
        %parallel_loop3A_467 = tpu.vector_load %arg8[%parallel_loop3A_465, %parallel_loop3A_466] {strides = array<i32>} : memref<128x64xf32, #tpu.memory_space<vmem>>, vector<1x16xf32>,
        %parallel_loop3A_468 = vector.shape_cast %parallel_loop3A_467 : vector<1x16xf32> to vector<16xf32>
        %parallel_loop3A_469 = arith.addi %select_n3A_89, %parallel_loop3A_449 : i32
        %parallel_loop3A_470 = arith.index_cast %parallel_loop3A_469 : i32 to index
        %parallel_loop3A_471 = arith.constant 16 : index
        %parallel_loop3A_472 = tpu.vector_load %arg7[%parallel_loop3A_470, %parallel_loop3A_471] {strides = array<i32>} : memref<400x64xf32, #tpu.memory_space<vmem>>, vector<1x16xf32>,
        %parallel_loop3A_473 = vector.shape_cast %parallel_loop3A_472 : vector<1x16xf32> to vector<16xf32>
        %parallel_loop3A_474 = arith.addf %parallel_loop3A_468, %parallel_loop3A_473 : vector<16xf32>
        %parallel_loop3A_475 = arith.index_cast %parallel_loop3A_449 : i32 to index
        %parallel_loop3A_476 = arith.constant 16 : index
        %parallel_loop3A_477 = tpu.vector_load %arg8[%parallel_loop3A_475, %parallel_loop3A_476] {strides = array<i32>} : memref<128x64xf32, #tpu.memory_space<vmem>>, vector<1x16xf32>,
        %parallel_loop3A_478 = vector.shape_cast %parallel_loop3A_477 : vector<1x16xf32> to vector<16xf32>
        %parallel_loop3A_479 = vector.shape_cast %parallel_loop3A_474 : vector<16xf32> to vector<1x16xf32>
        tpu.vector_store %arg8[%parallel_loop3A_475, %parallel_loop3A_476], %parallel_loop3A_479 {strides = array<i32>} : memref<128x64xf32, #tpu.memory_space<vmem>>, vector<1x16xf32>,
        %parallel_loop3A_480 = arith.index_cast %parallel_loop3A_449 : i32 to index
        %parallel_loop3A_481 = arith.constant 32 : index
        %parallel_loop3A_482 = tpu.vector_load %arg8[%parallel_loop3A_480, %parallel_loop3A_481] {strides = array<i32>} : memref<128x64xf32, #tpu.memory_space<vmem>>, vector<1x16xf32>,
        %parallel_loop3A_483 = vector.shape_cast %parallel_loop3A_482 : vector<1x16xf32> to vector<16xf32>
        %parallel_loop3A_484 = arith.addi %select_n3A_89, %parallel_loop3A_449 : i32
        %parallel_loop3A_485 = arith.index_cast %parallel_loop3A_484 : i32 to index
        %parallel_loop3A_486 = arith.constant 32 : index
        %parallel_loop3A_487 = tpu.vector_load %arg7[%parallel_loop3A_485, %parallel_loop3A_486] {strides = array<i32>} : memref<400x64xf32, #tpu.memory_space<vmem>>, vector<1x16xf32>,
        %parallel_loop3A_488 = vector.shape_cast %parallel_loop3A_487 : vector<1x16xf32> to vector<16xf32>
        %parallel_loop3A_489 = arith.addf %parallel_loop3A_483, %parallel_loop3A_488 : vector<16xf32>
        %parallel_loop3A_490 = arith.index_cast %parallel_loop3A_449 : i32 to index
        %parallel_loop3A_491 = arith.constant 32 : index
        %parallel_loop3A_492 = tpu.vector_load %arg8[%parallel_loop3A_490, %parallel_loop3A_491] {strides = array<i32>} : memref<128x64xf32, #tpu.memory_space<vmem>>, vector<1x16xf32>,
        %parallel_loop3A_493 = vector.shape_cast %parallel_loop3A_492 : vector<1x16xf32> to vector<16xf32>
        %parallel_loop3A_494 = vector.shape_cast %parallel_loop3A_489 : vector<16xf32> to vector<1x16xf32>
        tpu.vector_store %arg8[%parallel_loop3A_490, %parallel_loop3A_491], %parallel_loop3A_494 {strides = array<i32>} : memref<128x64xf32, #tpu.memory_space<vmem>>, vector<1x16xf32>,
        %parallel_loop3A_495 = arith.index_cast %parallel_loop3A_449 : i32 to index
        %parallel_loop3A_496 = arith.constant 48 : index
        %parallel_loop3A_497 = tpu.vector_load %arg8[%parallel_loop3A_495, %parallel_loop3A_496] {strides = array<i32>} : memref<128x64xf32, #tpu.memory_space<vmem>>, vector<1x16xf32>,
        %parallel_loop3A_498 = vector.shape_cast %parallel_loop3A_497 : vector<1x16xf32> to vector<16xf32>
        %parallel_loop3A_499 = arith.addi %select_n3A_89, %parallel_loop3A_449 : i32
        %parallel_loop3A_500 = arith.index_cast %parallel_loop3A_499 : i32 to index
        %parallel_loop3A_501 = arith.constant 48 : index
        %parallel_loop3A_502 = tpu.vector_load %arg7[%parallel_loop3A_500, %parallel_loop3A_501] {strides = array<i32>} : memref<400x64xf32, #tpu.memory_space<vmem>>, vector<1x16xf32>,
        %parallel_loop3A_503 = vector.shape_cast %parallel_loop3A_502 : vector<1x16xf32> to vector<16xf32>
        %parallel_loop3A_504 = arith.addf %parallel_loop3A_498, %parallel_loop3A_503 : vector<16xf32>
        %parallel_loop3A_505 = arith.index_cast %parallel_loop3A_449 : i32 to index
        %parallel_loop3A_506 = arith.constant 48 : index
        %parallel_loop3A_507 = tpu.vector_load %arg8[%parallel_loop3A_505, %parallel_loop3A_506] {strides = array<i32>} : memref<128x64xf32, #tpu.memory_space<vmem>>, vector<1x16xf32>,
        %parallel_loop3A_508 = vector.shape_cast %parallel_loop3A_507 : vector<1x16xf32> to vector<16xf32>
        %parallel_loop3A_509 = vector.shape_cast %parallel_loop3A_504 : vector<16xf32> to vector<1x16xf32>
        tpu.vector_store %arg8[%parallel_loop3A_505, %parallel_loop3A_506], %parallel_loop3A_509 {strides = array<i32>} : memref<128x64xf32, #tpu.memory_space<vmem>>, vector<1x16xf32>,
      } {sc.loop_unroll_factor = 8 : i64, sc.parallel_access}
      %mul3A_92 = arith.constant 128 : i32
      %mul3A_93 = arith.muli %add3A_63, %mul3A_92 : i32
      %add3A_94 = arith.addi %mul3A_2, %mul3A_93 : i32
      %dma_start3A_95 = arith.constant 0 : i32
      %dma_start3A_96 = tpu.memref_slice %arg5[%add3A_94, %dma_start3A_95] : memref<819200x64xf32, #tpu.memory_space<hbm>> -> memref<128x64xf32, #tpu.memory_space<hbm>>
      %dma_start3A_97 = arith.constant 0 : i32
      %dma_start3A_98 = tpu.memref_slice %arg5[%add3A_94, %dma_start3A_97] : memref<819200x64xf32, #tpu.memory_space<hbm>> -> memref<128x64xf32, #tpu.memory_space<hbm>>
      tpu.enqueue_dma source(%arg8 : memref<128x64xf32, #tpu.memory_space<vmem>>) target(%dma_start3A_98 : memref<128x64xf32, #tpu.memory_space<hbm>>) target_semaphore(%arg24 : memref<!tpu.dma_semaphore, #tpu.memory_space<semaphore_mem>>)
      %mul3A_99 = arith.constant 8 : i32
      %mul3A_100 = arith.muli %mul3A_99, %scan3A_59 : i32
      %add3A_101 = arith.constant 1 : i32
      %add3A_102 = arith.addi %mul3A_100, %add3A_101 : i32
      %ge3A_103 = arith.constant 3 : i32
      %ge3A_104 = arith.cmpi sge, %add3A_102, %ge3A_103 : i32
      %convert_element_type3A_105 = arith.extui %ge3A_104 : i1 to i32
      %cond3A_106 = arith.constant 0 : i32
      %cond3A_107 = arith.cmpi ne, %convert_element_type3A_105, %cond3A_106 : i32
      scf.if %cond3A_107 {
        %sub3A = arith.constant 3 : i32
        %sub3A_449 = arith.subi %add3A_102, %sub3A : i32
        %mul3A_450 = arith.constant 128 : i32
        %mul3A_451 = arith.muli %sub3A_449, %mul3A_450 : i32
        %add3A_452 = arith.addi %mul3A_2, %mul3A_451 : i32
        %dma_wait3A_453 = arith.constant 0 : i32
        %dma_wait3A_454 = tpu.memref_slice %arg5[%add3A_452, %dma_wait3A_453] : memref<819200x64xf32, #tpu.memory_space<hbm>> -> memref<128x64xf32, #tpu.memory_space<hbm>>
        %dma_wait3A_455 = arith.constant 0 : i32
        %dma_wait3A_456 = tpu.memref_slice %arg5[%add3A_452, %dma_wait3A_455] : memref<819200x64xf32, #tpu.memory_space<hbm>> -> memref<128x64xf32, #tpu.memory_space<hbm>>
        tpu.wait_dma2 semaphore(%arg30 : memref<!tpu.dma_semaphore, #tpu.memory_space<semaphore_mem>>) src(%arg14 : memref<128x64xf32, #tpu.memory_space<vmem>>) dst(%dma_wait3A_456 : memref<128x64xf32, #tpu.memory_space<hbm>>)
      } else {
      }
      %add3A_108 = arith.constant 5 : i32
      %add3A_109 = arith.addi %add3A_102, %add3A_108 : i32
      %lt3A_110 = arith.constant 200 : i32
      %lt3A_111 = arith.cmpi slt, %add3A_109, %lt3A_110 : i32
      %convert_element_type3A_112 = arith.extui %lt3A_111 : i1 to i32
      %cond3A_113 = arith.constant 0 : i32
      %cond3A_114 = arith.cmpi ne, %convert_element_type3A_112, %cond3A_113 : i32
      scf.if %cond3A_114 {
        %add3A_449 = arith.constant 5 : i32
        %add3A_450 = arith.addi %add3A_102, %add3A_449 : i32
        %dma_start3A_451 = arith.constant 0 : i32
        %dma_start3A_452 = tpu.memref_slice %arg6[%add3A_450, %dma_start3A_451] : memref<200x128xi32, #tpu.memory_space<vmem>> -> memref<1x128xi32, #tpu.memory_space<vmem>>
        %dma_start3A_453 = tpu.memref_squeeze %dma_start3A_452 : memref<1x128xi32, #tpu.memory_space<vmem>> -> memref<128xi32, #tpu.memory_space<vmem>>
        %dma_start3A_454 = arith.constant 0 : i32
        %dma_start3A_455 = arith.constant 0 : i32
        %dma_start3A_456 = tpu.memref_slice %arg3[%dma_start3A_454, %dma_start3A_455] : memref<1000000x64xf32, #tpu.memory_space<hbm>> -> memref<1000000x64xf32, #tpu.memory_space<hbm>>
        tpu.enqueue_indirect_dma source(%dma_start3A_456 : memref<1000000x64xf32, #tpu.memory_space<hbm>>) target(%arg14 : memref<128x64xf32, #tpu.memory_space<vmem>>) offsets(%dma_start3A_453 : memref<128xi32, #tpu.memory_space<vmem>>) semaphore(%arg22 : memref<!tpu.dma_semaphore, #tpu.memory_space<semaphore_mem>>)
      } else {
      }
      %dma_wait3A_115 = arith.constant 0 : i32
      %dma_wait3A_116 = tpu.memref_slice %arg6[%add3A_102, %dma_wait3A_115] : memref<200x128xi32, #tpu.memory_space<vmem>> -> memref<1x128xi32, #tpu.memory_space<vmem>>
      %dma_wait3A_117 = tpu.memref_squeeze %dma_wait3A_116 : memref<1x128xi32, #tpu.memory_space<vmem>> -> memref<128xi32, #tpu.memory_space<vmem>>
      %dma_wait3A_118 = arith.constant 0 : i32
      %dma_wait3A_119 = arith.constant 0 : i32
      %dma_wait3A_120 = tpu.memref_slice %arg3[%dma_wait3A_118, %dma_wait3A_119] : memref<1000000x64xf32, #tpu.memory_space<hbm>> -> memref<1000000x64xf32, #tpu.memory_space<hbm>>
      tpu.wait_indirect_dma semaphore(%arg17 : memref<!tpu.dma_semaphore, #tpu.memory_space<semaphore_mem>>) src(%dma_wait3A_120 : memref<1000000x64xf32, #tpu.memory_space<hbm>>) dst(%arg9 : memref<128x64xf32, #tpu.memory_space<vmem>>)
      %mul3A_121 = arith.constant 128 : i32
      %mul3A_122 = arith.muli %add3A_102, %mul3A_121 : i32
      %jit3A_123 = arith.constant 200 : i32
      %eq3A_124 = arith.constant 0 : i32
      %eq3A_125 = arith.cmpi eq, %jit3A_123, %eq3A_124 : i32
      %jit3A_126 = arith.constant 1 : i32
      %select_n3A_127 = arith.select %eq3A_125, %jit3A_126, %jit3A_123 : i32
      %rem3A_128 = arith.remsi %mul3A_122, %select_n3A_127 : i32
      %ne3A_129 = arith.constant 0 : i32
      %ne3A_130 = arith.cmpi ne, %rem3A_128, %ne3A_129 : i32
      %lt3A_131 = arith.constant 0 : i32
      %lt3A_132 = arith.cmpi slt, %rem3A_128, %lt3A_131 : i32
      %lt3A_133 = arith.constant 0 : i32
      %lt3A_134 = arith.cmpi slt, %select_n3A_127, %lt3A_133 : i32
      %ne3A_135 = arith.xori %lt3A_132, %lt3A_134 : i1
      %and3A_136 = arith.andi %ne3A_135, %ne3A_130 : i1
      %add3A_137 = arith.addi %rem3A_128, %select_n3A_127 : i32
      %select_n3A_138 = arith.select %and3A_136, %add3A_137, %rem3A_128 : i32
      %parallel_loop3A_139 = arith.constant 0 : i32
      %parallel_loop3A_140 = arith.constant 128 : i32
      %parallel_loop3A_141 = arith.constant 1 : i32
      scf.for %parallel_loop3A_449 = %parallel_loop3A_139 to %parallel_loop3A_140 step %parallel_loop3A_141  : i32 {
        %parallel_loop3A_450 = arith.index_cast %parallel_loop3A_449 : i32 to index
        %parallel_loop3A_451 = arith.constant 0 : index
        %parallel_loop3A_452 = tpu.vector_load %arg9[%parallel_loop3A_450, %parallel_loop3A_451] {strides = array<i32>} : memref<128x64xf32, #tpu.memory_space<vmem>>, vector<1x16xf32>,
        %parallel_loop3A_453 = vector.shape_cast %parallel_loop3A_452 : vector<1x16xf32> to vector<16xf32>
        %parallel_loop3A_454 = arith.addi %select_n3A_138, %parallel_loop3A_449 : i32
        %parallel_loop3A_455 = arith.index_cast %parallel_loop3A_454 : i32 to index
        %parallel_loop3A_456 = arith.constant 0 : index
        %parallel_loop3A_457 = tpu.vector_load %arg7[%parallel_loop3A_455, %parallel_loop3A_456] {strides = array<i32>} : memref<400x64xf32, #tpu.memory_space<vmem>>, vector<1x16xf32>,
        %parallel_loop3A_458 = vector.shape_cast %parallel_loop3A_457 : vector<1x16xf32> to vector<16xf32>
        %parallel_loop3A_459 = arith.addf %parallel_loop3A_453, %parallel_loop3A_458 : vector<16xf32>
        %parallel_loop3A_460 = arith.index_cast %parallel_loop3A_449 : i32 to index
        %parallel_loop3A_461 = arith.constant 0 : index
        %parallel_loop3A_462 = tpu.vector_load %arg9[%parallel_loop3A_460, %parallel_loop3A_461] {strides = array<i32>} : memref<128x64xf32, #tpu.memory_space<vmem>>, vector<1x16xf32>,
        %parallel_loop3A_463 = vector.shape_cast %parallel_loop3A_462 : vector<1x16xf32> to vector<16xf32>
        %parallel_loop3A_464 = vector.shape_cast %parallel_loop3A_459 : vector<16xf32> to vector<1x16xf32>
        tpu.vector_store %arg9[%parallel_loop3A_460, %parallel_loop3A_461], %parallel_loop3A_464 {strides = array<i32>} : memref<128x64xf32, #tpu.memory_space<vmem>>, vector<1x16xf32>,
        %parallel_loop3A_465 = arith.index_cast %parallel_loop3A_449 : i32 to index
        %parallel_loop3A_466 = arith.constant 16 : index
        %parallel_loop3A_467 = tpu.vector_load %arg9[%parallel_loop3A_465, %parallel_loop3A_466] {strides = array<i32>} : memref<128x64xf32, #tpu.memory_space<vmem>>, vector<1x16xf32>,
        %parallel_loop3A_468 = vector.shape_cast %parallel_loop3A_467 : vector<1x16xf32> to vector<16xf32>
        %parallel_loop3A_469 = arith.addi %select_n3A_138, %parallel_loop3A_449 : i32
        %parallel_loop3A_470 = arith.index_cast %parallel_loop3A_469 : i32 to index
        %parallel_loop3A_471 = arith.constant 16 : index
        %parallel_loop3A_472 = tpu.vector_load %arg7[%parallel_loop3A_470, %parallel_loop3A_471] {strides = array<i32>} : memref<400x64xf32, #tpu.memory_space<vmem>>, vector<1x16xf32>,
        %parallel_loop3A_473 = vector.shape_cast %parallel_loop3A_472 : vector<1x16xf32> to vector<16xf32>
        %parallel_loop3A_474 = arith.addf %parallel_loop3A_468, %parallel_loop3A_473 : vector<16xf32>
        %parallel_loop3A_475 = arith.index_cast %parallel_loop3A_449 : i32 to index
        %parallel_loop3A_476 = arith.constant 16 : index
        %parallel_loop3A_477 = tpu.vector_load %arg9[%parallel_loop3A_475, %parallel_loop3A_476] {strides = array<i32>} : memref<128x64xf32, #tpu.memory_space<vmem>>, vector<1x16xf32>,
        %parallel_loop3A_478 = vector.shape_cast %parallel_loop3A_477 : vector<1x16xf32> to vector<16xf32>
        %parallel_loop3A_479 = vector.shape_cast %parallel_loop3A_474 : vector<16xf32> to vector<1x16xf32>
        tpu.vector_store %arg9[%parallel_loop3A_475, %parallel_loop3A_476], %parallel_loop3A_479 {strides = array<i32>} : memref<128x64xf32, #tpu.memory_space<vmem>>, vector<1x16xf32>,
        %parallel_loop3A_480 = arith.index_cast %parallel_loop3A_449 : i32 to index
        %parallel_loop3A_481 = arith.constant 32 : index
        %parallel_loop3A_482 = tpu.vector_load %arg9[%parallel_loop3A_480, %parallel_loop3A_481] {strides = array<i32>} : memref<128x64xf32, #tpu.memory_space<vmem>>, vector<1x16xf32>,
        %parallel_loop3A_483 = vector.shape_cast %parallel_loop3A_482 : vector<1x16xf32> to vector<16xf32>
        %parallel_loop3A_484 = arith.addi %select_n3A_138, %parallel_loop3A_449 : i32
        %parallel_loop3A_485 = arith.index_cast %parallel_loop3A_484 : i32 to index
        %parallel_loop3A_486 = arith.constant 32 : index
        %parallel_loop3A_487 = tpu.vector_load %arg7[%parallel_loop3A_485, %parallel_loop3A_486] {strides = array<i32>} : memref<400x64xf32, #tpu.memory_space<vmem>>, vector<1x16xf32>,
        %parallel_loop3A_488 = vector.shape_cast %parallel_loop3A_487 : vector<1x16xf32> to vector<16xf32>
        %parallel_loop3A_489 = arith.addf %parallel_loop3A_483, %parallel_loop3A_488 : vector<16xf32>
        %parallel_loop3A_490 = arith.index_cast %parallel_loop3A_449 : i32 to index
        %parallel_loop3A_491 = arith.constant 32 : index
        %parallel_loop3A_492 = tpu.vector_load %arg9[%parallel_loop3A_490, %parallel_loop3A_491] {strides = array<i32>} : memref<128x64xf32, #tpu.memory_space<vmem>>, vector<1x16xf32>,
        %parallel_loop3A_493 = vector.shape_cast %parallel_loop3A_492 : vector<1x16xf32> to vector<16xf32>
        %parallel_loop3A_494 = vector.shape_cast %parallel_loop3A_489 : vector<16xf32> to vector<1x16xf32>
        tpu.vector_store %arg9[%parallel_loop3A_490, %parallel_loop3A_491], %parallel_loop3A_494 {strides = array<i32>} : memref<128x64xf32, #tpu.memory_space<vmem>>, vector<1x16xf32>,
        %parallel_loop3A_495 = arith.index_cast %parallel_loop3A_449 : i32 to index
        %parallel_loop3A_496 = arith.constant 48 : index
        %parallel_loop3A_497 = tpu.vector_load %arg9[%parallel_loop3A_495, %parallel_loop3A_496] {strides = array<i32>} : memref<128x64xf32, #tpu.memory_space<vmem>>, vector<1x16xf32>,
        %parallel_loop3A_498 = vector.shape_cast %parallel_loop3A_497 : vector<1x16xf32> to vector<16xf32>
        %parallel_loop3A_499 = arith.addi %select_n3A_138, %parallel_loop3A_449 : i32
        %parallel_loop3A_500 = arith.index_cast %parallel_loop3A_499 : i32 to index
        %parallel_loop3A_501 = arith.constant 48 : index
        %parallel_loop3A_502 = tpu.vector_load %arg7[%parallel_loop3A_500, %parallel_loop3A_501] {strides = array<i32>} : memref<400x64xf32, #tpu.memory_space<vmem>>, vector<1x16xf32>,
        %parallel_loop3A_503 = vector.shape_cast %parallel_loop3A_502 : vector<1x16xf32> to vector<16xf32>
        %parallel_loop3A_504 = arith.addf %parallel_loop3A_498, %parallel_loop3A_503 : vector<16xf32>
        %parallel_loop3A_505 = arith.index_cast %parallel_loop3A_449 : i32 to index
        %parallel_loop3A_506 = arith.constant 48 : index
        %parallel_loop3A_507 = tpu.vector_load %arg9[%parallel_loop3A_505, %parallel_loop3A_506] {strides = array<i32>} : memref<128x64xf32, #tpu.memory_space<vmem>>, vector<1x16xf32>,
        %parallel_loop3A_508 = vector.shape_cast %parallel_loop3A_507 : vector<1x16xf32> to vector<16xf32>
        %parallel_loop3A_509 = vector.shape_cast %parallel_loop3A_504 : vector<16xf32> to vector<1x16xf32>
        tpu.vector_store %arg9[%parallel_loop3A_505, %parallel_loop3A_506], %parallel_loop3A_509 {strides = array<i32>} : memref<128x64xf32, #tpu.memory_space<vmem>>, vector<1x16xf32>,
      } {sc.loop_unroll_factor = 8 : i64, sc.parallel_access}
      %mul3A_142 = arith.constant 128 : i32
      %mul3A_143 = arith.muli %add3A_102, %mul3A_142 : i32
      %add3A_144 = arith.addi %mul3A_2, %mul3A_143 : i32
      %dma_start3A_145 = arith.constant 0 : i32
      %dma_start3A_146 = tpu.memref_slice %arg5[%add3A_144, %dma_start3A_145] : memref<819200x64xf32, #tpu.memory_space<hbm>> -> memref<128x64xf32, #tpu.memory_space<hbm>>
      %dma_start3A_147 = arith.constant 0 : i32
      %dma_start3A_148 = tpu.memref_slice %arg5[%add3A_144, %dma_start3A_147] : memref<819200x64xf32, #tpu.memory_space<hbm>> -> memref<128x64xf32, #tpu.memory_space<hbm>>
      tpu.enqueue_dma source(%arg9 : memref<128x64xf32, #tpu.memory_space<vmem>>) target(%dma_start3A_148 : memref<128x64xf32, #tpu.memory_space<hbm>>) target_semaphore(%arg25 : memref<!tpu.dma_semaphore, #tpu.memory_space<semaphore_mem>>)
      %mul3A_149 = arith.constant 8 : i32
      %mul3A_150 = arith.muli %mul3A_149, %scan3A_59 : i32
      %add3A_151 = arith.constant 2 : i32
      %add3A_152 = arith.addi %mul3A_150, %add3A_151 : i32
      %ge3A_153 = arith.constant 3 : i32
      %ge3A_154 = arith.cmpi sge, %add3A_152, %ge3A_153 : i32
      %convert_element_type3A_155 = arith.extui %ge3A_154 : i1 to i32
      %cond3A_156 = arith.constant 0 : i32
      %cond3A_157 = arith.cmpi ne, %convert_element_type3A_155, %cond3A_156 : i32
      scf.if %cond3A_157 {
        %sub3A = arith.constant 3 : i32
        %sub3A_449 = arith.subi %add3A_152, %sub3A : i32
        %mul3A_450 = arith.constant 128 : i32
        %mul3A_451 = arith.muli %sub3A_449, %mul3A_450 : i32
        %add3A_452 = arith.addi %mul3A_2, %mul3A_451 : i32
        %dma_wait3A_453 = arith.constant 0 : i32
        %dma_wait3A_454 = tpu.memref_slice %arg5[%add3A_452, %dma_wait3A_453] : memref<819200x64xf32, #tpu.memory_space<hbm>> -> memref<128x64xf32, #tpu.memory_space<hbm>>
        %dma_wait3A_455 = arith.constant 0 : i32
        %dma_wait3A_456 = tpu.memref_slice %arg5[%add3A_452, %dma_wait3A_455] : memref<819200x64xf32, #tpu.memory_space<hbm>> -> memref<128x64xf32, #tpu.memory_space<hbm>>
        tpu.wait_dma2 semaphore(%arg31 : memref<!tpu.dma_semaphore, #tpu.memory_space<semaphore_mem>>) src(%arg15 : memref<128x64xf32, #tpu.memory_space<vmem>>) dst(%dma_wait3A_456 : memref<128x64xf32, #tpu.memory_space<hbm>>)
      } else {
      }
      %add3A_158 = arith.constant 5 : i32
      %add3A_159 = arith.addi %add3A_152, %add3A_158 : i32
      %lt3A_160 = arith.constant 200 : i32
      %lt3A_161 = arith.cmpi slt, %add3A_159, %lt3A_160 : i32
      %convert_element_type3A_162 = arith.extui %lt3A_161 : i1 to i32
      %cond3A_163 = arith.constant 0 : i32
      %cond3A_164 = arith.cmpi ne, %convert_element_type3A_162, %cond3A_163 : i32
      scf.if %cond3A_164 {
        %add3A_449 = arith.constant 5 : i32
        %add3A_450 = arith.addi %add3A_152, %add3A_449 : i32
        %dma_start3A_451 = arith.constant 0 : i32
        %dma_start3A_452 = tpu.memref_slice %arg6[%add3A_450, %dma_start3A_451] : memref<200x128xi32, #tpu.memory_space<vmem>> -> memref<1x128xi32, #tpu.memory_space<vmem>>
        %dma_start3A_453 = tpu.memref_squeeze %dma_start3A_452 : memref<1x128xi32, #tpu.memory_space<vmem>> -> memref<128xi32, #tpu.memory_space<vmem>>
        %dma_start3A_454 = arith.constant 0 : i32
        %dma_start3A_455 = arith.constant 0 : i32
        %dma_start3A_456 = tpu.memref_slice %arg3[%dma_start3A_454, %dma_start3A_455] : memref<1000000x64xf32, #tpu.memory_space<hbm>> -> memref<1000000x64xf32, #tpu.memory_space<hbm>>
        tpu.enqueue_indirect_dma source(%dma_start3A_456 : memref<1000000x64xf32, #tpu.memory_space<hbm>>) target(%arg15 : memref<128x64xf32, #tpu.memory_space<vmem>>) offsets(%dma_start3A_453 : memref<128xi32, #tpu.memory_space<vmem>>) semaphore(%arg23 : memref<!tpu.dma_semaphore, #tpu.memory_space<semaphore_mem>>)
      } else {
      }
      %dma_wait3A_165 = arith.constant 0 : i32
      %dma_wait3A_166 = tpu.memref_slice %arg6[%add3A_152, %dma_wait3A_165] : memref<200x128xi32, #tpu.memory_space<vmem>> -> memref<1x128xi32, #tpu.memory_space<vmem>>
      %dma_wait3A_167 = tpu.memref_squeeze %dma_wait3A_166 : memref<1x128xi32, #tpu.memory_space<vmem>> -> memref<128xi32, #tpu.memory_space<vmem>>
      %dma_wait3A_168 = arith.constant 0 : i32
      %dma_wait3A_169 = arith.constant 0 : i32
      %dma_wait3A_170 = tpu.memref_slice %arg3[%dma_wait3A_168, %dma_wait3A_169] : memref<1000000x64xf32, #tpu.memory_space<hbm>> -> memref<1000000x64xf32, #tpu.memory_space<hbm>>
      tpu.wait_indirect_dma semaphore(%arg18 : memref<!tpu.dma_semaphore, #tpu.memory_space<semaphore_mem>>) src(%dma_wait3A_170 : memref<1000000x64xf32, #tpu.memory_space<hbm>>) dst(%arg10 : memref<128x64xf32, #tpu.memory_space<vmem>>)
      %mul3A_171 = arith.constant 128 : i32
      %mul3A_172 = arith.muli %add3A_152, %mul3A_171 : i32
      %jit3A_173 = arith.constant 200 : i32
      %eq3A_174 = arith.constant 0 : i32
      %eq3A_175 = arith.cmpi eq, %jit3A_173, %eq3A_174 : i32
      %jit3A_176 = arith.constant 1 : i32
      %select_n3A_177 = arith.select %eq3A_175, %jit3A_176, %jit3A_173 : i32
      %rem3A_178 = arith.remsi %mul3A_172, %select_n3A_177 : i32
      %ne3A_179 = arith.constant 0 : i32
      %ne3A_180 = arith.cmpi ne, %rem3A_178, %ne3A_179 : i32
      %lt3A_181 = arith.constant 0 : i32
      %lt3A_182 = arith.cmpi slt, %rem3A_178, %lt3A_181 : i32
      %lt3A_183 = arith.constant 0 : i32
      %lt3A_184 = arith.cmpi slt, %select_n3A_177, %lt3A_183 : i32
      %ne3A_185 = arith.xori %lt3A_182, %lt3A_184 : i1
      %and3A_186 = arith.andi %ne3A_185, %ne3A_180 : i1
      %add3A_187 = arith.addi %rem3A_178, %select_n3A_177 : i32
      %select_n3A_188 = arith.select %and3A_186, %add3A_187, %rem3A_178 : i32
      %parallel_loop3A_189 = arith.constant 0 : i32
      %parallel_loop3A_190 = arith.constant 128 : i32
      %parallel_loop3A_191 = arith.constant 1 : i32
      scf.for %parallel_loop3A_449 = %parallel_loop3A_189 to %parallel_loop3A_190 step %parallel_loop3A_191  : i32 {
        %parallel_loop3A_450 = arith.index_cast %parallel_loop3A_449 : i32 to index
        %parallel_loop3A_451 = arith.constant 0 : index
        %parallel_loop3A_452 = tpu.vector_load %arg10[%parallel_loop3A_450, %parallel_loop3A_451] {strides = array<i32>} : memref<128x64xf32, #tpu.memory_space<vmem>>, vector<1x16xf32>,
        %parallel_loop3A_453 = vector.shape_cast %parallel_loop3A_452 : vector<1x16xf32> to vector<16xf32>
        %parallel_loop3A_454 = arith.addi %select_n3A_188, %parallel_loop3A_449 : i32
        %parallel_loop3A_455 = arith.index_cast %parallel_loop3A_454 : i32 to index
        %parallel_loop3A_456 = arith.constant 0 : index
        %parallel_loop3A_457 = tpu.vector_load %arg7[%parallel_loop3A_455, %parallel_loop3A_456] {strides = array<i32>} : memref<400x64xf32, #tpu.memory_space<vmem>>, vector<1x16xf32>,
        %parallel_loop3A_458 = vector.shape_cast %parallel_loop3A_457 : vector<1x16xf32> to vector<16xf32>
        %parallel_loop3A_459 = arith.addf %parallel_loop3A_453, %parallel_loop3A_458 : vector<16xf32>
        %parallel_loop3A_460 = arith.index_cast %parallel_loop3A_449 : i32 to index
        %parallel_loop3A_461 = arith.constant 0 : index
        %parallel_loop3A_462 = tpu.vector_load %arg10[%parallel_loop3A_460, %parallel_loop3A_461] {strides = array<i32>} : memref<128x64xf32, #tpu.memory_space<vmem>>, vector<1x16xf32>,
        %parallel_loop3A_463 = vector.shape_cast %parallel_loop3A_462 : vector<1x16xf32> to vector<16xf32>
        %parallel_loop3A_464 = vector.shape_cast %parallel_loop3A_459 : vector<16xf32> to vector<1x16xf32>
        tpu.vector_store %arg10[%parallel_loop3A_460, %parallel_loop3A_461], %parallel_loop3A_464 {strides = array<i32>} : memref<128x64xf32, #tpu.memory_space<vmem>>, vector<1x16xf32>,
        %parallel_loop3A_465 = arith.index_cast %parallel_loop3A_449 : i32 to index
        %parallel_loop3A_466 = arith.constant 16 : index
        %parallel_loop3A_467 = tpu.vector_load %arg10[%parallel_loop3A_465, %parallel_loop3A_466] {strides = array<i32>} : memref<128x64xf32, #tpu.memory_space<vmem>>, vector<1x16xf32>,
        %parallel_loop3A_468 = vector.shape_cast %parallel_loop3A_467 : vector<1x16xf32> to vector<16xf32>
        %parallel_loop3A_469 = arith.addi %select_n3A_188, %parallel_loop3A_449 : i32
        %parallel_loop3A_470 = arith.index_cast %parallel_loop3A_469 : i32 to index
        %parallel_loop3A_471 = arith.constant 16 : index
        %parallel_loop3A_472 = tpu.vector_load %arg7[%parallel_loop3A_470, %parallel_loop3A_471] {strides = array<i32>} : memref<400x64xf32, #tpu.memory_space<vmem>>, vector<1x16xf32>,
        %parallel_loop3A_473 = vector.shape_cast %parallel_loop3A_472 : vector<1x16xf32> to vector<16xf32>
        %parallel_loop3A_474 = arith.addf %parallel_loop3A_468, %parallel_loop3A_473 : vector<16xf32>
        %parallel_loop3A_475 = arith.index_cast %parallel_loop3A_449 : i32 to index
        %parallel_loop3A_476 = arith.constant 16 : index
        %parallel_loop3A_477 = tpu.vector_load %arg10[%parallel_loop3A_475, %parallel_loop3A_476] {strides = array<i32>} : memref<128x64xf32, #tpu.memory_space<vmem>>, vector<1x16xf32>,
        %parallel_loop3A_478 = vector.shape_cast %parallel_loop3A_477 : vector<1x16xf32> to vector<16xf32>
        %parallel_loop3A_479 = vector.shape_cast %parallel_loop3A_474 : vector<16xf32> to vector<1x16xf32>
        tpu.vector_store %arg10[%parallel_loop3A_475, %parallel_loop3A_476], %parallel_loop3A_479 {strides = array<i32>} : memref<128x64xf32, #tpu.memory_space<vmem>>, vector<1x16xf32>,
        %parallel_loop3A_480 = arith.index_cast %parallel_loop3A_449 : i32 to index
        %parallel_loop3A_481 = arith.constant 32 : index
        %parallel_loop3A_482 = tpu.vector_load %arg10[%parallel_loop3A_480, %parallel_loop3A_481] {strides = array<i32>} : memref<128x64xf32, #tpu.memory_space<vmem>>, vector<1x16xf32>,
        %parallel_loop3A_483 = vector.shape_cast %parallel_loop3A_482 : vector<1x16xf32> to vector<16xf32>
        %parallel_loop3A_484 = arith.addi %select_n3A_188, %parallel_loop3A_449 : i32
        %parallel_loop3A_485 = arith.index_cast %parallel_loop3A_484 : i32 to index
        %parallel_loop3A_486 = arith.constant 32 : index
        %parallel_loop3A_487 = tpu.vector_load %arg7[%parallel_loop3A_485, %parallel_loop3A_486] {strides = array<i32>} : memref<400x64xf32, #tpu.memory_space<vmem>>, vector<1x16xf32>,
        %parallel_loop3A_488 = vector.shape_cast %parallel_loop3A_487 : vector<1x16xf32> to vector<16xf32>
        %parallel_loop3A_489 = arith.addf %parallel_loop3A_483, %parallel_loop3A_488 : vector<16xf32>
        %parallel_loop3A_490 = arith.index_cast %parallel_loop3A_449 : i32 to index
        %parallel_loop3A_491 = arith.constant 32 : index
        %parallel_loop3A_492 = tpu.vector_load %arg10[%parallel_loop3A_490, %parallel_loop3A_491] {strides = array<i32>} : memref<128x64xf32, #tpu.memory_space<vmem>>, vector<1x16xf32>,
        %parallel_loop3A_493 = vector.shape_cast %parallel_loop3A_492 : vector<1x16xf32> to vector<16xf32>
        %parallel_loop3A_494 = vector.shape_cast %parallel_loop3A_489 : vector<16xf32> to vector<1x16xf32>
        tpu.vector_store %arg10[%parallel_loop3A_490, %parallel_loop3A_491], %parallel_loop3A_494 {strides = array<i32>} : memref<128x64xf32, #tpu.memory_space<vmem>>, vector<1x16xf32>,
        %parallel_loop3A_495 = arith.index_cast %parallel_loop3A_449 : i32 to index
        %parallel_loop3A_496 = arith.constant 48 : index
        %parallel_loop3A_497 = tpu.vector_load %arg10[%parallel_loop3A_495, %parallel_loop3A_496] {strides = array<i32>} : memref<128x64xf32, #tpu.memory_space<vmem>>, vector<1x16xf32>,
        %parallel_loop3A_498 = vector.shape_cast %parallel_loop3A_497 : vector<1x16xf32> to vector<16xf32>
        %parallel_loop3A_499 = arith.addi %select_n3A_188, %parallel_loop3A_449 : i32
        %parallel_loop3A_500 = arith.index_cast %parallel_loop3A_499 : i32 to index
        %parallel_loop3A_501 = arith.constant 48 : index
        %parallel_loop3A_502 = tpu.vector_load %arg7[%parallel_loop3A_500, %parallel_loop3A_501] {strides = array<i32>} : memref<400x64xf32, #tpu.memory_space<vmem>>, vector<1x16xf32>,
        %parallel_loop3A_503 = vector.shape_cast %parallel_loop3A_502 : vector<1x16xf32> to vector<16xf32>
        %parallel_loop3A_504 = arith.addf %parallel_loop3A_498, %parallel_loop3A_503 : vector<16xf32>
        %parallel_loop3A_505 = arith.index_cast %parallel_loop3A_449 : i32 to index
        %parallel_loop3A_506 = arith.constant 48 : index
        %parallel_loop3A_507 = tpu.vector_load %arg10[%parallel_loop3A_505, %parallel_loop3A_506] {strides = array<i32>} : memref<128x64xf32, #tpu.memory_space<vmem>>, vector<1x16xf32>,
        %parallel_loop3A_508 = vector.shape_cast %parallel_loop3A_507 : vector<1x16xf32> to vector<16xf32>
        %parallel_loop3A_509 = vector.shape_cast %parallel_loop3A_504 : vector<16xf32> to vector<1x16xf32>
        tpu.vector_store %arg10[%parallel_loop3A_505, %parallel_loop3A_506], %parallel_loop3A_509 {strides = array<i32>} : memref<128x64xf32, #tpu.memory_space<vmem>>, vector<1x16xf32>,
      } {sc.loop_unroll_factor = 8 : i64, sc.parallel_access}
      %mul3A_192 = arith.constant 128 : i32
      %mul3A_193 = arith.muli %add3A_152, %mul3A_192 : i32
      %add3A_194 = arith.addi %mul3A_2, %mul3A_193 : i32
      %dma_start3A_195 = arith.constant 0 : i32
      %dma_start3A_196 = tpu.memref_slice %arg5[%add3A_194, %dma_start3A_195] : memref<819200x64xf32, #tpu.memory_space<hbm>> -> memref<128x64xf32, #tpu.memory_space<hbm>>
      %dma_start3A_197 = arith.constant 0 : i32
      %dma_start3A_198 = tpu.memref_slice %arg5[%add3A_194, %dma_start3A_197] : memref<819200x64xf32, #tpu.memory_space<hbm>> -> memref<128x64xf32, #tpu.memory_space<hbm>>
      tpu.enqueue_dma source(%arg10 : memref<128x64xf32, #tpu.memory_space<vmem>>) target(%dma_start3A_198 : memref<128x64xf32, #tpu.memory_space<hbm>>) target_semaphore(%arg26 : memref<!tpu.dma_semaphore, #tpu.memory_space<semaphore_mem>>)
      %mul3A_199 = arith.constant 8 : i32
      %mul3A_200 = arith.muli %mul3A_199, %scan3A_59 : i32
      %add3A_201 = arith.constant 3 : i32
      %add3A_202 = arith.addi %mul3A_200, %add3A_201 : i32
      %ge3A_203 = arith.constant 3 : i32
      %ge3A_204 = arith.cmpi sge, %add3A_202, %ge3A_203 : i32
      %convert_element_type3A_205 = arith.extui %ge3A_204 : i1 to i32
      %cond3A_206 = arith.constant 0 : i32
      %cond3A_207 = arith.cmpi ne, %convert_element_type3A_205, %cond3A_206 : i32
      scf.if %cond3A_207 {
        %sub3A = arith.constant 3 : i32
        %sub3A_449 = arith.subi %add3A_202, %sub3A : i32
        %mul3A_450 = arith.constant 128 : i32
        %mul3A_451 = arith.muli %sub3A_449, %mul3A_450 : i32
        %add3A_452 = arith.addi %mul3A_2, %mul3A_451 : i32
        %dma_wait3A_453 = arith.constant 0 : i32
        %dma_wait3A_454 = tpu.memref_slice %arg5[%add3A_452, %dma_wait3A_453] : memref<819200x64xf32, #tpu.memory_space<hbm>> -> memref<128x64xf32, #tpu.memory_space<hbm>>
        %dma_wait3A_455 = arith.constant 0 : i32
        %dma_wait3A_456 = tpu.memref_slice %arg5[%add3A_452, %dma_wait3A_455] : memref<819200x64xf32, #tpu.memory_space<hbm>> -> memref<128x64xf32, #tpu.memory_space<hbm>>
        tpu.wait_dma2 semaphore(%arg24 : memref<!tpu.dma_semaphore, #tpu.memory_space<semaphore_mem>>) src(%arg8 : memref<128x64xf32, #tpu.memory_space<vmem>>) dst(%dma_wait3A_456 : memref<128x64xf32, #tpu.memory_space<hbm>>)
      } else {
      }
      %add3A_208 = arith.constant 5 : i32
      %add3A_209 = arith.addi %add3A_202, %add3A_208 : i32
      %lt3A_210 = arith.constant 200 : i32
      %lt3A_211 = arith.cmpi slt, %add3A_209, %lt3A_210 : i32
      %convert_element_type3A_212 = arith.extui %lt3A_211 : i1 to i32
      %cond3A_213 = arith.constant 0 : i32
      %cond3A_214 = arith.cmpi ne, %convert_element_type3A_212, %cond3A_213 : i32
      scf.if %cond3A_214 {
        %add3A_449 = arith.constant 5 : i32
        %add3A_450 = arith.addi %add3A_202, %add3A_449 : i32
        %dma_start3A_451 = arith.constant 0 : i32
        %dma_start3A_452 = tpu.memref_slice %arg6[%add3A_450, %dma_start3A_451] : memref<200x128xi32, #tpu.memory_space<vmem>> -> memref<1x128xi32, #tpu.memory_space<vmem>>
        %dma_start3A_453 = tpu.memref_squeeze %dma_start3A_452 : memref<1x128xi32, #tpu.memory_space<vmem>> -> memref<128xi32, #tpu.memory_space<vmem>>
        %dma_start3A_454 = arith.constant 0 : i32
        %dma_start3A_455 = arith.constant 0 : i32
        %dma_start3A_456 = tpu.memref_slice %arg3[%dma_start3A_454, %dma_start3A_455] : memref<1000000x64xf32, #tpu.memory_space<hbm>> -> memref<1000000x64xf32, #tpu.memory_space<hbm>>
        tpu.enqueue_indirect_dma source(%dma_start3A_456 : memref<1000000x64xf32, #tpu.memory_space<hbm>>) target(%arg8 : memref<128x64xf32, #tpu.memory_space<vmem>>) offsets(%dma_start3A_453 : memref<128xi32, #tpu.memory_space<vmem>>) semaphore(%arg16 : memref<!tpu.dma_semaphore, #tpu.memory_space<semaphore_mem>>)
      } else {
      }
      %dma_wait3A_215 = arith.constant 0 : i32
      %dma_wait3A_216 = tpu.memref_slice %arg6[%add3A_202, %dma_wait3A_215] : memref<200x128xi32, #tpu.memory_space<vmem>> -> memref<1x128xi32, #tpu.memory_space<vmem>>
      %dma_wait3A_217 = tpu.memref_squeeze %dma_wait3A_216 : memref<1x128xi32, #tpu.memory_space<vmem>> -> memref<128xi32, #tpu.memory_space<vmem>>
      %dma_wait3A_218 = arith.constant 0 : i32
      %dma_wait3A_219 = arith.constant 0 : i32
      %dma_wait3A_220 = tpu.memref_slice %arg3[%dma_wait3A_218, %dma_wait3A_219] : memref<1000000x64xf32, #tpu.memory_space<hbm>> -> memref<1000000x64xf32, #tpu.memory_space<hbm>>
      tpu.wait_indirect_dma semaphore(%arg19 : memref<!tpu.dma_semaphore, #tpu.memory_space<semaphore_mem>>) src(%dma_wait3A_220 : memref<1000000x64xf32, #tpu.memory_space<hbm>>) dst(%arg11 : memref<128x64xf32, #tpu.memory_space<vmem>>)
      %mul3A_221 = arith.constant 128 : i32
      %mul3A_222 = arith.muli %add3A_202, %mul3A_221 : i32
      %jit3A_223 = arith.constant 200 : i32
      %eq3A_224 = arith.constant 0 : i32
      %eq3A_225 = arith.cmpi eq, %jit3A_223, %eq3A_224 : i32
      %jit3A_226 = arith.constant 1 : i32
      %select_n3A_227 = arith.select %eq3A_225, %jit3A_226, %jit3A_223 : i32
      %rem3A_228 = arith.remsi %mul3A_222, %select_n3A_227 : i32
      %ne3A_229 = arith.constant 0 : i32
      %ne3A_230 = arith.cmpi ne, %rem3A_228, %ne3A_229 : i32
      %lt3A_231 = arith.constant 0 : i32
      %lt3A_232 = arith.cmpi slt, %rem3A_228, %lt3A_231 : i32
      %lt3A_233 = arith.constant 0 : i32
      %lt3A_234 = arith.cmpi slt, %select_n3A_227, %lt3A_233 : i32
      %ne3A_235 = arith.xori %lt3A_232, %lt3A_234 : i1
      %and3A_236 = arith.andi %ne3A_235, %ne3A_230 : i1
      %add3A_237 = arith.addi %rem3A_228, %select_n3A_227 : i32
      %select_n3A_238 = arith.select %and3A_236, %add3A_237, %rem3A_228 : i32
      %parallel_loop3A_239 = arith.constant 0 : i32
      %parallel_loop3A_240 = arith.constant 128 : i32
      %parallel_loop3A_241 = arith.constant 1 : i32
      scf.for %parallel_loop3A_449 = %parallel_loop3A_239 to %parallel_loop3A_240 step %parallel_loop3A_241  : i32 {
        %parallel_loop3A_450 = arith.index_cast %parallel_loop3A_449 : i32 to index
        %parallel_loop3A_451 = arith.constant 0 : index
        %parallel_loop3A_452 = tpu.vector_load %arg11[%parallel_loop3A_450, %parallel_loop3A_451] {strides = array<i32>} : memref<128x64xf32, #tpu.memory_space<vmem>>, vector<1x16xf32>,
        %parallel_loop3A_453 = vector.shape_cast %parallel_loop3A_452 : vector<1x16xf32> to vector<16xf32>
        %parallel_loop3A_454 = arith.addi %select_n3A_238, %parallel_loop3A_449 : i32
        %parallel_loop3A_455 = arith.index_cast %parallel_loop3A_454 : i32 to index
        %parallel_loop3A_456 = arith.constant 0 : index
        %parallel_loop3A_457 = tpu.vector_load %arg7[%parallel_loop3A_455, %parallel_loop3A_456] {strides = array<i32>} : memref<400x64xf32, #tpu.memory_space<vmem>>, vector<1x16xf32>,
        %parallel_loop3A_458 = vector.shape_cast %parallel_loop3A_457 : vector<1x16xf32> to vector<16xf32>
        %parallel_loop3A_459 = arith.addf %parallel_loop3A_453, %parallel_loop3A_458 : vector<16xf32>
        %parallel_loop3A_460 = arith.index_cast %parallel_loop3A_449 : i32 to index
        %parallel_loop3A_461 = arith.constant 0 : index
        %parallel_loop3A_462 = tpu.vector_load %arg11[%parallel_loop3A_460, %parallel_loop3A_461] {strides = array<i32>} : memref<128x64xf32, #tpu.memory_space<vmem>>, vector<1x16xf32>,
        %parallel_loop3A_463 = vector.shape_cast %parallel_loop3A_462 : vector<1x16xf32> to vector<16xf32>
        %parallel_loop3A_464 = vector.shape_cast %parallel_loop3A_459 : vector<16xf32> to vector<1x16xf32>
        tpu.vector_store %arg11[%parallel_loop3A_460, %parallel_loop3A_461], %parallel_loop3A_464 {strides = array<i32>} : memref<128x64xf32, #tpu.memory_space<vmem>>, vector<1x16xf32>,
        %parallel_loop3A_465 = arith.index_cast %parallel_loop3A_449 : i32 to index
        %parallel_loop3A_466 = arith.constant 16 : index
        %parallel_loop3A_467 = tpu.vector_load %arg11[%parallel_loop3A_465, %parallel_loop3A_466] {strides = array<i32>} : memref<128x64xf32, #tpu.memory_space<vmem>>, vector<1x16xf32>,
        %parallel_loop3A_468 = vector.shape_cast %parallel_loop3A_467 : vector<1x16xf32> to vector<16xf32>
        %parallel_loop3A_469 = arith.addi %select_n3A_238, %parallel_loop3A_449 : i32
        %parallel_loop3A_470 = arith.index_cast %parallel_loop3A_469 : i32 to index
        %parallel_loop3A_471 = arith.constant 16 : index
        %parallel_loop3A_472 = tpu.vector_load %arg7[%parallel_loop3A_470, %parallel_loop3A_471] {strides = array<i32>} : memref<400x64xf32, #tpu.memory_space<vmem>>, vector<1x16xf32>,
        %parallel_loop3A_473 = vector.shape_cast %parallel_loop3A_472 : vector<1x16xf32> to vector<16xf32>
        %parallel_loop3A_474 = arith.addf %parallel_loop3A_468, %parallel_loop3A_473 : vector<16xf32>
        %parallel_loop3A_475 = arith.index_cast %parallel_loop3A_449 : i32 to index
        %parallel_loop3A_476 = arith.constant 16 : index
        %parallel_loop3A_477 = tpu.vector_load %arg11[%parallel_loop3A_475, %parallel_loop3A_476] {strides = array<i32>} : memref<128x64xf32, #tpu.memory_space<vmem>>, vector<1x16xf32>,
        %parallel_loop3A_478 = vector.shape_cast %parallel_loop3A_477 : vector<1x16xf32> to vector<16xf32>
        %parallel_loop3A_479 = vector.shape_cast %parallel_loop3A_474 : vector<16xf32> to vector<1x16xf32>
        tpu.vector_store %arg11[%parallel_loop3A_475, %parallel_loop3A_476], %parallel_loop3A_479 {strides = array<i32>} : memref<128x64xf32, #tpu.memory_space<vmem>>, vector<1x16xf32>,
        %parallel_loop3A_480 = arith.index_cast %parallel_loop3A_449 : i32 to index
        %parallel_loop3A_481 = arith.constant 32 : index
        %parallel_loop3A_482 = tpu.vector_load %arg11[%parallel_loop3A_480, %parallel_loop3A_481] {strides = array<i32>} : memref<128x64xf32, #tpu.memory_space<vmem>>, vector<1x16xf32>,
        %parallel_loop3A_483 = vector.shape_cast %parallel_loop3A_482 : vector<1x16xf32> to vector<16xf32>
        %parallel_loop3A_484 = arith.addi %select_n3A_238, %parallel_loop3A_449 : i32
        %parallel_loop3A_485 = arith.index_cast %parallel_loop3A_484 : i32 to index
        %parallel_loop3A_486 = arith.constant 32 : index
        %parallel_loop3A_487 = tpu.vector_load %arg7[%parallel_loop3A_485, %parallel_loop3A_486] {strides = array<i32>} : memref<400x64xf32, #tpu.memory_space<vmem>>, vector<1x16xf32>,
        %parallel_loop3A_488 = vector.shape_cast %parallel_loop3A_487 : vector<1x16xf32> to vector<16xf32>
        %parallel_loop3A_489 = arith.addf %parallel_loop3A_483, %parallel_loop3A_488 : vector<16xf32>
        %parallel_loop3A_490 = arith.index_cast %parallel_loop3A_449 : i32 to index
        %parallel_loop3A_491 = arith.constant 32 : index
        %parallel_loop3A_492 = tpu.vector_load %arg11[%parallel_loop3A_490, %parallel_loop3A_491] {strides = array<i32>} : memref<128x64xf32, #tpu.memory_space<vmem>>, vector<1x16xf32>,
        %parallel_loop3A_493 = vector.shape_cast %parallel_loop3A_492 : vector<1x16xf32> to vector<16xf32>
        %parallel_loop3A_494 = vector.shape_cast %parallel_loop3A_489 : vector<16xf32> to vector<1x16xf32>
        tpu.vector_store %arg11[%parallel_loop3A_490, %parallel_loop3A_491], %parallel_loop3A_494 {strides = array<i32>} : memref<128x64xf32, #tpu.memory_space<vmem>>, vector<1x16xf32>,
        %parallel_loop3A_495 = arith.index_cast %parallel_loop3A_449 : i32 to index
        %parallel_loop3A_496 = arith.constant 48 : index
        %parallel_loop3A_497 = tpu.vector_load %arg11[%parallel_loop3A_495, %parallel_loop3A_496] {strides = array<i32>} : memref<128x64xf32, #tpu.memory_space<vmem>>, vector<1x16xf32>,
        %parallel_loop3A_498 = vector.shape_cast %parallel_loop3A_497 : vector<1x16xf32> to vector<16xf32>
        %parallel_loop3A_499 = arith.addi %select_n3A_238, %parallel_loop3A_449 : i32
        %parallel_loop3A_500 = arith.index_cast %parallel_loop3A_499 : i32 to index
        %parallel_loop3A_501 = arith.constant 48 : index
        %parallel_loop3A_502 = tpu.vector_load %arg7[%parallel_loop3A_500, %parallel_loop3A_501] {strides = array<i32>} : memref<400x64xf32, #tpu.memory_space<vmem>>, vector<1x16xf32>,
        %parallel_loop3A_503 = vector.shape_cast %parallel_loop3A_502 : vector<1x16xf32> to vector<16xf32>
        %parallel_loop3A_504 = arith.addf %parallel_loop3A_498, %parallel_loop3A_503 : vector<16xf32>
        %parallel_loop3A_505 = arith.index_cast %parallel_loop3A_449 : i32 to index
        %parallel_loop3A_506 = arith.constant 48 : index
        %parallel_loop3A_507 = tpu.vector_load %arg11[%parallel_loop3A_505, %parallel_loop3A_506] {strides = array<i32>} : memref<128x64xf32, #tpu.memory_space<vmem>>, vector<1x16xf32>,
        %parallel_loop3A_508 = vector.shape_cast %parallel_loop3A_507 : vector<1x16xf32> to vector<16xf32>
        %parallel_loop3A_509 = vector.shape_cast %parallel_loop3A_504 : vector<16xf32> to vector<1x16xf32>
        tpu.vector_store %arg11[%parallel_loop3A_505, %parallel_loop3A_506], %parallel_loop3A_509 {strides = array<i32>} : memref<128x64xf32, #tpu.memory_space<vmem>>, vector<1x16xf32>,
      } {sc.loop_unroll_factor = 8 : i64, sc.parallel_access}
      %mul3A_242 = arith.constant 128 : i32
      %mul3A_243 = arith.muli %add3A_202, %mul3A_242 : i32
      %add3A_244 = arith.addi %mul3A_2, %mul3A_243 : i32
      %dma_start3A_245 = arith.constant 0 : i32
      %dma_start3A_246 = tpu.memref_slice %arg5[%add3A_244, %dma_start3A_245] : memref<819200x64xf32, #tpu.memory_space<hbm>> -> memref<128x64xf32, #tpu.memory_space<hbm>>
      %dma_start3A_247 = arith.constant 0 : i32
      %dma_start3A_248 = tpu.memref_slice %arg5[%add3A_244, %dma_start3A_247] : memref<819200x64xf32, #tpu.memory_space<hbm>> -> memref<128x64xf32, #tpu.memory_space<hbm>>
      tpu.enqueue_dma source(%arg11 : memref<128x64xf32, #tpu.memory_space<vmem>>) target(%dma_start3A_248 : memref<128x64xf32, #tpu.memory_space<hbm>>) target_semaphore(%arg27 : memref<!tpu.dma_semaphore, #tpu.memory_space<semaphore_mem>>)
      %mul3A_249 = arith.constant 8 : i32
      %mul3A_250 = arith.muli %mul3A_249, %scan3A_59 : i32
      %add3A_251 = arith.constant 4 : i32
      %add3A_252 = arith.addi %mul3A_250, %add3A_251 : i32
      %ge3A_253 = arith.constant 3 : i32
      %ge3A_254 = arith.cmpi sge, %add3A_252, %ge3A_253 : i32
      %convert_element_type3A_255 = arith.extui %ge3A_254 : i1 to i32
      %cond3A_256 = arith.constant 0 : i32
      %cond3A_257 = arith.cmpi ne, %convert_element_type3A_255, %cond3A_256 : i32
      scf.if %cond3A_257 {
        %sub3A = arith.constant 3 : i32
        %sub3A_449 = arith.subi %add3A_252, %sub3A : i32
        %mul3A_450 = arith.constant 128 : i32
        %mul3A_451 = arith.muli %sub3A_449, %mul3A_450 : i32
        %add3A_452 = arith.addi %mul3A_2, %mul3A_451 : i32
        %dma_wait3A_453 = arith.constant 0 : i32
        %dma_wait3A_454 = tpu.memref_slice %arg5[%add3A_452, %dma_wait3A_453] : memref<819200x64xf32, #tpu.memory_space<hbm>> -> memref<128x64xf32, #tpu.memory_space<hbm>>
        %dma_wait3A_455 = arith.constant 0 : i32
        %dma_wait3A_456 = tpu.memref_slice %arg5[%add3A_452, %dma_wait3A_455] : memref<819200x64xf32, #tpu.memory_space<hbm>> -> memref<128x64xf32, #tpu.memory_space<hbm>>
        tpu.wait_dma2 semaphore(%arg25 : memref<!tpu.dma_semaphore, #tpu.memory_space<semaphore_mem>>) src(%arg9 : memref<128x64xf32, #tpu.memory_space<vmem>>) dst(%dma_wait3A_456 : memref<128x64xf32, #tpu.memory_space<hbm>>)
      } else {
      }
      %add3A_258 = arith.constant 5 : i32
      %add3A_259 = arith.addi %add3A_252, %add3A_258 : i32
      %lt3A_260 = arith.constant 200 : i32
      %lt3A_261 = arith.cmpi slt, %add3A_259, %lt3A_260 : i32
      %convert_element_type3A_262 = arith.extui %lt3A_261 : i1 to i32
      %cond3A_263 = arith.constant 0 : i32
      %cond3A_264 = arith.cmpi ne, %convert_element_type3A_262, %cond3A_263 : i32
      scf.if %cond3A_264 {
        %add3A_449 = arith.constant 5 : i32
        %add3A_450 = arith.addi %add3A_252, %add3A_449 : i32
        %dma_start3A_451 = arith.constant 0 : i32
        %dma_start3A_452 = tpu.memref_slice %arg6[%add3A_450, %dma_start3A_451] : memref<200x128xi32, #tpu.memory_space<vmem>> -> memref<1x128xi32, #tpu.memory_space<vmem>>
        %dma_start3A_453 = tpu.memref_squeeze %dma_start3A_452 : memref<1x128xi32, #tpu.memory_space<vmem>> -> memref<128xi32, #tpu.memory_space<vmem>>
        %dma_start3A_454 = arith.constant 0 : i32
        %dma_start3A_455 = arith.constant 0 : i32
        %dma_start3A_456 = tpu.memref_slice %arg3[%dma_start3A_454, %dma_start3A_455] : memref<1000000x64xf32, #tpu.memory_space<hbm>> -> memref<1000000x64xf32, #tpu.memory_space<hbm>>
        tpu.enqueue_indirect_dma source(%dma_start3A_456 : memref<1000000x64xf32, #tpu.memory_space<hbm>>) target(%arg9 : memref<128x64xf32, #tpu.memory_space<vmem>>) offsets(%dma_start3A_453 : memref<128xi32, #tpu.memory_space<vmem>>) semaphore(%arg17 : memref<!tpu.dma_semaphore, #tpu.memory_space<semaphore_mem>>)
      } else {
      }
      %dma_wait3A_265 = arith.constant 0 : i32
      %dma_wait3A_266 = tpu.memref_slice %arg6[%add3A_252, %dma_wait3A_265] : memref<200x128xi32, #tpu.memory_space<vmem>> -> memref<1x128xi32, #tpu.memory_space<vmem>>
      %dma_wait3A_267 = tpu.memref_squeeze %dma_wait3A_266 : memref<1x128xi32, #tpu.memory_space<vmem>> -> memref<128xi32, #tpu.memory_space<vmem>>
      %dma_wait3A_268 = arith.constant 0 : i32
      %dma_wait3A_269 = arith.constant 0 : i32
      %dma_wait3A_270 = tpu.memref_slice %arg3[%dma_wait3A_268, %dma_wait3A_269] : memref<1000000x64xf32, #tpu.memory_space<hbm>> -> memref<1000000x64xf32, #tpu.memory_space<hbm>>
      tpu.wait_indirect_dma semaphore(%arg20 : memref<!tpu.dma_semaphore, #tpu.memory_space<semaphore_mem>>) src(%dma_wait3A_270 : memref<1000000x64xf32, #tpu.memory_space<hbm>>) dst(%arg12 : memref<128x64xf32, #tpu.memory_space<vmem>>)
      %mul3A_271 = arith.constant 128 : i32
      %mul3A_272 = arith.muli %add3A_252, %mul3A_271 : i32
      %jit3A_273 = arith.constant 200 : i32
      %eq3A_274 = arith.constant 0 : i32
      %eq3A_275 = arith.cmpi eq, %jit3A_273, %eq3A_274 : i32
      %jit3A_276 = arith.constant 1 : i32
      %select_n3A_277 = arith.select %eq3A_275, %jit3A_276, %jit3A_273 : i32
      %rem3A_278 = arith.remsi %mul3A_272, %select_n3A_277 : i32
      %ne3A_279 = arith.constant 0 : i32
      %ne3A_280 = arith.cmpi ne, %rem3A_278, %ne3A_279 : i32
      %lt3A_281 = arith.constant 0 : i32
      %lt3A_282 = arith.cmpi slt, %rem3A_278, %lt3A_281 : i32
      %lt3A_283 = arith.constant 0 : i32
      %lt3A_284 = arith.cmpi slt, %select_n3A_277, %lt3A_283 : i32
      %ne3A_285 = arith.xori %lt3A_282, %lt3A_284 : i1
      %and3A_286 = arith.andi %ne3A_285, %ne3A_280 : i1
      %add3A_287 = arith.addi %rem3A_278, %select_n3A_277 : i32
      %select_n3A_288 = arith.select %and3A_286, %add3A_287, %rem3A_278 : i32
      %parallel_loop3A_289 = arith.constant 0 : i32
      %parallel_loop3A_290 = arith.constant 128 : i32
      %parallel_loop3A_291 = arith.constant 1 : i32
      scf.for %parallel_loop3A_449 = %parallel_loop3A_289 to %parallel_loop3A_290 step %parallel_loop3A_291  : i32 {
        %parallel_loop3A_450 = arith.index_cast %parallel_loop3A_449 : i32 to index
        %parallel_loop3A_451 = arith.constant 0 : index
        %parallel_loop3A_452 = tpu.vector_load %arg12[%parallel_loop3A_450, %parallel_loop3A_451] {strides = array<i32>} : memref<128x64xf32, #tpu.memory_space<vmem>>, vector<1x16xf32>,
        %parallel_loop3A_453 = vector.shape_cast %parallel_loop3A_452 : vector<1x16xf32> to vector<16xf32>
        %parallel_loop3A_454 = arith.addi %select_n3A_288, %parallel_loop3A_449 : i32
        %parallel_loop3A_455 = arith.index_cast %parallel_loop3A_454 : i32 to index
        %parallel_loop3A_456 = arith.constant 0 : index
        %parallel_loop3A_457 = tpu.vector_load %arg7[%parallel_loop3A_455, %parallel_loop3A_456] {strides = array<i32>} : memref<400x64xf32, #tpu.memory_space<vmem>>, vector<1x16xf32>,
        %parallel_loop3A_458 = vector.shape_cast %parallel_loop3A_457 : vector<1x16xf32> to vector<16xf32>
        %parallel_loop3A_459 = arith.addf %parallel_loop3A_453, %parallel_loop3A_458 : vector<16xf32>
        %parallel_loop3A_460 = arith.index_cast %parallel_loop3A_449 : i32 to index
        %parallel_loop3A_461 = arith.constant 0 : index
        %parallel_loop3A_462 = tpu.vector_load %arg12[%parallel_loop3A_460, %parallel_loop3A_461] {strides = array<i32>} : memref<128x64xf32, #tpu.memory_space<vmem>>, vector<1x16xf32>,
        %parallel_loop3A_463 = vector.shape_cast %parallel_loop3A_462 : vector<1x16xf32> to vector<16xf32>
        %parallel_loop3A_464 = vector.shape_cast %parallel_loop3A_459 : vector<16xf32> to vector<1x16xf32>
        tpu.vector_store %arg12[%parallel_loop3A_460, %parallel_loop3A_461], %parallel_loop3A_464 {strides = array<i32>} : memref<128x64xf32, #tpu.memory_space<vmem>>, vector<1x16xf32>,
        %parallel_loop3A_465 = arith.index_cast %parallel_loop3A_449 : i32 to index
        %parallel_loop3A_466 = arith.constant 16 : index
        %parallel_loop3A_467 = tpu.vector_load %arg12[%parallel_loop3A_465, %parallel_loop3A_466] {strides = array<i32>} : memref<128x64xf32, #tpu.memory_space<vmem>>, vector<1x16xf32>,
        %parallel_loop3A_468 = vector.shape_cast %parallel_loop3A_467 : vector<1x16xf32> to vector<16xf32>
        %parallel_loop3A_469 = arith.addi %select_n3A_288, %parallel_loop3A_449 : i32
        %parallel_loop3A_470 = arith.index_cast %parallel_loop3A_469 : i32 to index
        %parallel_loop3A_471 = arith.constant 16 : index
        %parallel_loop3A_472 = tpu.vector_load %arg7[%parallel_loop3A_470, %parallel_loop3A_471] {strides = array<i32>} : memref<400x64xf32, #tpu.memory_space<vmem>>, vector<1x16xf32>,
        %parallel_loop3A_473 = vector.shape_cast %parallel_loop3A_472 : vector<1x16xf32> to vector<16xf32>
        %parallel_loop3A_474 = arith.addf %parallel_loop3A_468, %parallel_loop3A_473 : vector<16xf32>
        %parallel_loop3A_475 = arith.index_cast %parallel_loop3A_449 : i32 to index
        %parallel_loop3A_476 = arith.constant 16 : index
        %parallel_loop3A_477 = tpu.vector_load %arg12[%parallel_loop3A_475, %parallel_loop3A_476] {strides = array<i32>} : memref<128x64xf32, #tpu.memory_space<vmem>>, vector<1x16xf32>,
        %parallel_loop3A_478 = vector.shape_cast %parallel_loop3A_477 : vector<1x16xf32> to vector<16xf32>
        %parallel_loop3A_479 = vector.shape_cast %parallel_loop3A_474 : vector<16xf32> to vector<1x16xf32>
        tpu.vector_store %arg12[%parallel_loop3A_475, %parallel_loop3A_476], %parallel_loop3A_479 {strides = array<i32>} : memref<128x64xf32, #tpu.memory_space<vmem>>, vector<1x16xf32>,
        %parallel_loop3A_480 = arith.index_cast %parallel_loop3A_449 : i32 to index
        %parallel_loop3A_481 = arith.constant 32 : index
        %parallel_loop3A_482 = tpu.vector_load %arg12[%parallel_loop3A_480, %parallel_loop3A_481] {strides = array<i32>} : memref<128x64xf32, #tpu.memory_space<vmem>>, vector<1x16xf32>,
        %parallel_loop3A_483 = vector.shape_cast %parallel_loop3A_482 : vector<1x16xf32> to vector<16xf32>
        %parallel_loop3A_484 = arith.addi %select_n3A_288, %parallel_loop3A_449 : i32
        %parallel_loop3A_485 = arith.index_cast %parallel_loop3A_484 : i32 to index
        %parallel_loop3A_486 = arith.constant 32 : index
        %parallel_loop3A_487 = tpu.vector_load %arg7[%parallel_loop3A_485, %parallel_loop3A_486] {strides = array<i32>} : memref<400x64xf32, #tpu.memory_space<vmem>>, vector<1x16xf32>,
        %parallel_loop3A_488 = vector.shape_cast %parallel_loop3A_487 : vector<1x16xf32> to vector<16xf32>
        %parallel_loop3A_489 = arith.addf %parallel_loop3A_483, %parallel_loop3A_488 : vector<16xf32>
        %parallel_loop3A_490 = arith.index_cast %parallel_loop3A_449 : i32 to index
        %parallel_loop3A_491 = arith.constant 32 : index
        %parallel_loop3A_492 = tpu.vector_load %arg12[%parallel_loop3A_490, %parallel_loop3A_491] {strides = array<i32>} : memref<128x64xf32, #tpu.memory_space<vmem>>, vector<1x16xf32>,
        %parallel_loop3A_493 = vector.shape_cast %parallel_loop3A_492 : vector<1x16xf32> to vector<16xf32>
        %parallel_loop3A_494 = vector.shape_cast %parallel_loop3A_489 : vector<16xf32> to vector<1x16xf32>
        tpu.vector_store %arg12[%parallel_loop3A_490, %parallel_loop3A_491], %parallel_loop3A_494 {strides = array<i32>} : memref<128x64xf32, #tpu.memory_space<vmem>>, vector<1x16xf32>,
        %parallel_loop3A_495 = arith.index_cast %parallel_loop3A_449 : i32 to index
        %parallel_loop3A_496 = arith.constant 48 : index
        %parallel_loop3A_497 = tpu.vector_load %arg12[%parallel_loop3A_495, %parallel_loop3A_496] {strides = array<i32>} : memref<128x64xf32, #tpu.memory_space<vmem>>, vector<1x16xf32>,
        %parallel_loop3A_498 = vector.shape_cast %parallel_loop3A_497 : vector<1x16xf32> to vector<16xf32>
        %parallel_loop3A_499 = arith.addi %select_n3A_288, %parallel_loop3A_449 : i32
        %parallel_loop3A_500 = arith.index_cast %parallel_loop3A_499 : i32 to index
        %parallel_loop3A_501 = arith.constant 48 : index
        %parallel_loop3A_502 = tpu.vector_load %arg7[%parallel_loop3A_500, %parallel_loop3A_501] {strides = array<i32>} : memref<400x64xf32, #tpu.memory_space<vmem>>, vector<1x16xf32>,
        %parallel_loop3A_503 = vector.shape_cast %parallel_loop3A_502 : vector<1x16xf32> to vector<16xf32>
        %parallel_loop3A_504 = arith.addf %parallel_loop3A_498, %parallel_loop3A_503 : vector<16xf32>
        %parallel_loop3A_505 = arith.index_cast %parallel_loop3A_449 : i32 to index
        %parallel_loop3A_506 = arith.constant 48 : index
        %parallel_loop3A_507 = tpu.vector_load %arg12[%parallel_loop3A_505, %parallel_loop3A_506] {strides = array<i32>} : memref<128x64xf32, #tpu.memory_space<vmem>>, vector<1x16xf32>,
        %parallel_loop3A_508 = vector.shape_cast %parallel_loop3A_507 : vector<1x16xf32> to vector<16xf32>
        %parallel_loop3A_509 = vector.shape_cast %parallel_loop3A_504 : vector<16xf32> to vector<1x16xf32>
        tpu.vector_store %arg12[%parallel_loop3A_505, %parallel_loop3A_506], %parallel_loop3A_509 {strides = array<i32>} : memref<128x64xf32, #tpu.memory_space<vmem>>, vector<1x16xf32>,
      } {sc.loop_unroll_factor = 8 : i64, sc.parallel_access}
      %mul3A_292 = arith.constant 128 : i32
      %mul3A_293 = arith.muli %add3A_252, %mul3A_292 : i32
      %add3A_294 = arith.addi %mul3A_2, %mul3A_293 : i32
      %dma_start3A_295 = arith.constant 0 : i32
      %dma_start3A_296 = tpu.memref_slice %arg5[%add3A_294, %dma_start3A_295] : memref<819200x64xf32, #tpu.memory_space<hbm>> -> memref<128x64xf32, #tpu.memory_space<hbm>>
      %dma_start3A_297 = arith.constant 0 : i32
      %dma_start3A_298 = tpu.memref_slice %arg5[%add3A_294, %dma_start3A_297] : memref<819200x64xf32, #tpu.memory_space<hbm>> -> memref<128x64xf32, #tpu.memory_space<hbm>>
      tpu.enqueue_dma source(%arg12 : memref<128x64xf32, #tpu.memory_space<vmem>>) target(%dma_start3A_298 : memref<128x64xf32, #tpu.memory_space<hbm>>) target_semaphore(%arg28 : memref<!tpu.dma_semaphore, #tpu.memory_space<semaphore_mem>>)
      %mul3A_299 = arith.constant 8 : i32
      %mul3A_300 = arith.muli %mul3A_299, %scan3A_59 : i32
      %add3A_301 = arith.constant 5 : i32
      %add3A_302 = arith.addi %mul3A_300, %add3A_301 : i32
      %ge3A_303 = arith.constant 3 : i32
      %ge3A_304 = arith.cmpi sge, %add3A_302, %ge3A_303 : i32
      %convert_element_type3A_305 = arith.extui %ge3A_304 : i1 to i32
      %cond3A_306 = arith.constant 0 : i32
      %cond3A_307 = arith.cmpi ne, %convert_element_type3A_305, %cond3A_306 : i32
      scf.if %cond3A_307 {
        %sub3A = arith.constant 3 : i32
        %sub3A_449 = arith.subi %add3A_302, %sub3A : i32
        %mul3A_450 = arith.constant 128 : i32
        %mul3A_451 = arith.muli %sub3A_449, %mul3A_450 : i32
        %add3A_452 = arith.addi %mul3A_2, %mul3A_451 : i32
        %dma_wait3A_453 = arith.constant 0 : i32
        %dma_wait3A_454 = tpu.memref_slice %arg5[%add3A_452, %dma_wait3A_453] : memref<819200x64xf32, #tpu.memory_space<hbm>> -> memref<128x64xf32, #tpu.memory_space<hbm>>
        %dma_wait3A_455 = arith.constant 0 : i32
        %dma_wait3A_456 = tpu.memref_slice %arg5[%add3A_452, %dma_wait3A_455] : memref<819200x64xf32, #tpu.memory_space<hbm>> -> memref<128x64xf32, #tpu.memory_space<hbm>>
        tpu.wait_dma2 semaphore(%arg26 : memref<!tpu.dma_semaphore, #tpu.memory_space<semaphore_mem>>) src(%arg10 : memref<128x64xf32, #tpu.memory_space<vmem>>) dst(%dma_wait3A_456 : memref<128x64xf32, #tpu.memory_space<hbm>>)
      } else {
      }
      %add3A_308 = arith.constant 5 : i32
      %add3A_309 = arith.addi %add3A_302, %add3A_308 : i32
      %lt3A_310 = arith.constant 200 : i32
      %lt3A_311 = arith.cmpi slt, %add3A_309, %lt3A_310 : i32
      %convert_element_type3A_312 = arith.extui %lt3A_311 : i1 to i32
      %cond3A_313 = arith.constant 0 : i32
      %cond3A_314 = arith.cmpi ne, %convert_element_type3A_312, %cond3A_313 : i32
      scf.if %cond3A_314 {
        %add3A_449 = arith.constant 5 : i32
        %add3A_450 = arith.addi %add3A_302, %add3A_449 : i32
        %dma_start3A_451 = arith.constant 0 : i32
        %dma_start3A_452 = tpu.memref_slice %arg6[%add3A_450, %dma_start3A_451] : memref<200x128xi32, #tpu.memory_space<vmem>> -> memref<1x128xi32, #tpu.memory_space<vmem>>
        %dma_start3A_453 = tpu.memref_squeeze %dma_start3A_452 : memref<1x128xi32, #tpu.memory_space<vmem>> -> memref<128xi32, #tpu.memory_space<vmem>>
        %dma_start3A_454 = arith.constant 0 : i32
        %dma_start3A_455 = arith.constant 0 : i32
        %dma_start3A_456 = tpu.memref_slice %arg3[%dma_start3A_454, %dma_start3A_455] : memref<1000000x64xf32, #tpu.memory_space<hbm>> -> memref<1000000x64xf32, #tpu.memory_space<hbm>>
        tpu.enqueue_indirect_dma source(%dma_start3A_456 : memref<1000000x64xf32, #tpu.memory_space<hbm>>) target(%arg10 : memref<128x64xf32, #tpu.memory_space<vmem>>) offsets(%dma_start3A_453 : memref<128xi32, #tpu.memory_space<vmem>>) semaphore(%arg18 : memref<!tpu.dma_semaphore, #tpu.memory_space<semaphore_mem>>)
      } else {
      }
      %dma_wait3A_315 = arith.constant 0 : i32
      %dma_wait3A_316 = tpu.memref_slice %arg6[%add3A_302, %dma_wait3A_315] : memref<200x128xi32, #tpu.memory_space<vmem>> -> memref<1x128xi32, #tpu.memory_space<vmem>>
      %dma_wait3A_317 = tpu.memref_squeeze %dma_wait3A_316 : memref<1x128xi32, #tpu.memory_space<vmem>> -> memref<128xi32, #tpu.memory_space<vmem>>
      %dma_wait3A_318 = arith.constant 0 : i32
      %dma_wait3A_319 = arith.constant 0 : i32
      %dma_wait3A_320 = tpu.memref_slice %arg3[%dma_wait3A_318, %dma_wait3A_319] : memref<1000000x64xf32, #tpu.memory_space<hbm>> -> memref<1000000x64xf32, #tpu.memory_space<hbm>>
      tpu.wait_indirect_dma semaphore(%arg21 : memref<!tpu.dma_semaphore, #tpu.memory_space<semaphore_mem>>) src(%dma_wait3A_320 : memref<1000000x64xf32, #tpu.memory_space<hbm>>) dst(%arg13 : memref<128x64xf32, #tpu.memory_space<vmem>>)
      %mul3A_321 = arith.constant 128 : i32
      %mul3A_322 = arith.muli %add3A_302, %mul3A_321 : i32
      %jit3A_323 = arith.constant 200 : i32
      %eq3A_324 = arith.constant 0 : i32
      %eq3A_325 = arith.cmpi eq, %jit3A_323, %eq3A_324 : i32
      %jit3A_326 = arith.constant 1 : i32
      %select_n3A_327 = arith.select %eq3A_325, %jit3A_326, %jit3A_323 : i32
      %rem3A_328 = arith.remsi %mul3A_322, %select_n3A_327 : i32
      %ne3A_329 = arith.constant 0 : i32
      %ne3A_330 = arith.cmpi ne, %rem3A_328, %ne3A_329 : i32
      %lt3A_331 = arith.constant 0 : i32
      %lt3A_332 = arith.cmpi slt, %rem3A_328, %lt3A_331 : i32
      %lt3A_333 = arith.constant 0 : i32
      %lt3A_334 = arith.cmpi slt, %select_n3A_327, %lt3A_333 : i32
      %ne3A_335 = arith.xori %lt3A_332, %lt3A_334 : i1
      %and3A_336 = arith.andi %ne3A_335, %ne3A_330 : i1
      %add3A_337 = arith.addi %rem3A_328, %select_n3A_327 : i32
      %select_n3A_338 = arith.select %and3A_336, %add3A_337, %rem3A_328 : i32
      %parallel_loop3A_339 = arith.constant 0 : i32
      %parallel_loop3A_340 = arith.constant 128 : i32
      %parallel_loop3A_341 = arith.constant 1 : i32
      scf.for %parallel_loop3A_449 = %parallel_loop3A_339 to %parallel_loop3A_340 step %parallel_loop3A_341  : i32 {
        %parallel_loop3A_450 = arith.index_cast %parallel_loop3A_449 : i32 to index
        %parallel_loop3A_451 = arith.constant 0 : index
        %parallel_loop3A_452 = tpu.vector_load %arg13[%parallel_loop3A_450, %parallel_loop3A_451] {strides = array<i32>} : memref<128x64xf32, #tpu.memory_space<vmem>>, vector<1x16xf32>,
        %parallel_loop3A_453 = vector.shape_cast %parallel_loop3A_452 : vector<1x16xf32> to vector<16xf32>
        %parallel_loop3A_454 = arith.addi %select_n3A_338, %parallel_loop3A_449 : i32
        %parallel_loop3A_455 = arith.index_cast %parallel_loop3A_454 : i32 to index
        %parallel_loop3A_456 = arith.constant 0 : index
        %parallel_loop3A_457 = tpu.vector_load %arg7[%parallel_loop3A_455, %parallel_loop3A_456] {strides = array<i32>} : memref<400x64xf32, #tpu.memory_space<vmem>>, vector<1x16xf32>,
        %parallel_loop3A_458 = vector.shape_cast %parallel_loop3A_457 : vector<1x16xf32> to vector<16xf32>
        %parallel_loop3A_459 = arith.addf %parallel_loop3A_453, %parallel_loop3A_458 : vector<16xf32>
        %parallel_loop3A_460 = arith.index_cast %parallel_loop3A_449 : i32 to index
        %parallel_loop3A_461 = arith.constant 0 : index
        %parallel_loop3A_462 = tpu.vector_load %arg13[%parallel_loop3A_460, %parallel_loop3A_461] {strides = array<i32>} : memref<128x64xf32, #tpu.memory_space<vmem>>, vector<1x16xf32>,
        %parallel_loop3A_463 = vector.shape_cast %parallel_loop3A_462 : vector<1x16xf32> to vector<16xf32>
        %parallel_loop3A_464 = vector.shape_cast %parallel_loop3A_459 : vector<16xf32> to vector<1x16xf32>
        tpu.vector_store %arg13[%parallel_loop3A_460, %parallel_loop3A_461], %parallel_loop3A_464 {strides = array<i32>} : memref<128x64xf32, #tpu.memory_space<vmem>>, vector<1x16xf32>,
        %parallel_loop3A_465 = arith.index_cast %parallel_loop3A_449 : i32 to index
        %parallel_loop3A_466 = arith.constant 16 : index
        %parallel_loop3A_467 = tpu.vector_load %arg13[%parallel_loop3A_465, %parallel_loop3A_466] {strides = array<i32>} : memref<128x64xf32, #tpu.memory_space<vmem>>, vector<1x16xf32>,
        %parallel_loop3A_468 = vector.shape_cast %parallel_loop3A_467 : vector<1x16xf32> to vector<16xf32>
        %parallel_loop3A_469 = arith.addi %select_n3A_338, %parallel_loop3A_449 : i32
        %parallel_loop3A_470 = arith.index_cast %parallel_loop3A_469 : i32 to index
        %parallel_loop3A_471 = arith.constant 16 : index
        %parallel_loop3A_472 = tpu.vector_load %arg7[%parallel_loop3A_470, %parallel_loop3A_471] {strides = array<i32>} : memref<400x64xf32, #tpu.memory_space<vmem>>, vector<1x16xf32>,
        %parallel_loop3A_473 = vector.shape_cast %parallel_loop3A_472 : vector<1x16xf32> to vector<16xf32>
        %parallel_loop3A_474 = arith.addf %parallel_loop3A_468, %parallel_loop3A_473 : vector<16xf32>
        %parallel_loop3A_475 = arith.index_cast %parallel_loop3A_449 : i32 to index
        %parallel_loop3A_476 = arith.constant 16 : index
        %parallel_loop3A_477 = tpu.vector_load %arg13[%parallel_loop3A_475, %parallel_loop3A_476] {strides = array<i32>} : memref<128x64xf32, #tpu.memory_space<vmem>>, vector<1x16xf32>,
        %parallel_loop3A_478 = vector.shape_cast %parallel_loop3A_477 : vector<1x16xf32> to vector<16xf32>
        %parallel_loop3A_479 = vector.shape_cast %parallel_loop3A_474 : vector<16xf32> to vector<1x16xf32>
        tpu.vector_store %arg13[%parallel_loop3A_475, %parallel_loop3A_476], %parallel_loop3A_479 {strides = array<i32>} : memref<128x64xf32, #tpu.memory_space<vmem>>, vector<1x16xf32>,
        %parallel_loop3A_480 = arith.index_cast %parallel_loop3A_449 : i32 to index
        %parallel_loop3A_481 = arith.constant 32 : index
        %parallel_loop3A_482 = tpu.vector_load %arg13[%parallel_loop3A_480, %parallel_loop3A_481] {strides = array<i32>} : memref<128x64xf32, #tpu.memory_space<vmem>>, vector<1x16xf32>,
        %parallel_loop3A_483 = vector.shape_cast %parallel_loop3A_482 : vector<1x16xf32> to vector<16xf32>
        %parallel_loop3A_484 = arith.addi %select_n3A_338, %parallel_loop3A_449 : i32
        %parallel_loop3A_485 = arith.index_cast %parallel_loop3A_484 : i32 to index
        %parallel_loop3A_486 = arith.constant 32 : index
        %parallel_loop3A_487 = tpu.vector_load %arg7[%parallel_loop3A_485, %parallel_loop3A_486] {strides = array<i32>} : memref<400x64xf32, #tpu.memory_space<vmem>>, vector<1x16xf32>,
        %parallel_loop3A_488 = vector.shape_cast %parallel_loop3A_487 : vector<1x16xf32> to vector<16xf32>
        %parallel_loop3A_489 = arith.addf %parallel_loop3A_483, %parallel_loop3A_488 : vector<16xf32>
        %parallel_loop3A_490 = arith.index_cast %parallel_loop3A_449 : i32 to index
        %parallel_loop3A_491 = arith.constant 32 : index
        %parallel_loop3A_492 = tpu.vector_load %arg13[%parallel_loop3A_490, %parallel_loop3A_491] {strides = array<i32>} : memref<128x64xf32, #tpu.memory_space<vmem>>, vector<1x16xf32>,
        %parallel_loop3A_493 = vector.shape_cast %parallel_loop3A_492 : vector<1x16xf32> to vector<16xf32>
        %parallel_loop3A_494 = vector.shape_cast %parallel_loop3A_489 : vector<16xf32> to vector<1x16xf32>
        tpu.vector_store %arg13[%parallel_loop3A_490, %parallel_loop3A_491], %parallel_loop3A_494 {strides = array<i32>} : memref<128x64xf32, #tpu.memory_space<vmem>>, vector<1x16xf32>,
        %parallel_loop3A_495 = arith.index_cast %parallel_loop3A_449 : i32 to index
        %parallel_loop3A_496 = arith.constant 48 : index
        %parallel_loop3A_497 = tpu.vector_load %arg13[%parallel_loop3A_495, %parallel_loop3A_496] {strides = array<i32>} : memref<128x64xf32, #tpu.memory_space<vmem>>, vector<1x16xf32>,
        %parallel_loop3A_498 = vector.shape_cast %parallel_loop3A_497 : vector<1x16xf32> to vector<16xf32>
        %parallel_loop3A_499 = arith.addi %select_n3A_338, %parallel_loop3A_449 : i32
        %parallel_loop3A_500 = arith.index_cast %parallel_loop3A_499 : i32 to index
        %parallel_loop3A_501 = arith.constant 48 : index
        %parallel_loop3A_502 = tpu.vector_load %arg7[%parallel_loop3A_500, %parallel_loop3A_501] {strides = array<i32>} : memref<400x64xf32, #tpu.memory_space<vmem>>, vector<1x16xf32>,
        %parallel_loop3A_503 = vector.shape_cast %parallel_loop3A_502 : vector<1x16xf32> to vector<16xf32>
        %parallel_loop3A_504 = arith.addf %parallel_loop3A_498, %parallel_loop3A_503 : vector<16xf32>
        %parallel_loop3A_505 = arith.index_cast %parallel_loop3A_449 : i32 to index
        %parallel_loop3A_506 = arith.constant 48 : index
        %parallel_loop3A_507 = tpu.vector_load %arg13[%parallel_loop3A_505, %parallel_loop3A_506] {strides = array<i32>} : memref<128x64xf32, #tpu.memory_space<vmem>>, vector<1x16xf32>,
        %parallel_loop3A_508 = vector.shape_cast %parallel_loop3A_507 : vector<1x16xf32> to vector<16xf32>
        %parallel_loop3A_509 = vector.shape_cast %parallel_loop3A_504 : vector<16xf32> to vector<1x16xf32>
        tpu.vector_store %arg13[%parallel_loop3A_505, %parallel_loop3A_506], %parallel_loop3A_509 {strides = array<i32>} : memref<128x64xf32, #tpu.memory_space<vmem>>, vector<1x16xf32>,
      } {sc.loop_unroll_factor = 8 : i64, sc.parallel_access}
      %mul3A_342 = arith.constant 128 : i32
      %mul3A_343 = arith.muli %add3A_302, %mul3A_342 : i32
      %add3A_344 = arith.addi %mul3A_2, %mul3A_343 : i32
      %dma_start3A_345 = arith.constant 0 : i32
      %dma_start3A_346 = tpu.memref_slice %arg5[%add3A_344, %dma_start3A_345] : memref<819200x64xf32, #tpu.memory_space<hbm>> -> memref<128x64xf32, #tpu.memory_space<hbm>>
      %dma_start3A_347 = arith.constant 0 : i32
      %dma_start3A_348 = tpu.memref_slice %arg5[%add3A_344, %dma_start3A_347] : memref<819200x64xf32, #tpu.memory_space<hbm>> -> memref<128x64xf32, #tpu.memory_space<hbm>>
      tpu.enqueue_dma source(%arg13 : memref<128x64xf32, #tpu.memory_space<vmem>>) target(%dma_start3A_348 : memref<128x64xf32, #tpu.memory_space<hbm>>) target_semaphore(%arg29 : memref<!tpu.dma_semaphore, #tpu.memory_space<semaphore_mem>>)
      %mul3A_349 = arith.constant 8 : i32
      %mul3A_350 = arith.muli %mul3A_349, %scan3A_59 : i32
      %add3A_351 = arith.constant 6 : i32
      %add3A_352 = arith.addi %mul3A_350, %add3A_351 : i32
      %ge3A_353 = arith.constant 3 : i32
      %ge3A_354 = arith.cmpi sge, %add3A_352, %ge3A_353 : i32
      %convert_element_type3A_355 = arith.extui %ge3A_354 : i1 to i32
      %cond3A_356 = arith.constant 0 : i32
      %cond3A_357 = arith.cmpi ne, %convert_element_type3A_355, %cond3A_356 : i32
      scf.if %cond3A_357 {
        %sub3A = arith.constant 3 : i32
        %sub3A_449 = arith.subi %add3A_352, %sub3A : i32
        %mul3A_450 = arith.constant 128 : i32
        %mul3A_451 = arith.muli %sub3A_449, %mul3A_450 : i32
        %add3A_452 = arith.addi %mul3A_2, %mul3A_451 : i32
        %dma_wait3A_453 = arith.constant 0 : i32
        %dma_wait3A_454 = tpu.memref_slice %arg5[%add3A_452, %dma_wait3A_453] : memref<819200x64xf32, #tpu.memory_space<hbm>> -> memref<128x64xf32, #tpu.memory_space<hbm>>
        %dma_wait3A_455 = arith.constant 0 : i32
        %dma_wait3A_456 = tpu.memref_slice %arg5[%add3A_452, %dma_wait3A_455] : memref<819200x64xf32, #tpu.memory_space<hbm>> -> memref<128x64xf32, #tpu.memory_space<hbm>>
        tpu.wait_dma2 semaphore(%arg27 : memref<!tpu.dma_semaphore, #tpu.memory_space<semaphore_mem>>) src(%arg11 : memref<128x64xf32, #tpu.memory_space<vmem>>) dst(%dma_wait3A_456 : memref<128x64xf32, #tpu.memory_space<hbm>>)
      } else {
      }
      %add3A_358 = arith.constant 5 : i32
      %add3A_359 = arith.addi %add3A_352, %add3A_358 : i32
      %lt3A_360 = arith.constant 200 : i32
      %lt3A_361 = arith.cmpi slt, %add3A_359, %lt3A_360 : i32
      %convert_element_type3A_362 = arith.extui %lt3A_361 : i1 to i32
      %cond3A_363 = arith.constant 0 : i32
      %cond3A_364 = arith.cmpi ne, %convert_element_type3A_362, %cond3A_363 : i32
      scf.if %cond3A_364 {
        %add3A_449 = arith.constant 5 : i32
        %add3A_450 = arith.addi %add3A_352, %add3A_449 : i32
        %dma_start3A_451 = arith.constant 0 : i32
        %dma_start3A_452 = tpu.memref_slice %arg6[%add3A_450, %dma_start3A_451] : memref<200x128xi32, #tpu.memory_space<vmem>> -> memref<1x128xi32, #tpu.memory_space<vmem>>
        %dma_start3A_453 = tpu.memref_squeeze %dma_start3A_452 : memref<1x128xi32, #tpu.memory_space<vmem>> -> memref<128xi32, #tpu.memory_space<vmem>>
        %dma_start3A_454 = arith.constant 0 : i32
        %dma_start3A_455 = arith.constant 0 : i32
        %dma_start3A_456 = tpu.memref_slice %arg3[%dma_start3A_454, %dma_start3A_455] : memref<1000000x64xf32, #tpu.memory_space<hbm>> -> memref<1000000x64xf32, #tpu.memory_space<hbm>>
        tpu.enqueue_indirect_dma source(%dma_start3A_456 : memref<1000000x64xf32, #tpu.memory_space<hbm>>) target(%arg11 : memref<128x64xf32, #tpu.memory_space<vmem>>) offsets(%dma_start3A_453 : memref<128xi32, #tpu.memory_space<vmem>>) semaphore(%arg19 : memref<!tpu.dma_semaphore, #tpu.memory_space<semaphore_mem>>)
      } else {
      }
      %dma_wait3A_365 = arith.constant 0 : i32
      %dma_wait3A_366 = tpu.memref_slice %arg6[%add3A_352, %dma_wait3A_365] : memref<200x128xi32, #tpu.memory_space<vmem>> -> memref<1x128xi32, #tpu.memory_space<vmem>>
      %dma_wait3A_367 = tpu.memref_squeeze %dma_wait3A_366 : memref<1x128xi32, #tpu.memory_space<vmem>> -> memref<128xi32, #tpu.memory_space<vmem>>
      %dma_wait3A_368 = arith.constant 0 : i32
      %dma_wait3A_369 = arith.constant 0 : i32
      %dma_wait3A_370 = tpu.memref_slice %arg3[%dma_wait3A_368, %dma_wait3A_369] : memref<1000000x64xf32, #tpu.memory_space<hbm>> -> memref<1000000x64xf32, #tpu.memory_space<hbm>>
      tpu.wait_indirect_dma semaphore(%arg22 : memref<!tpu.dma_semaphore, #tpu.memory_space<semaphore_mem>>) src(%dma_wait3A_370 : memref<1000000x64xf32, #tpu.memory_space<hbm>>) dst(%arg14 : memref<128x64xf32, #tpu.memory_space<vmem>>)
      %mul3A_371 = arith.constant 128 : i32
      %mul3A_372 = arith.muli %add3A_352, %mul3A_371 : i32
      %jit3A_373 = arith.constant 200 : i32
      %eq3A_374 = arith.constant 0 : i32
      %eq3A_375 = arith.cmpi eq, %jit3A_373, %eq3A_374 : i32
      %jit3A_376 = arith.constant 1 : i32
      %select_n3A_377 = arith.select %eq3A_375, %jit3A_376, %jit3A_373 : i32
      %rem3A_378 = arith.remsi %mul3A_372, %select_n3A_377 : i32
      %ne3A_379 = arith.constant 0 : i32
      %ne3A_380 = arith.cmpi ne, %rem3A_378, %ne3A_379 : i32
      %lt3A_381 = arith.constant 0 : i32
      %lt3A_382 = arith.cmpi slt, %rem3A_378, %lt3A_381 : i32
      %lt3A_383 = arith.constant 0 : i32
      %lt3A_384 = arith.cmpi slt, %select_n3A_377, %lt3A_383 : i32
      %ne3A_385 = arith.xori %lt3A_382, %lt3A_384 : i1
      %and3A_386 = arith.andi %ne3A_385, %ne3A_380 : i1
      %add3A_387 = arith.addi %rem3A_378, %select_n3A_377 : i32
      %select_n3A_388 = arith.select %and3A_386, %add3A_387, %rem3A_378 : i32
      %parallel_loop3A_389 = arith.constant 0 : i32
      %parallel_loop3A_390 = arith.constant 128 : i32
      %parallel_loop3A_391 = arith.constant 1 : i32
      scf.for %parallel_loop3A_449 = %parallel_loop3A_389 to %parallel_loop3A_390 step %parallel_loop3A_391  : i32 {
        %parallel_loop3A_450 = arith.index_cast %parallel_loop3A_449 : i32 to index
        %parallel_loop3A_451 = arith.constant 0 : index
        %parallel_loop3A_452 = tpu.vector_load %arg14[%parallel_loop3A_450, %parallel_loop3A_451] {strides = array<i32>} : memref<128x64xf32, #tpu.memory_space<vmem>>, vector<1x16xf32>,
        %parallel_loop3A_453 = vector.shape_cast %parallel_loop3A_452 : vector<1x16xf32> to vector<16xf32>
        %parallel_loop3A_454 = arith.addi %select_n3A_388, %parallel_loop3A_449 : i32
        %parallel_loop3A_455 = arith.index_cast %parallel_loop3A_454 : i32 to index
        %parallel_loop3A_456 = arith.constant 0 : index
        %parallel_loop3A_457 = tpu.vector_load %arg7[%parallel_loop3A_455, %parallel_loop3A_456] {strides = array<i32>} : memref<400x64xf32, #tpu.memory_space<vmem>>, vector<1x16xf32>,
        %parallel_loop3A_458 = vector.shape_cast %parallel_loop3A_457 : vector<1x16xf32> to vector<16xf32>
        %parallel_loop3A_459 = arith.addf %parallel_loop3A_453, %parallel_loop3A_458 : vector<16xf32>
        %parallel_loop3A_460 = arith.index_cast %parallel_loop3A_449 : i32 to index
        %parallel_loop3A_461 = arith.constant 0 : index
        %parallel_loop3A_462 = tpu.vector_load %arg14[%parallel_loop3A_460, %parallel_loop3A_461] {strides = array<i32>} : memref<128x64xf32, #tpu.memory_space<vmem>>, vector<1x16xf32>,
        %parallel_loop3A_463 = vector.shape_cast %parallel_loop3A_462 : vector<1x16xf32> to vector<16xf32>
        %parallel_loop3A_464 = vector.shape_cast %parallel_loop3A_459 : vector<16xf32> to vector<1x16xf32>
        tpu.vector_store %arg14[%parallel_loop3A_460, %parallel_loop3A_461], %parallel_loop3A_464 {strides = array<i32>} : memref<128x64xf32, #tpu.memory_space<vmem>>, vector<1x16xf32>,
        %parallel_loop3A_465 = arith.index_cast %parallel_loop3A_449 : i32 to index
        %parallel_loop3A_466 = arith.constant 16 : index
        %parallel_loop3A_467 = tpu.vector_load %arg14[%parallel_loop3A_465, %parallel_loop3A_466] {strides = array<i32>} : memref<128x64xf32, #tpu.memory_space<vmem>>, vector<1x16xf32>,
        %parallel_loop3A_468 = vector.shape_cast %parallel_loop3A_467 : vector<1x16xf32> to vector<16xf32>
        %parallel_loop3A_469 = arith.addi %select_n3A_388, %parallel_loop3A_449 : i32
        %parallel_loop3A_470 = arith.index_cast %parallel_loop3A_469 : i32 to index
        %parallel_loop3A_471 = arith.constant 16 : index
        %parallel_loop3A_472 = tpu.vector_load %arg7[%parallel_loop3A_470, %parallel_loop3A_471] {strides = array<i32>} : memref<400x64xf32, #tpu.memory_space<vmem>>, vector<1x16xf32>,
        %parallel_loop3A_473 = vector.shape_cast %parallel_loop3A_472 : vector<1x16xf32> to vector<16xf32>
        %parallel_loop3A_474 = arith.addf %parallel_loop3A_468, %parallel_loop3A_473 : vector<16xf32>
        %parallel_loop3A_475 = arith.index_cast %parallel_loop3A_449 : i32 to index
        %parallel_loop3A_476 = arith.constant 16 : index
        %parallel_loop3A_477 = tpu.vector_load %arg14[%parallel_loop3A_475, %parallel_loop3A_476] {strides = array<i32>} : memref<128x64xf32, #tpu.memory_space<vmem>>, vector<1x16xf32>,
        %parallel_loop3A_478 = vector.shape_cast %parallel_loop3A_477 : vector<1x16xf32> to vector<16xf32>
        %parallel_loop3A_479 = vector.shape_cast %parallel_loop3A_474 : vector<16xf32> to vector<1x16xf32>
        tpu.vector_store %arg14[%parallel_loop3A_475, %parallel_loop3A_476], %parallel_loop3A_479 {strides = array<i32>} : memref<128x64xf32, #tpu.memory_space<vmem>>, vector<1x16xf32>,
        %parallel_loop3A_480 = arith.index_cast %parallel_loop3A_449 : i32 to index
        %parallel_loop3A_481 = arith.constant 32 : index
        %parallel_loop3A_482 = tpu.vector_load %arg14[%parallel_loop3A_480, %parallel_loop3A_481] {strides = array<i32>} : memref<128x64xf32, #tpu.memory_space<vmem>>, vector<1x16xf32>,
        %parallel_loop3A_483 = vector.shape_cast %parallel_loop3A_482 : vector<1x16xf32> to vector<16xf32>
        %parallel_loop3A_484 = arith.addi %select_n3A_388, %parallel_loop3A_449 : i32
        %parallel_loop3A_485 = arith.index_cast %parallel_loop3A_484 : i32 to index
        %parallel_loop3A_486 = arith.constant 32 : index
        %parallel_loop3A_487 = tpu.vector_load %arg7[%parallel_loop3A_485, %parallel_loop3A_486] {strides = array<i32>} : memref<400x64xf32, #tpu.memory_space<vmem>>, vector<1x16xf32>,
        %parallel_loop3A_488 = vector.shape_cast %parallel_loop3A_487 : vector<1x16xf32> to vector<16xf32>
        %parallel_loop3A_489 = arith.addf %parallel_loop3A_483, %parallel_loop3A_488 : vector<16xf32>
        %parallel_loop3A_490 = arith.index_cast %parallel_loop3A_449 : i32 to index
        %parallel_loop3A_491 = arith.constant 32 : index
        %parallel_loop3A_492 = tpu.vector_load %arg14[%parallel_loop3A_490, %parallel_loop3A_491] {strides = array<i32>} : memref<128x64xf32, #tpu.memory_space<vmem>>, vector<1x16xf32>,
        %parallel_loop3A_493 = vector.shape_cast %parallel_loop3A_492 : vector<1x16xf32> to vector<16xf32>
        %parallel_loop3A_494 = vector.shape_cast %parallel_loop3A_489 : vector<16xf32> to vector<1x16xf32>
        tpu.vector_store %arg14[%parallel_loop3A_490, %parallel_loop3A_491], %parallel_loop3A_494 {strides = array<i32>} : memref<128x64xf32, #tpu.memory_space<vmem>>, vector<1x16xf32>,
        %parallel_loop3A_495 = arith.index_cast %parallel_loop3A_449 : i32 to index
        %parallel_loop3A_496 = arith.constant 48 : index
        %parallel_loop3A_497 = tpu.vector_load %arg14[%parallel_loop3A_495, %parallel_loop3A_496] {strides = array<i32>} : memref<128x64xf32, #tpu.memory_space<vmem>>, vector<1x16xf32>,
        %parallel_loop3A_498 = vector.shape_cast %parallel_loop3A_497 : vector<1x16xf32> to vector<16xf32>
        %parallel_loop3A_499 = arith.addi %select_n3A_388, %parallel_loop3A_449 : i32
        %parallel_loop3A_500 = arith.index_cast %parallel_loop3A_499 : i32 to index
        %parallel_loop3A_501 = arith.constant 48 : index
        %parallel_loop3A_502 = tpu.vector_load %arg7[%parallel_loop3A_500, %parallel_loop3A_501] {strides = array<i32>} : memref<400x64xf32, #tpu.memory_space<vmem>>, vector<1x16xf32>,
        %parallel_loop3A_503 = vector.shape_cast %parallel_loop3A_502 : vector<1x16xf32> to vector<16xf32>
        %parallel_loop3A_504 = arith.addf %parallel_loop3A_498, %parallel_loop3A_503 : vector<16xf32>
        %parallel_loop3A_505 = arith.index_cast %parallel_loop3A_449 : i32 to index
        %parallel_loop3A_506 = arith.constant 48 : index
        %parallel_loop3A_507 = tpu.vector_load %arg14[%parallel_loop3A_505, %parallel_loop3A_506] {strides = array<i32>} : memref<128x64xf32, #tpu.memory_space<vmem>>, vector<1x16xf32>,
        %parallel_loop3A_508 = vector.shape_cast %parallel_loop3A_507 : vector<1x16xf32> to vector<16xf32>
        %parallel_loop3A_509 = vector.shape_cast %parallel_loop3A_504 : vector<16xf32> to vector<1x16xf32>
        tpu.vector_store %arg14[%parallel_loop3A_505, %parallel_loop3A_506], %parallel_loop3A_509 {strides = array<i32>} : memref<128x64xf32, #tpu.memory_space<vmem>>, vector<1x16xf32>,
      } {sc.loop_unroll_factor = 8 : i64, sc.parallel_access}
      %mul3A_392 = arith.constant 128 : i32
      %mul3A_393 = arith.muli %add3A_352, %mul3A_392 : i32
      %add3A_394 = arith.addi %mul3A_2, %mul3A_393 : i32
      %dma_start3A_395 = arith.constant 0 : i32
      %dma_start3A_396 = tpu.memref_slice %arg5[%add3A_394, %dma_start3A_395] : memref<819200x64xf32, #tpu.memory_space<hbm>> -> memref<128x64xf32, #tpu.memory_space<hbm>>
      %dma_start3A_397 = arith.constant 0 : i32
      %dma_start3A_398 = tpu.memref_slice %arg5[%add3A_394, %dma_start3A_397] : memref<819200x64xf32, #tpu.memory_space<hbm>> -> memref<128x64xf32, #tpu.memory_space<hbm>>
      tpu.enqueue_dma source(%arg14 : memref<128x64xf32, #tpu.memory_space<vmem>>) target(%dma_start3A_398 : memref<128x64xf32, #tpu.memory_space<hbm>>) target_semaphore(%arg30 : memref<!tpu.dma_semaphore, #tpu.memory_space<semaphore_mem>>)
      %mul3A_399 = arith.constant 8 : i32
      %mul3A_400 = arith.muli %mul3A_399, %scan3A_59 : i32
      %add3A_401 = arith.constant 7 : i32
      %add3A_402 = arith.addi %mul3A_400, %add3A_401 : i32
      %ge3A_403 = arith.constant 3 : i32
      %ge3A_404 = arith.cmpi sge, %add3A_402, %ge3A_403 : i32
      %convert_element_type3A_405 = arith.extui %ge3A_404 : i1 to i32
      %cond3A_406 = arith.constant 0 : i32
      %cond3A_407 = arith.cmpi ne, %convert_element_type3A_405, %cond3A_406 : i32
      scf.if %cond3A_407 {
        %sub3A = arith.constant 3 : i32
        %sub3A_449 = arith.subi %add3A_402, %sub3A : i32
        %mul3A_450 = arith.constant 128 : i32
        %mul3A_451 = arith.muli %sub3A_449, %mul3A_450 : i32
        %add3A_452 = arith.addi %mul3A_2, %mul3A_451 : i32
        %dma_wait3A_453 = arith.constant 0 : i32
        %dma_wait3A_454 = tpu.memref_slice %arg5[%add3A_452, %dma_wait3A_453] : memref<819200x64xf32, #tpu.memory_space<hbm>> -> memref<128x64xf32, #tpu.memory_space<hbm>>
        %dma_wait3A_455 = arith.constant 0 : i32
        %dma_wait3A_456 = tpu.memref_slice %arg5[%add3A_452, %dma_wait3A_455] : memref<819200x64xf32, #tpu.memory_space<hbm>> -> memref<128x64xf32, #tpu.memory_space<hbm>>
        tpu.wait_dma2 semaphore(%arg28 : memref<!tpu.dma_semaphore, #tpu.memory_space<semaphore_mem>>) src(%arg12 : memref<128x64xf32, #tpu.memory_space<vmem>>) dst(%dma_wait3A_456 : memref<128x64xf32, #tpu.memory_space<hbm>>)
      } else {
      }
      %add3A_408 = arith.constant 5 : i32
      %add3A_409 = arith.addi %add3A_402, %add3A_408 : i32
      %lt3A_410 = arith.constant 200 : i32
      %lt3A_411 = arith.cmpi slt, %add3A_409, %lt3A_410 : i32
      %convert_element_type3A_412 = arith.extui %lt3A_411 : i1 to i32
      %cond3A_413 = arith.constant 0 : i32
      %cond3A_414 = arith.cmpi ne, %convert_element_type3A_412, %cond3A_413 : i32
      scf.if %cond3A_414 {
        %add3A_449 = arith.constant 5 : i32
        %add3A_450 = arith.addi %add3A_402, %add3A_449 : i32
        %dma_start3A_451 = arith.constant 0 : i32
        %dma_start3A_452 = tpu.memref_slice %arg6[%add3A_450, %dma_start3A_451] : memref<200x128xi32, #tpu.memory_space<vmem>> -> memref<1x128xi32, #tpu.memory_space<vmem>>
        %dma_start3A_453 = tpu.memref_squeeze %dma_start3A_452 : memref<1x128xi32, #tpu.memory_space<vmem>> -> memref<128xi32, #tpu.memory_space<vmem>>
        %dma_start3A_454 = arith.constant 0 : i32
        %dma_start3A_455 = arith.constant 0 : i32
        %dma_start3A_456 = tpu.memref_slice %arg3[%dma_start3A_454, %dma_start3A_455] : memref<1000000x64xf32, #tpu.memory_space<hbm>> -> memref<1000000x64xf32, #tpu.memory_space<hbm>>
        tpu.enqueue_indirect_dma source(%dma_start3A_456 : memref<1000000x64xf32, #tpu.memory_space<hbm>>) target(%arg12 : memref<128x64xf32, #tpu.memory_space<vmem>>) offsets(%dma_start3A_453 : memref<128xi32, #tpu.memory_space<vmem>>) semaphore(%arg20 : memref<!tpu.dma_semaphore, #tpu.memory_space<semaphore_mem>>)
      } else {
      }
      %dma_wait3A_415 = arith.constant 0 : i32
      %dma_wait3A_416 = tpu.memref_slice %arg6[%add3A_402, %dma_wait3A_415] : memref<200x128xi32, #tpu.memory_space<vmem>> -> memref<1x128xi32, #tpu.memory_space<vmem>>
      %dma_wait3A_417 = tpu.memref_squeeze %dma_wait3A_416 : memref<1x128xi32, #tpu.memory_space<vmem>> -> memref<128xi32, #tpu.memory_space<vmem>>
      %dma_wait3A_418 = arith.constant 0 : i32
      %dma_wait3A_419 = arith.constant 0 : i32
      %dma_wait3A_420 = tpu.memref_slice %arg3[%dma_wait3A_418, %dma_wait3A_419] : memref<1000000x64xf32, #tpu.memory_space<hbm>> -> memref<1000000x64xf32, #tpu.memory_space<hbm>>
      tpu.wait_indirect_dma semaphore(%arg23 : memref<!tpu.dma_semaphore, #tpu.memory_space<semaphore_mem>>) src(%dma_wait3A_420 : memref<1000000x64xf32, #tpu.memory_space<hbm>>) dst(%arg15 : memref<128x64xf32, #tpu.memory_space<vmem>>)
      %mul3A_421 = arith.constant 128 : i32
      %mul3A_422 = arith.muli %add3A_402, %mul3A_421 : i32
      %jit3A_423 = arith.constant 200 : i32
      %eq3A_424 = arith.constant 0 : i32
      %eq3A_425 = arith.cmpi eq, %jit3A_423, %eq3A_424 : i32
      %jit3A_426 = arith.constant 1 : i32
      %select_n3A_427 = arith.select %eq3A_425, %jit3A_426, %jit3A_423 : i32
      %rem3A_428 = arith.remsi %mul3A_422, %select_n3A_427 : i32
      %ne3A_429 = arith.constant 0 : i32
      %ne3A_430 = arith.cmpi ne, %rem3A_428, %ne3A_429 : i32
      %lt3A_431 = arith.constant 0 : i32
      %lt3A_432 = arith.cmpi slt, %rem3A_428, %lt3A_431 : i32
      %lt3A_433 = arith.constant 0 : i32
      %lt3A_434 = arith.cmpi slt, %select_n3A_427, %lt3A_433 : i32
      %ne3A_435 = arith.xori %lt3A_432, %lt3A_434 : i1
      %and3A_436 = arith.andi %ne3A_435, %ne3A_430 : i1
      %add3A_437 = arith.addi %rem3A_428, %select_n3A_427 : i32
      %select_n3A_438 = arith.select %and3A_436, %add3A_437, %rem3A_428 : i32
      %parallel_loop3A_439 = arith.constant 0 : i32
      %parallel_loop3A_440 = arith.constant 128 : i32
      %parallel_loop3A_441 = arith.constant 1 : i32
      scf.for %parallel_loop3A_449 = %parallel_loop3A_439 to %parallel_loop3A_440 step %parallel_loop3A_441  : i32 {
        %parallel_loop3A_450 = arith.index_cast %parallel_loop3A_449 : i32 to index
        %parallel_loop3A_451 = arith.constant 0 : index
        %parallel_loop3A_452 = tpu.vector_load %arg15[%parallel_loop3A_450, %parallel_loop3A_451] {strides = array<i32>} : memref<128x64xf32, #tpu.memory_space<vmem>>, vector<1x16xf32>,
        %parallel_loop3A_453 = vector.shape_cast %parallel_loop3A_452 : vector<1x16xf32> to vector<16xf32>
        %parallel_loop3A_454 = arith.addi %select_n3A_438, %parallel_loop3A_449 : i32
        %parallel_loop3A_455 = arith.index_cast %parallel_loop3A_454 : i32 to index
        %parallel_loop3A_456 = arith.constant 0 : index
        %parallel_loop3A_457 = tpu.vector_load %arg7[%parallel_loop3A_455, %parallel_loop3A_456] {strides = array<i32>} : memref<400x64xf32, #tpu.memory_space<vmem>>, vector<1x16xf32>,
        %parallel_loop3A_458 = vector.shape_cast %parallel_loop3A_457 : vector<1x16xf32> to vector<16xf32>
        %parallel_loop3A_459 = arith.addf %parallel_loop3A_453, %parallel_loop3A_458 : vector<16xf32>
        %parallel_loop3A_460 = arith.index_cast %parallel_loop3A_449 : i32 to index
        %parallel_loop3A_461 = arith.constant 0 : index
        %parallel_loop3A_462 = tpu.vector_load %arg15[%parallel_loop3A_460, %parallel_loop3A_461] {strides = array<i32>} : memref<128x64xf32, #tpu.memory_space<vmem>>, vector<1x16xf32>,
        %parallel_loop3A_463 = vector.shape_cast %parallel_loop3A_462 : vector<1x16xf32> to vector<16xf32>
        %parallel_loop3A_464 = vector.shape_cast %parallel_loop3A_459 : vector<16xf32> to vector<1x16xf32>
        tpu.vector_store %arg15[%parallel_loop3A_460, %parallel_loop3A_461], %parallel_loop3A_464 {strides = array<i32>} : memref<128x64xf32, #tpu.memory_space<vmem>>, vector<1x16xf32>,
        %parallel_loop3A_465 = arith.index_cast %parallel_loop3A_449 : i32 to index
        %parallel_loop3A_466 = arith.constant 16 : index
        %parallel_loop3A_467 = tpu.vector_load %arg15[%parallel_loop3A_465, %parallel_loop3A_466] {strides = array<i32>} : memref<128x64xf32, #tpu.memory_space<vmem>>, vector<1x16xf32>,
        %parallel_loop3A_468 = vector.shape_cast %parallel_loop3A_467 : vector<1x16xf32> to vector<16xf32>
        %parallel_loop3A_469 = arith.addi %select_n3A_438, %parallel_loop3A_449 : i32
        %parallel_loop3A_470 = arith.index_cast %parallel_loop3A_469 : i32 to index
        %parallel_loop3A_471 = arith.constant 16 : index
        %parallel_loop3A_472 = tpu.vector_load %arg7[%parallel_loop3A_470, %parallel_loop3A_471] {strides = array<i32>} : memref<400x64xf32, #tpu.memory_space<vmem>>, vector<1x16xf32>,
        %parallel_loop3A_473 = vector.shape_cast %parallel_loop3A_472 : vector<1x16xf32> to vector<16xf32>
        %parallel_loop3A_474 = arith.addf %parallel_loop3A_468, %parallel_loop3A_473 : vector<16xf32>
        %parallel_loop3A_475 = arith.index_cast %parallel_loop3A_449 : i32 to index
        %parallel_loop3A_476 = arith.constant 16 : index
        %parallel_loop3A_477 = tpu.vector_load %arg15[%parallel_loop3A_475, %parallel_loop3A_476] {strides = array<i32>} : memref<128x64xf32, #tpu.memory_space<vmem>>, vector<1x16xf32>,
        %parallel_loop3A_478 = vector.shape_cast %parallel_loop3A_477 : vector<1x16xf32> to vector<16xf32>
        %parallel_loop3A_479 = vector.shape_cast %parallel_loop3A_474 : vector<16xf32> to vector<1x16xf32>
        tpu.vector_store %arg15[%parallel_loop3A_475, %parallel_loop3A_476], %parallel_loop3A_479 {strides = array<i32>} : memref<128x64xf32, #tpu.memory_space<vmem>>, vector<1x16xf32>,
        %parallel_loop3A_480 = arith.index_cast %parallel_loop3A_449 : i32 to index
        %parallel_loop3A_481 = arith.constant 32 : index
        %parallel_loop3A_482 = tpu.vector_load %arg15[%parallel_loop3A_480, %parallel_loop3A_481] {strides = array<i32>} : memref<128x64xf32, #tpu.memory_space<vmem>>, vector<1x16xf32>,
        %parallel_loop3A_483 = vector.shape_cast %parallel_loop3A_482 : vector<1x16xf32> to vector<16xf32>
        %parallel_loop3A_484 = arith.addi %select_n3A_438, %parallel_loop3A_449 : i32
        %parallel_loop3A_485 = arith.index_cast %parallel_loop3A_484 : i32 to index
        %parallel_loop3A_486 = arith.constant 32 : index
        %parallel_loop3A_487 = tpu.vector_load %arg7[%parallel_loop3A_485, %parallel_loop3A_486] {strides = array<i32>} : memref<400x64xf32, #tpu.memory_space<vmem>>, vector<1x16xf32>,
        %parallel_loop3A_488 = vector.shape_cast %parallel_loop3A_487 : vector<1x16xf32> to vector<16xf32>
        %parallel_loop3A_489 = arith.addf %parallel_loop3A_483, %parallel_loop3A_488 : vector<16xf32>
        %parallel_loop3A_490 = arith.index_cast %parallel_loop3A_449 : i32 to index
        %parallel_loop3A_491 = arith.constant 32 : index
        %parallel_loop3A_492 = tpu.vector_load %arg15[%parallel_loop3A_490, %parallel_loop3A_491] {strides = array<i32>} : memref<128x64xf32, #tpu.memory_space<vmem>>, vector<1x16xf32>,
        %parallel_loop3A_493 = vector.shape_cast %parallel_loop3A_492 : vector<1x16xf32> to vector<16xf32>
        %parallel_loop3A_494 = vector.shape_cast %parallel_loop3A_489 : vector<16xf32> to vector<1x16xf32>
        tpu.vector_store %arg15[%parallel_loop3A_490, %parallel_loop3A_491], %parallel_loop3A_494 {strides = array<i32>} : memref<128x64xf32, #tpu.memory_space<vmem>>, vector<1x16xf32>,
        %parallel_loop3A_495 = arith.index_cast %parallel_loop3A_449 : i32 to index
        %parallel_loop3A_496 = arith.constant 48 : index
        %parallel_loop3A_497 = tpu.vector_load %arg15[%parallel_loop3A_495, %parallel_loop3A_496] {strides = array<i32>} : memref<128x64xf32, #tpu.memory_space<vmem>>, vector<1x16xf32>,
        %parallel_loop3A_498 = vector.shape_cast %parallel_loop3A_497 : vector<1x16xf32> to vector<16xf32>
        %parallel_loop3A_499 = arith.addi %select_n3A_438, %parallel_loop3A_449 : i32
        %parallel_loop3A_500 = arith.index_cast %parallel_loop3A_499 : i32 to index
        %parallel_loop3A_501 = arith.constant 48 : index
        %parallel_loop3A_502 = tpu.vector_load %arg7[%parallel_loop3A_500, %parallel_loop3A_501] {strides = array<i32>} : memref<400x64xf32, #tpu.memory_space<vmem>>, vector<1x16xf32>,
        %parallel_loop3A_503 = vector.shape_cast %parallel_loop3A_502 : vector<1x16xf32> to vector<16xf32>
        %parallel_loop3A_504 = arith.addf %parallel_loop3A_498, %parallel_loop3A_503 : vector<16xf32>
        %parallel_loop3A_505 = arith.index_cast %parallel_loop3A_449 : i32 to index
        %parallel_loop3A_506 = arith.constant 48 : index
        %parallel_loop3A_507 = tpu.vector_load %arg15[%parallel_loop3A_505, %parallel_loop3A_506] {strides = array<i32>} : memref<128x64xf32, #tpu.memory_space<vmem>>, vector<1x16xf32>,
        %parallel_loop3A_508 = vector.shape_cast %parallel_loop3A_507 : vector<1x16xf32> to vector<16xf32>
        %parallel_loop3A_509 = vector.shape_cast %parallel_loop3A_504 : vector<16xf32> to vector<1x16xf32>
        tpu.vector_store %arg15[%parallel_loop3A_505, %parallel_loop3A_506], %parallel_loop3A_509 {strides = array<i32>} : memref<128x64xf32, #tpu.memory_space<vmem>>, vector<1x16xf32>,
      } {sc.loop_unroll_factor = 8 : i64, sc.parallel_access}
      %mul3A_442 = arith.constant 128 : i32
      %mul3A_443 = arith.muli %add3A_402, %mul3A_442 : i32
      %add3A_444 = arith.addi %mul3A_2, %mul3A_443 : i32
      %dma_start3A_445 = arith.constant 0 : i32
      %dma_start3A_446 = tpu.memref_slice %arg5[%add3A_444, %dma_start3A_445] : memref<819200x64xf32, #tpu.memory_space<hbm>> -> memref<128x64xf32, #tpu.memory_space<hbm>>
      %dma_start3A_447 = arith.constant 0 : i32
      %dma_start3A_448 = tpu.memref_slice %arg5[%add3A_444, %dma_start3A_447] : memref<819200x64xf32, #tpu.memory_space<hbm>> -> memref<128x64xf32, #tpu.memory_space<hbm>>
      tpu.enqueue_dma source(%arg15 : memref<128x64xf32, #tpu.memory_space<vmem>>) target(%dma_start3A_448 : memref<128x64xf32, #tpu.memory_space<hbm>>) target_semaphore(%arg31 : memref<!tpu.dma_semaphore, #tpu.memory_space<semaphore_mem>>)
    }
    %scan3A_41 = arith.constant 25 : i32
    %add3A_42 = arith.constant 25216 : i32
    %add3A_43 = arith.addi %mul3A_2, %add3A_42 : i32
    %dma_wait3A = arith.constant 0 : i32
    %dma_wait3A_44 = tpu.memref_slice %arg5[%add3A_43, %dma_wait3A] : memref<819200x64xf32, #tpu.memory_space<hbm>> -> memref<128x64xf32, #tpu.memory_space<hbm>>
    %dma_wait3A_45 = arith.constant 0 : i32
    %dma_wait3A_46 = tpu.memref_slice %arg5[%add3A_43, %dma_wait3A_45] : memref<819200x64xf32, #tpu.memory_space<hbm>> -> memref<128x64xf32, #tpu.memory_space<hbm>>
    tpu.wait_dma2 semaphore(%arg29 : memref<!tpu.dma_semaphore, #tpu.memory_space<semaphore_mem>>) src(%arg13 : memref<128x64xf32, #tpu.memory_space<vmem>>) dst(%dma_wait3A_46 : memref<128x64xf32, #tpu.memory_space<hbm>>)
    %add3A_47 = arith.constant 25344 : i32
    %add3A_48 = arith.addi %mul3A_2, %add3A_47 : i32
    %dma_wait3A_49 = arith.constant 0 : i32
    %dma_wait3A_50 = tpu.memref_slice %arg5[%add3A_48, %dma_wait3A_49] : memref<819200x64xf32, #tpu.memory_space<hbm>> -> memref<128x64xf32, #tpu.memory_space<hbm>>
    %dma_wait3A_51 = arith.constant 0 : i32
    %dma_wait3A_52 = tpu.memref_slice %arg5[%add3A_48, %dma_wait3A_51] : memref<819200x64xf32, #tpu.memory_space<hbm>> -> memref<128x64xf32, #tpu.memory_space<hbm>>
    tpu.wait_dma2 semaphore(%arg30 : memref<!tpu.dma_semaphore, #tpu.memory_space<semaphore_mem>>) src(%arg14 : memref<128x64xf32, #tpu.memory_space<vmem>>) dst(%dma_wait3A_52 : memref<128x64xf32, #tpu.memory_space<hbm>>)
    %add3A_53 = arith.constant 25472 : i32
    %add3A_54 = arith.addi %mul3A_2, %add3A_53 : i32
    %dma_wait3A_55 = arith.constant 0 : i32
    %dma_wait3A_56 = tpu.memref_slice %arg5[%add3A_54, %dma_wait3A_55] : memref<819200x64xf32, #tpu.memory_space<hbm>> -> memref<128x64xf32, #tpu.memory_space<hbm>>
    %dma_wait3A_57 = arith.constant 0 : i32
    %dma_wait3A_58 = tpu.memref_slice %arg5[%add3A_54, %dma_wait3A_57] : memref<819200x64xf32, #tpu.memory_space<hbm>> -> memref<128x64xf32, #tpu.memory_space<hbm>>
    tpu.wait_dma2 semaphore(%arg31 : memref<!tpu.dma_semaphore, #tpu.memory_space<semaphore_mem>>) src(%arg15 : memref<128x64xf32, #tpu.memory_space<vmem>>) dst(%dma_wait3A_58 : memref<128x64xf32, #tpu.memory_space<hbm>>)
    return
  }
}

</mosaic_0001>

<sc_bundles>
// kernel: kernel.3.cloned.1.call-start
scs
__scs_entry_jumppad:
0x0: {  	(pc) =	sbr.rel $0x88, $3  }
0x1: {  	(tag) =	ssettag $0x0;
	lr =	simm.s32 $0x1  }
0x2: {  	[smem:$0x3F9F] =	sst lr;
	_ =	strace $0xD0000000  }
0x3: {  	_ = 	snop  }
0x4: {  	_ = 	snop  }
0x5: {  	_ = 	snop  }
0x6: {  	_ = 	snop  }
0x7: {  	_ = 	snop  }
__scs_overlays_trampoline_lowered:
0x8: {  	[smem:$0x3FAE] =	sst s0  }
0x9: {  	[smem:$0x3FAF] =	sst s1  }
0xa: {  	[smem:$0x3FB0] =	sst s2  }
0xb: {  	[smem:$0x3FB1] =	sst s3  }
0xc: {  	[smem:$0x3FB2] =	sst s4  }
0xd: {  	[smem:$0x3FB3] =	sst s5  }
0xe: {  	[smem:$0x3FB4] =	sst s6  }
0xf: {  	[smem:$0x3FB5] =	sst s7  }
0x10: {  	[smem:$0x3FB6] =	sst s8  }
0x11: {  	[smem:$0x3FB7] =	sst s9;
	s0 =	simm.s32 @!p0 $0x0  }
0x12: {  	s1 =	sld [smem:$0x3F9D];
	s0 =	simm.s32 @p0 $0x1  }
0x13: {  	[smem:$0x3FB8] =	sst s0;
	s0 =	simm.s32 @!p1 $0x0  }
0x14: {  	s2 =	sld [smem:$0x3F9C];
	s0 =	simm.s32 @p1 $0x1  }
0x15: {  	[smem:$0x3FB9] =	sst s0;
	s0 =	simm.s32 @!p2 $0x0  }
0x16: {  	s3 =	sld [smem:$0x3FDB];
	s0 =	simm.s32 @p2 $0x1  }
0x17: {  	s4 =	simm.s32 $0x1BF5;
	[smem:$0x3FBB] =	sst s0  }
0x18: {  	s0 =	sld [smem:$0x3F9E];
	_ =	swait.ge [sflag:s4], $0x0  }
0x19: {  	s7 =	sld [smem:$0x3F9F]  }
0x1a: {  	s8 =	sadd.s32 $0xFFFFE003, lr  }
0x1b: {  	s9 =	sadd.s32 $0xFFFFFEF7, lr;
	s5 =	simm.s32 $0xFFFFFFFF;
	p2 =	slt.u32 s8, $0xFFFFF086  }
0x1c: {  	p1 =	slt.u32 s9, $0xF7A;
	s5 =	simm.s32 @!p2 $0x0  }
0x1d: {  	s5 =	simm.s32 @p1 $0x1;
	p0 =	seq.s32 s7, s2  }
0x1e: {  	s7 =	smul.u32 @!p0 $0xF7A, s2;
	p2 =	seq.s32 @!p0 s5, $0x0  }
0x1f: {  	s9 =	smul.u32 $0xF7A, s1;
	s8 =	simm.s32 @!p0 $0x1BF5;
	p2 =	por !p2, p0  }
0x20: {  	[sflag:s8] =	ssyncset.s32 @!p0 $0xFFFFF086;
	s6 =	sadd.s32 @!p0 s3, s7;
	s7 =	simm.s32 @!p0 $0x108  }
0x21: {  	s3 =	sadd.s32 s3, s9;
	s6 =	sadd.s32 @!p0 $0x88, s6;
	s7 =	simm.s32 @p2 $0x1082  }
0x22: {  	[simem:s7], [sflag:s8] =	dma.local @!p0 [hbm:s6], $0xF7A  }
0x23: {  	s9 =	sor.u32 $0xD0000000, s2;
	s6 =	simm.s32 $0x108;
	_ =	swait.ge @!p0 [sflag:s8], $0x0  }
0x24: {  	s3 =	sadd.s32 $0x88, s3;
	s6 =	simm.s32 @!p1 $0x1082;
	[sflag:s4] =	ssyncset.s32 $0xFFFFF086  }
0x25: {  	[simem:s6], [sflag:s4] =	dma.local [hbm:s3], $0xF7A  }
0x26: {  	[smem:$0x3F9F] =	sst s1;
	(tag) =	ssettag s2;
	_ =	strace s9  }
0x27: {  	s1 =	sld [smem:$0x3FAF]  }
0x28: {  	s2 =	sld [smem:$0x3FB0]  }
0x29: {  	s4 =	sld [smem:$0x3FB2]  }
0x2a: {  	p0 =	seq.s32 s5, $0x0;
	s5 =	sld [smem:$0x3FB3]  }
0x2b: {  	s6 =	sld [smem:$0x3FB4]  }
0x2c: {  	s7 =	sld [smem:$0x3FB5]  }
0x2d: {  	s3 =	simm.s32 $0x108;
	s8 =	sld [smem:$0x3FB6]  }
0x2e: {  	s3 =	simm.s32 @!p0 $0x1082;
	s9 =	sld [smem:$0x3FB7]  }
0x2f: {  	lr =	sadd.s32 s0, s3;
	s0 =	sld [smem:$0x3FAE]  }
0x30: {  	s3 =	sld [smem:$0x3FB1]  }
0x31: {  	[smem:$0x3FBA] =	sst s10  }
0x32: {  	s10 =	sld [smem:$0x3FB8];
	_ =	sdelay $0x3  }
0x33: {  	p0 =	seq.s32 s10, $0x1;
	s10 =	sld [smem:$0x3FBA];
	_ =	sdelay $0x3  }
0x34: {  	[smem:$0x3FBA] =	sst s10  }
0x35: {  	s10 =	sld [smem:$0x3FB9];
	_ =	sdelay $0x3  }
0x36: {  	p1 =	seq.s32 s10, $0x1;
	s10 =	sld [smem:$0x3FBA];
	_ =	sdelay $0x3  }
0x37: {  	[smem:$0x3FBA] =	sst s10  }
0x38: {  	s10 =	sld [smem:$0x3FBB]  }
0x39: {  	_ = 	snop;
	(pc) =	sbr.ind lr, $3  }
0x3a: {  	_ = 	snop  }
0x3b: {  	_ = 	snop  }
0x3c: {  	p2 =	seq.s32 s10, $0x1;
	s10 =	sld [smem:$0x3FBA]  }
0x3d: {  	_ =	shalt  }
0x3e: {  	_ =	shalt  }
0x3f: {  	_ =	shalt  }
0x40: {  	_ =	shalt  }
0x41: {  	_ =	shalt  }
0x42: {  	_ =	shalt  }
0x43: {  	_ =	shalt  }
0x44: {  	_ =	shalt  }
0x45: {  	_ =	shalt  }
0x46: {  	_ =	shalt  }
0x47: {  	_ =	shalt  }
0x48: {  	_ =	shalt  }
0x49: {  	_ =	shalt  }
0x4a: {  	_ =	shalt  }
0x4b: {  	_ =	shalt  }
0x4c: {  	_ =	shalt  }
0x4d: {  	_ =	shalt  }
0x4e: {  	_ =	shalt  }
0x4f: {  	_ =	shalt  }
0x50: {  	_ =	shalt  }
0x51: {  	_ =	shalt  }
0x52: {  	_ =	shalt  }
0x53: {  	_ =	shalt  }
0x54: {  	_ =	shalt  }
0x55: {  	_ =	shalt  }
0x56: {  	_ =	shalt  }
0x57: {  	_ =	shalt  }
0x58: {  	_ =	shalt  }
0x59: {  	_ =	shalt  }
0x5a: {  	_ =	shalt  }
0x5b: {  	_ =	shalt  }
0x5c: {  	_ =	shalt  }
0x5d: {  	_ =	shalt  }
0x5e: {  	_ =	shalt  }
0x5f: {  	_ =	shalt  }
0x60: {  	_ =	shalt  }
0x61: {  	_ =	shalt  }
0x62: {  	_ =	shalt  }
0x63: {  	_ =	shalt  }
0x64: {  	_ =	shalt  }
0x65: {  	_ =	shalt  }
0x66: {  	_ =	shalt  }
0x67: {  	_ =	shalt  }
0x68: {  	_ =	shalt  }
0x69: {  	_ =	shalt  }
0x6a: {  	_ =	shalt  }
0x6b: {  	_ =	shalt  }
0x6c: {  	_ =	shalt  }
0x6d: {  	_ =	shalt  }
0x6e: {  	_ =	shalt  }
0x6f: {  	_ =	shalt  }
0x70: {  	_ =	shalt  }
0x71: {  	_ =	shalt  }
0x72: {  	_ =	shalt  }
0x73: {  	_ =	shalt  }
0x74: {  	_ =	shalt  }
0x75: {  	_ =	shalt  }
0x76: {  	_ =	shalt  }
0x77: {  	_ =	shalt  }
0x78: {  	_ =	shalt  }
0x79: {  	_ =	shalt  }
0x7a: {  	_ =	shalt  }
0x7b: {  	_ =	shalt  }
0x7c: {  	_ =	shalt  }
0x7d: {  	_ =	shalt  }
0x7e: {  	_ =	shalt  }
0x7f: {  	_ =	shalt  }
0x80: {  	_ =	shalt  }
0x81: {  	_ =	shalt  }
0x82: {  	_ =	shalt  }
0x83: {  	_ =	shalt  }
0x84: {  	_ =	shalt  }
0x85: {  	_ =	shalt  }
0x86: {  	_ =	shalt  }
0x87: {  	_ =	shalt  }
.Lfunc_end0:
.L_simem_size_0:
called_computation.1_lowered:
.L_overlay_start_0:
0x88: {  	s2 =	sld [smem:$0x3FD9]  }
0x89: {  	s3 =	sld [smem:$0x3FFE];
	_ =	sdelay $0x1  }
0x8a: {  	s1 =	srdreg.scid  }
0x8b: {  	s0 =	sand.u32 $0x1, s1  }
0x8c: {  	s17 =	sshll.u32 s0, $0xA;
	s2 =	sadd.s32 s3, s2  }
0x8d: {  	s2 =	sadd.s32 s2, s17  }
0x8e: {  	[smem:$0x3FC6] =	sst s2  }
0x8f: {  	_ = 	snop  }
0x90: {  	s2 =	sld [smem:$0x3FD0];
	(tm) =	ssettm $0x1  }
0x91: {  	s18 =	sld [smem:$0x3FFB];
	_ =	sdelay $0x3  }
0x92: {  	_ =	strace s18  }
0x93: {  	s3 =	sld [smem:$0x3FFC];
	_ =	sdelay $0x3  }
0x94: {  	_ =	strace s3  }
0x95: {  	s3 =	sld [smem:$0x3FFD];
	_ =	sdelay $0x3  }
0x96: {  	_ =	strace s3  }
0x97: {  	_ =	strace $0x8FFFFFFF  }
0x98: {  	s19 =	sld [smem:$0x3FDB];
	_ =	sdelay $0x1  }
0x99: {  	s4 =	simm.s32 $_scs_section_size  }
0x9a: {  	s5 =	simm.s32 $_size__tile_overlayer_lowered;
	s6 =	simm.s32 $_tile_overlayer_lowered  }
0x9b: {  	s22 =	simm.s32 $0x1BFF;
	s21 =	sshll.u32 s6, $0x1;
	s3 =	sadd.s32 s4, s19  }
0x9c: {  	s7 =	simm.s32 $0x0;
	s20 =	sshll.u32 s5, $0x1;
	s5 =	sadd.s32 s21, s3  }
0x9d: {  	[timem:s7], [sflag:s22] =	dma.local [hbm:s5], s20  }
0x9e: {  	_ =	swait.ge [sflag:s22], s20  }
0x9f: {  	s4 =	ssub.s32 $0x0, s20;
	[sflag:s22] =	ssyncset.done $0x0  }
0xa0: {  	[sflag:s22] =	ssyncadd.s32 s4;
	_ =	sdelay $0x1  }
0xa1: {  	s23 =	simm.s32 $0x1B8B  }
0xa2: {  	_ =	swait.ge [sflag:s23], $0x1  }
0xa3: {  	[sflag:s23] =	ssyncset.done $0x0  }
0xa4: {  	s25 =	simm.s32 $0x1B8E;
	s24 =	sld [smem:$0x3FFE];
	[sflag:s23] =	ssyncadd.s32 $0xFFFFFFFF  }
0xa5: {  	s26 =	simm.s32 $execute0_lowered;
	[smem:$0x3FD2] =	sst s25  }
0xa6: {  	s5 =	sshll.u32 s26, $0x1;
	_ =	strace $0x80000046;
	[dreg:$0x1] =	wrdreg $0xFFFFFFFF  }
0xa7: {  	s28 =	simm.s32 $_size_execute0_lowered;
	s3 =	sadd.s32 s3, s5;
	[dreg:$0x0] =	wrdreg $0x0  }
0xa8: {  	s5 =	sshll.u32 s28, $0x1;
	[dreg:$0x2] =	wrdreg s3  }
0xa9: {  	[dreg:$0x3] =	wrdreg s5  }
0xaa: {  	[dreg:$0x4] =	wrdreg $0xC0  }
0xab: {  	_ =	task [dreg:s7], $0x5FFFF  }
0xac: {  	[dreg:$0x1] =	wrdreg $0xFFFFFFFF  }
0xad: {  	[dreg:$0x0] =	wrdreg $0x60  }
0xae: {  	[dreg:$0x2] =	wrdreg s24  }
0xaf: {  	[dreg:$0x3] =	wrdreg s2  }
0xb0: {  	[dreg:$0x4] =	wrdreg $0x9  }
0xb1: {  	_ =	task.clear_ibuf [dreg:s7], $0x5FFFF;
	_ =	strace $0x90000046  }
0xb2: {  	s29 =	simm.s32 $0x9;
	_ =	strace $0x80000048  }
0xb3: {  	_ =	swait.ge [sflag:s29], $0x1  }
0xb4: {  	[sflag:s29] =	ssyncadd.s32 $0xFFFFFFFF  }
0xb5: {  	_ =	strace $0x90000048  }
0xb6: {  	_ =	sfence  }
0xb7: {  	s30 =	sld [smem:$0x0];
	_ =	sdelay $0x2  }
0xb8: {  	s31 =	sshll.u32 s1, $0xD;
	s1 =	sshrl.u32 s1, $0x2  }
0xb9: {  	s3 =	sand.u32 $0x4000, s31;
	s1 =	sadd.s32 s1, s30  }
0xba: {  	s0 =	sor.u32 s3, s0;
	s1 =	sshll.u32 s1, $0x11  }
0xbb: {  	s0 =	sor.u32 s1, s0  }
0xbc: {  	s0 =	sadd.s32 $0x8F2B, s0  }
0xbd: {  	[sflag:s0] =	ssyncadd.remote.s32 $0x1  }
0xbe: {  	_ =	sfence.sel $0xFFFF  }
0xbf: {  	[dreg:$0x0] =	wrdreg $0xFFFFFFFF;
	(pc) =	sbr.abs _section_cstart, $3  }
0xc0: {  	[dreg:$0x1] =	wrdreg $0xFFFFFFFF  }
0xc1: {  	_ =	task.clear_ibuf [dreg:s7], $0x2FFFF;
	_ =	strace $0x9FFFFFFF  }
0xc2: {  	(tm) =	ssettm $0x7FFFFFFF  }
0xc3: {  	_ =	shalt  }
tec
execute0_lowered:
.L_overlay_start_1:
0x0: {  	(tag) =	ssettag $0x1  }
0x1: {  	s0 =	srdreg.scid;
	s1 =	stileid.u32  }
0x2: {  	s2 =	rddreg [dreg:$0x0];
	s0 =	sand.u32 $0x1, s0;
	s1 =	sshll.u32 s1, $0x1  }
0x3: {  	s28 =	rddreg [dreg:$0x1];
	s1 =	sor.u32 s0, s1;
	s0 =	ssub.s32 $0x2, s0  }
0x4: {  	s8 =	simm.s32 $0x0;
	s3 =	smul.u32 $0x6400, s1;
	s4 =	sshrl.u32 s0, $0x1  }
0x5: {  	[smem:$0x7FF] =	sst s8;
	s5 =	sadd.s32 $0xF43000, s2;
	s0 =	ssub.s32 s0, s4  }
0x6: {  	_ =	strace $0x80000047;
	s1 =	sshrl.u32 s3, $0x3;
	s0 =	smax.u32 s0, $0x1  }
0x7: {  	s1 =	sadd.s32 s1, s2;
	s2 =	sadd.s32 $0x19C00, s2;
	[dreg:$0x5] =	wrdreg s0  }
0x8: {  	[dreg:$0x3] =	wrdreg s2;
	s1 =	sadd.s32 $0xC00, s1  }
0x9: {  	s9 =	simm.s32 $0x16800;
	s2 =	simm.s32 $0x0;
	[dreg:$0x4] =	wrdreg s1  }
.LBB2_1:
0xa: {  	[dreg:$0x6] =	wrdreg s2  }
0xb: {  	s0 =	rddreg [dreg:$0x4];
	s1 =	simm.s32 $0x11;
	s22 =	simm.s32 $0x6400  }
0xc: {  	[tilespmem:s8], [sflag:$0x11] =	stream.linear.gather [hbm4b:s0+s8], $0x6400, $0x38;
	[tilespmem:$0x1C800] =	vst v63  }
0xd: {  	s23 =	simm.s32 $0xC800;
	s24 =	simm.s32 $0x80;
	_ =	swait.ge [sflag:s1], $0x6400  }
0xe: {  	s25 =	simm.s32 $0xE800;
	s10 =	simm.s32 $0x100;
	[sflag:s1] =	ssyncset.done $0x0  }
0xf: {  	s26 =	simm.s32 $0x10800;
	s21 =	rddreg [dreg:$0x3];
	[sflag:s1] =	ssyncadd.s32 $0xFFFF9C00  }
0x10: {  	[tilespmem:s22], [sflag:$0x11] =	stream.linear.gather [hbm4b:s21+s8], $0x6400, $0x38;
	[tilespmem:$0x1C800] =	vst v63  }
0x11: {  	s6 =	simm.s32 $0x180;
	s29 =	simm.s32 $0x12800;
	_ =	swait.ge [sflag:s1], $0x6400  }
0x12: {  	s7 =	simm.s32 $0x200;
	s30 =	simm.s32 $0x14800;
	[sflag:s1] =	ssyncset.done $0x0  }
0x13: {  	s4 =	simm.s32 $0x65F0;
	s11 =	simm.s32 $0x85F0;
	[sflag:s1] =	ssyncadd.s32 $0xFFFF9C00  }
0x14: {  	[tilespmem:s23], [sflag:$0x1] =	stream.indirect.gather [hbm4b:s5+s24], $0x40, s8, s24, $0xb8;
	[tilespmem:$0x1C800] =	vst v63  }
0x15: {  	s12 =	simm.s32 $0xA5F0;
	s13 =	simm.s32 $0xC5F0;
	s31 =	simm.s32 $0xE5F0  }
0x16: {  	[tilespmem:s25], [sflag:$0x2] =	stream.indirect.gather [hbm4b:s5+s24], $0x40, s24, s24, $0xb8;
	[tilespmem:$0x1C800] =	vst v63  }
0x17: {  	s14 =	simm.s32 $0x105F0;
	s15 =	simm.s32 $0x280;
	s17 =	simm.s32 $0x125F0  }
0x18: {  	[tilespmem:s26], [sflag:$0x3] =	stream.indirect.gather [hbm4b:s5+s24], $0x40, s10, s24, $0xb8;
	[tilespmem:$0x1C800] =	vst v63  }
0x19: {  	s19 =	simm.s32 $0x300;
	s18 =	simm.s32 $0x380;
	s20 =	simm.s32 $0x80  }
0x1a: {  	[tilespmem:s29], [sflag:$0x4] =	stream.indirect.gather [hbm4b:s5+s24], $0x40, s6, s24, $0xb8;
	[tilespmem:$0x1C800] =	vst v63  }
0x1b: {  	s21 =	simm.s32 $0x145F0;
	s22 =	simm.s32 $0x0;
	s23 =	simm.s32 $0x0  }
0x1c: {  	[tilespmem:s30], [sflag:$0x5] =	stream.indirect.gather [hbm4b:s5+s24], $0x40, s7, s24, $0xb8;
	[tilespmem:$0x1C800] =	vst v63  }
.LBB2_2:
0x1d: {  	p0 =	seq.s32 s23, $0x0;
	s29 =	sshll.u32 s23, $0x3  }
0x1e: {  	s1 =	smulhi.u32 $0x51EB851F, s22;
	s24 =	simm.s32 $0x80;
	s0 =	simm.s32 @!p0 $0xE  }
0x1f: {  	s26 =	simm.s32 $0x1;
	s2 =	sor.u32 $0x5, s29;
	_ =	swait.ge @!p0 [sflag:s0], $0x2000  }
0x20: {  	s2 =	sshll.u32 s2, $0x7;
	s1 =	sshrl.u32 s1, $0x6;
	[sflag:s0] =	ssyncset.done @!p0 $0x0  }
0x21: {  	[dreg:$0xc] =	wrdreg s2;
	s16 =	sand.u32 $0x3FFFFF80, s2;
	[sflag:s0] =	ssyncadd.s32 @!p0 $0xFFFFE000  }
0x22: {  	[tilespmem:s9], [sflag:$0x6] =	stream.indirect.gather [hbm4b:s5+s24], $0x40, s16, s24, $0xb8;
	[tilespmem:$0x1C800] =	vst v63  }
0x23: {  	s25 =	smul.u32 $0xFFFF3800, s1;
	_ =	swait.ge [sflag:s26], $0x2000  }
0x24: {  	s8 =	smov.u32 s28;
	s28 =	simm.s32 $0xC900;
	[sflag:s26] =	ssyncset.done $0x0  }
0x25: {  	s0 =	sshra.s32 s25, $0x2;
	[dreg:$0x7] =	wrdreg s4;
	[sflag:s26] =	ssyncadd.s32 $0xFFFFE000  }
0x26: {  	s4 =	sadd.s32 s0, s4;
	v0 =	vld [tilespmem:s28+$0xC0]  }
0x27: {  	v1 =	vld [tilespmem:s4+$0xFFFFFFD0]  }
0x28: {  	v2 =	vld [tilespmem:s4+$0xFFFFFE10]  }
0x29: {  	v3 =	vld [tilespmem:s28+$0xFFFFFF40]  }
0x2a: {  	v4 =	vld [tilespmem:s28+$0xFFFFFF80]  }
0x2b: {  	v6 =	vld [tilespmem:s4+$0xFFFFFE90]  }
0x2c: {  	v7 =	vld [tilespmem:s28+$0xFFFFFFC0]  }
0x2d: {  	v8 =	vld [tilespmem:s4+$0xFFFFFED0]  }
0x2e: {  	v9 =	vld [tilespmem:s28+$0x0]  }
0x2f: {  	v10 =	vld [tilespmem:s4+$0xFFFFFF10]  }
0x30: {  	v11 =	vld [tilespmem:s4+$0xFFFFFF50]  }
0x31: {  	v60 =	vld [tilespmem:s28+$0xFFFFFFD0]  }
0x32: {  	v13 =	vld [tilespmem:s28+$0x10]  }
0x33: {  	v61 =	vld [tilespmem:s28+$0xFFFFFFE0];
	v0 =	vadd.f32 v1, v0  }
0x34: {  	v1 =	vld [tilespmem:s4+$0xFFFFFE50]  }
0x35: {  	[tilespmem:s28+$0xC0] =	vst v0;
	v0 =	vld [tilespmem:s28+$0xD0]  }
0x36: {  	v5 =	vld [tilespmem:s4+$0xFFFFFFE0]  }
0x37: {  	v62 =	vld [tilespmem:s28+$0x60]  }
0x38: {  	v63 =	vld [tilespmem:s28+$0xFFFFFF30];
	v4 =	vadd.f32 v6, v4  }
0x39: {  	v6 =	vld [tilespmem:s4+$0xFFFFFF90]  }
0x3a: {  	[tilespmem:s28+$0xFFFFFF80] =	vst v4;
	v4 =	vadd.f32 v10, v9;
	v10 =	vld [tilespmem:s28+$0xF0]  }
0x3b: {  	v1 =	vadd.f32 v1, v3;
	v3 =	vld [tilespmem:s28+$0x80];
	v0 =	vadd.f32 v5, v0  }
0x3c: {  	v5 =	vld [tilespmem:s28+$0x40]  }
0x3d: {  	[tilespmem:s28+$0xD0] =	vst v0;
	v0 =	vld [tilespmem:s28+$0xE0]  }
0x3e: {  	[tilespmem:s28+$0x0] =	vst v4;
	v12 =	vld [tilespmem:s4+$0xFFFFFFF0]  }
0x3f: {  	v9 =	vld [tilespmem:s4+$0xFFFFFF20]  }
0x40: {  	[tilespmem:s28+$0xFFFFFF40] =	vst v1;
	v1 =	vadd.f32 v8, v7;
	v7 =	vld [tilespmem:s28+$0xFFFFFF00]  }
0x41: {  	v8 =	vld [tilespmem:s4+$0xFFFFFE60]  }
0x42: {  	[tilespmem:s28+$0xFFFFFFC0] =	vst v1;
	v1 =	vld [tilespmem:s4+$0xFFFFFEA0]  }
0x43: {  	v5 =	vadd.f32 v11, v5;
	v11 =	vld [tilespmem:s28+$0xFFFFFF90];
	v0 =	vadd.f32 v12, v0  }
0x44: {  	v4 =	vld [tilespmem:s4+$0xFFFFFEE0]  }
0x45: {  	[tilespmem:s28+$0xE0] =	vst v0;
	v0 =	vadd.f32 v2, v7;
	v7 =	vld [tilespmem:s28+$0xFFFFFF50]  }
0x46: {  	[tilespmem:s28+$0x40] =	vst v5;
	v2 =	vadd.f32 v6, v3;
	v5 =	vld [tilespmem:s4+$0x0]  }
0x47: {  	[tilespmem:s28+$0xFFFFFF00] =	vst v0;
	v0 =	vld [tilespmem:s4+$0xFFFFFF60]  }
0x48: {  	v1 =	vadd.f32 v1, v11;
	[tilespmem:s28+$0x80] =	vst v2;
	v2 =	vld [tilespmem:s28+$0xFFFFFF10]  }
0x49: {  	v3 =	vld [tilespmem:s4+$0xFFFFFE20]  }
0x4a: {  	[tilespmem:s28+$0xFFFFFF90] =	vst v1;
	v1 =	vadd.f32 v9, v13;
	v6 =	vld [tilespmem:s4+$0xFFFFFFA0]  }
0x4b: {  	v4 =	vadd.f32 v4, v60;
	v7 =	vadd.f32 v8, v7;
	v8 =	vld [tilespmem:s28+$0x90]  }
0x4c: {  	v9 =	vld [tilespmem:s4+$0xFFFFFEB0];
	[tilespmem:s28+$0x10] =	vst v1  }
0x4d: {  	[tilespmem:s28+$0xFFFFFFD0] =	vst v4;
	v4 =	vld [tilespmem:s4+$0xFFFFFF30]  }
0x4e: {  	[tilespmem:s28+$0xFFFFFF50] =	vst v7;
	v2 =	vadd.f32 v3, v2;
	v3 =	vld [tilespmem:s28+$0x50]  }
0x4f: {  	v7 =	vld [tilespmem:s4+$0xFFFFFE70]  }
0x50: {  	[tilespmem:s28+$0xFFFFFF10] =	vst v2;
	v2 =	vld [tilespmem:s28+$0xFFFFFF20];
	v1 =	vadd.f32 v6, v8  }
0x51: {  	v11 =	vld [tilespmem:s4+$0xFFFFFE30]  }
0x52: {  	[tilespmem:s28+$0x90] =	vst v1;
	v1 =	vld [tilespmem:s28+$0xFFFFFFA0]  }
0x53: {  	v0 =	vadd.f32 v0, v3;
	v3 =	vld [tilespmem:s4+$0xFFFFFEF0]  }
0x54: {  	v8 =	vld [tilespmem:s4+$0xFFFFFFB0]  }
0x55: {  	s2 =	smulhi.u32 $0x51EB851F, s18;
	[tilespmem:s28+$0x50] =	vst v0;
	v0 =	vld [tilespmem:s28+$0xFFFFFF60]  }
0x56: {  	s9 =	smulhi.u32 $0x51EB851F, s19;
	v6 =	vld [tilespmem:s4+$0xFFFFFF70];
	v2 =	vadd.f32 v11, v2  }
0x57: {  	s16 =	smulhi.u32 $0x51EB851F, s15;
	v11 =	vld [tilespmem:s28+$0x20]  }
0x58: {  	s24 =	smulhi.u32 $0x51EB851F, s7;
	[tilespmem:s28+$0xFFFFFF20] =	vst v2;
	v2 =	vld [tilespmem:s28+$0xA0];
	v3 =	vadd.f32 v3, v61  }
0x59: {  	s25 =	smulhi.u32 $0x51EB851F, s10;
	s0 =	sshrl.u32 s2, $0x6;
	v1 =	vadd.f32 v9, v1;
	v9 =	vld [tilespmem:s4+$0xFFFFFE40]  }
0x5a: {  	s0 =	smul.u32 $0xFFFF3800, s0;
	v0 =	vadd.f32 v7, v0;
	[tilespmem:s28+$0xFFFFFFE0] =	vst v3;
	v7 =	vld [tilespmem:s28+$0xFFFFFFB0]  }
0x5b: {  	s1 =	sshrl.u32 s9, $0x6;
	s2 =	sshrl.u32 s16, $0x6;
	s16 =	smulhi.u32 $0x51EB851F, s6;
	[tilespmem:s28+$0xFFFFFFA0] =	vst v1;
	v1 =	vld [tilespmem:s4+$0xFFFFFF00]  }
0x5c: {  	s1 =	smul.u32 $0xFFFF3800, s1;
	v4 =	vadd.f32 v4, v11;
	v11 =	vld [tilespmem:s28+$0xFFFFFF70]  }
0x5d: {  	s9 =	sshrl.u32 s24, $0x6;
	s2 =	smul.u32 $0xFFFF3800, s2;
	v3 =	vadd.f32 v6, v62;
	[tilespmem:s28+$0xFFFFFF60] =	vst v0;
	v0 =	vld [tilespmem:s4+$0xFFFFFEC0]  }
0x5e: {  	s25 =	sshrl.u32 s25, $0x6;
	s9 =	smul.u32 $0xFFFF3800, s9;
	v14 =	vld [tilespmem:s4+$0xFFFFFE80];
	[tilespmem:s28+$0x20] =	vst v4;
	v4 =	vadd.f32 v8, v2  }
0x5f: {  	s26 =	smulhi.u32 $0x51EB851F, s20;
	s0 =	sshra.s32 s0, $0x2;
	s16 =	sshrl.u32 s16, $0x6;
	[tilespmem:s28+$0x60] =	vst v3;
	v2 =	vld [tilespmem:s4+$0xFFFFFF40]  }
0x60: {  	s24 =	sadd.s32 s0, s21;
	s0 =	smul.u32 $0xFFFF3800, s16;
	s1 =	sshra.s32 s1, $0x2;
	v3 =	vld [tilespmem:s4+$0xFFFFFF80];
	[tilespmem:s28+$0xA0] =	vst v4  }
0x61: {  	s16 =	smul.u32 $0xFFFF3800, s25;
	s26 =	sshrl.u32 s26, $0x6;
	v4 =	vld [tilespmem:s4+$0xFFFFFFC0];
	[dreg:$0xb] =	wrdreg s31  }
0x62: {  	s2 =	sshra.s32 s2, $0x2;
	s9 =	sshra.s32 s9, $0x2;
	s26 =	smul.u32 $0xFFFF3800, s26;
	v8 =	vadd.f32 v5, v10;
	v5 =	vld [tilespmem:s28+$0xFFFFFFF0]  }
0x63: {  	s25 =	sadd.s32 s1, s17;
	s30 =	sadd.s32 s2, s14;
	v6 =	vld [tilespmem:s28+$0x30];
	[dreg:$0xa] =	wrdreg s13  }
0x64: {  	s1 =	sshll.u32 s23, $0xA;
	s26 =	sshra.s32 s26, $0x2;
	[dreg:$0x9] =	wrdreg s12  }
0x65: {  	s0 =	sshra.s32 s0, $0x2;
	s2 =	sadd.s32 s26, s11;
	v9 =	vadd.f32 v9, v63;
	[dreg:$0x8] =	wrdreg s11  }
0x66: {  	s26 =	simm.s32 $0x0;
	s31 =	sadd.s32 s9, s31;
	s9 =	sshra.s32 s16, $0x2;
	[tilespmem:s28+$0xF0] =	vst v8;
	v8 =	vld [tilespmem:s28+$0x70]  }
0x67: {  	s16 =	sadd.s32 s0, s13;
	s0 =	sadd.s32 s9, s12;
	s9 =	simm.s32 $0xCB00;
	[tilespmem:s28+$0xFFFFFF30] =	vst v9;
	v10 =	vadd.f32 v14, v11;
	v9 =	vld [tilespmem:s28+$0xB0]  }
.LBB2_3:
0x68: {  	v11 =	vld [tilespmem:s9+$0xC0];
	v0 =	vadd.f32 v0, v7;
	s4 =	sadd.s32 $0x200, s4  }
0x69: {  	s26 =	sadd.s32 $0x8, s26;
	v7 =	vld [tilespmem:s4+$0xFFFFFFD0];
	[tilespmem:s28+$0xFFFFFF70] =	vst v10;
	v1 =	vadd.f32 v1, v5  }
0x6a: {  	p1 =	slt.u32 s26, $0x78;
	v5 =	vld [tilespmem:s4+$0xFFFFFE10];
	[tilespmem:s28+$0xFFFFFFB0] =	vst v0;
	v0 =	vadd.f32 v2, v6  }
0x6b: {  	v2 =	vld [tilespmem:s9+$0xFFFFFF40];
	[tilespmem:s28+$0xFFFFFFF0] =	vst v1;
	v1 =	vadd.f32 v3, v8  }
0x6c: {  	v3 =	vld [tilespmem:s4+$0xFFFFFE50];
	[tilespmem:s28+$0x30] =	vst v0;
	v0 =	vadd.f32 v4, v9  }
0x6d: {  	v4 =	vld [tilespmem:s9+$0xFFFFFF80];
	[tilespmem:s28+$0x70] =	vst v1  }
0x6e: {  	v1 =	vld [tilespmem:s4+$0xFFFFFE90];
	v6 =	vadd.f32 v7, v11;
	[tilespmem:s28+$0xB0] =	vst v0;
	s28 =	smov.u32 s9  }
0x6f: {  	v0 =	vld [tilespmem:s9+$0xFFFFFFC0]  }
0x70: {  	[tilespmem:s9+$0xC0] =	vst v6;
	v6 =	vld [tilespmem:s9+$0xD0]  }
0x71: {  	v2 =	vadd.f32 v3, v2;
	v3 =	vld [tilespmem:s4+$0xFFFFFFE0]  }
0x72: {  	v7 =	vld [tilespmem:s4+$0xFFFFFED0]  }
0x73: {  	[tilespmem:s9+$0xFFFFFF40] =	vst v2;
	v1 =	vadd.f32 v1, v4;
	v2 =	vld [tilespmem:s9+$0x0]  }
0x74: {  	v4 =	vld [tilespmem:s4+$0xFFFFFF10]  }
0x75: {  	[tilespmem:s9+$0xFFFFFF80] =	vst v1;
	v1 =	vld [tilespmem:s9+$0x40]  }
0x76: {  	v8 =	vld [tilespmem:s4+$0xFFFFFF50];
	v3 =	vadd.f32 v3, v6  }
0x77: {  	v0 =	vadd.f32 v7, v0;
	v6 =	vld [tilespmem:s9+$0x80]  }
0x78: {  	[tilespmem:s9+$0xD0] =	vst v3;
	v3 =	vld [tilespmem:s9+$0xE0]  }
0x79: {  	[tilespmem:s9+$0xFFFFFFC0] =	vst v0;
	v0 =	vadd.f32 v4, v2;
	v2 =	vld [tilespmem:s4+$0xFFFFFFF0]  }
0x7a: {  	v4 =	vld [tilespmem:s4+$0xFFFFFF90]  }
0x7b: {  	v7 =	vld [tilespmem:s9+$0xFFFFFF00];
	[tilespmem:s9+$0x0] =	vst v0;
	v0 =	vadd.f32 v8, v1  }
0x7c: {  	v1 =	vld [tilespmem:s4+$0xFFFFFE60]  }
0x7d: {  	v8 =	vld [tilespmem:s4+$0xFFFFFEA0];
	[tilespmem:s9+$0x40] =	vst v0  }
0x7e: {  	v0 =	vld [tilespmem:s4+$0xFFFFFEE0];
	v2 =	vadd.f32 v2, v3  }
0x7f: {  	v3 =	vld [tilespmem:s4+$0xFFFFFF20];
	v4 =	vadd.f32 v4, v6  }
0x80: {  	v5 =	vadd.f32 v5, v7;
	[tilespmem:s9+$0xE0] =	vst v2;
	v2 =	vld [tilespmem:s9+$0xF0]  }
0x81: {  	[tilespmem:s9+$0x80] =	vst v4;
	v4 =	vld [tilespmem:s4+$0x0]  }
0x82: {  	[tilespmem:s9+$0xFFFFFF00] =	vst v5;
	v5 =	vld [tilespmem:s4+$0xFFFFFF60]  }
0x83: {  	v6 =	vld [tilespmem:s4+$0xFFFFFE20]  }
0x84: {  	v7 =	vld [tilespmem:s4+$0xFFFFFFA0]  }
0x85: {  	v9 =	vld [tilespmem:s9+$0xFFFFFF10]  }
0x86: {  	v10 =	vld [tilespmem:s9+$0xFFFFFF50];
	v2 =	vadd.f32 v4, v2  }
0x87: {  	v4 =	vld [tilespmem:s9+$0xFFFFFF90]  }
0x88: {  	v11 =	vld [tilespmem:s9+$0xFFFFFFD0];
	[tilespmem:s9+$0xF0] =	vst v2  }
0x89: {  	v2 =	vld [tilespmem:s9+$0x10]  }
0x8a: {  	v6 =	vadd.f32 v6, v9;
	v9 =	vld [tilespmem:s9+$0x50]  }
0x8b: {  	v1 =	vadd.f32 v1, v10;
	v10 =	vld [tilespmem:s9+$0x90]  }
0x8c: {  	[tilespmem:s9+$0xFFFFFF10] =	vst v6;
	v6 =	vld [tilespmem:s9+$0xFFFFFF20];
	v4 =	vadd.f32 v8, v4  }
0x8d: {  	v8 =	vld [tilespmem:s4+$0xFFFFFE30];
	[tilespmem:s9+$0xFFFFFF50] =	vst v1;
	v0 =	vadd.f32 v0, v11  }
0x8e: {  	v1 =	vld [tilespmem:s4+$0xFFFFFE70];
	[tilespmem:s9+$0xFFFFFF90] =	vst v4;
	v2 =	vadd.f32 v3, v2  }
0x8f: {  	v3 =	vld [tilespmem:s4+$0xFFFFFEB0];
	[tilespmem:s9+$0xFFFFFFD0] =	vst v0;
	v0 =	vadd.f32 v5, v9  }
0x90: {  	v4 =	vld [tilespmem:s4+$0xFFFFFEF0];
	[tilespmem:s9+$0x10] =	vst v2;
	v2 =	vadd.f32 v7, v10  }
0x91: {  	v5 =	vld [tilespmem:s4+$0xFFFFFF30];
	[tilespmem:s9+$0x50] =	vst v0  }
0x92: {  	v0 =	vadd.f32 v8, v6;
	v6 =	vld [tilespmem:s4+$0xFFFFFF70];
	[tilespmem:s9+$0x90] =	vst v2  }
0x93: {  	v2 =	vld [tilespmem:s4+$0xFFFFFFB0]  }
0x94: {  	[tilespmem:s9+$0xFFFFFF20] =	vst v0;
	v0 =	vld [tilespmem:s9+$0xFFFFFF60]  }
0x95: {  	v7 =	vld [tilespmem:s9+$0xFFFFFFA0]  }
0x96: {  	v8 =	vld [tilespmem:s9+$0xFFFFFFE0]  }
0x97: {  	v9 =	vld [tilespmem:s9+$0x20]  }
0x98: {  	v10 =	vld [tilespmem:s9+$0x60]  }
0x99: {  	v0 =	vadd.f32 v1, v0;
	v11 =	vld [tilespmem:s9+$0xA0]  }
0x9a: {  	v12 =	vld [tilespmem:s4+$0xFFFFFE40];
	v1 =	vadd.f32 v3, v7  }
0x9b: {  	v3 =	vld [tilespmem:s9+$0xFFFFFF30];
	[tilespmem:s9+$0xFFFFFF60] =	vst v0;
	v4 =	vadd.f32 v4, v8  }
0x9c: {  	v13 =	vld [tilespmem:s4+$0xFFFFFE80];
	[tilespmem:s9+$0xFFFFFFA0] =	vst v1;
	v5 =	vadd.f32 v5, v9  }
0x9d: {  	v0 =	vld [tilespmem:s4+$0xFFFFFEC0];
	[tilespmem:s9+$0xFFFFFFE0] =	vst v4;
	v4 =	vadd.f32 v6, v10  }
0x9e: {  	v1 =	vld [tilespmem:s4+$0xFFFFFF00];
	[tilespmem:s9+$0x20] =	vst v5;
	v5 =	vadd.f32 v2, v11  }
0x9f: {  	v2 =	vld [tilespmem:s4+$0xFFFFFF40];
	[tilespmem:s9+$0x60] =	vst v4  }
0xa0: {  	v6 =	vadd.f32 v12, v3;
	v3 =	vld [tilespmem:s4+$0xFFFFFF80];
	[tilespmem:s9+$0xA0] =	vst v5  }
0xa1: {  	v4 =	vld [tilespmem:s4+$0xFFFFFFC0]  }
0xa2: {  	[tilespmem:s9+$0xFFFFFF30] =	vst v6;
	v9 =	vld [tilespmem:s9+$0xFFFFFF70]  }
.Ltmp0:
0xa3: {  	v7 =	vld [tilespmem:s9+$0xFFFFFFB0];
	(pc) =	sbr.rel @p1 .LBB2_3-.Ltmp0, $4  }
0xa4: {  	v5 =	vld [tilespmem:s9+$0xFFFFFFF0]  }
0xa5: {  	v6 =	vld [tilespmem:s9+$0x30]  }
0xa6: {  	v8 =	vld [tilespmem:s9+$0x70]  }
0xa7: {  	s9 =	sadd.s32 $0x200, s9;
	v10 =	vadd.f32 v13, v9;
	v9 =	vld [tilespmem:s28+$0xB0]  }
0xa8: {  	v0 =	vadd.f32 v0, v7  }
0xa9: {  	[tilespmem:s28+$0xFFFFFF70] =	vst v10;
	v1 =	vadd.f32 v1, v5  }
0xaa: {  	[tilespmem:s28+$0xFFFFFFB0] =	vst v0;
	v0 =	vadd.f32 v2, v6  }
0xab: {  	[tilespmem:s28+$0xFFFFFFF0] =	vst v1;
	v1 =	vadd.f32 v3, v8  }
0xac: {  	s4 =	sadd.s32 s3, s1;
	[tilespmem:s28+$0x30] =	vst v0;
	v0 =	vadd.f32 v4, v9  }
0xad: {  	s4 =	sshll.u32 s4, $0x3;
	[tilespmem:s28+$0x70] =	vst v1  }
0xae: {  	s9 =	simm.s32 $0x0;
	s26 =	simm.s32 $0xC800;
	s4 =	sadd.s32 s8, s4;
	[tilespmem:s28+$0xB0] =	vst v0  }
0xaf: {  	[hbm4b:s4+s9] =	stream.linear.scatter [tilespmem:s26], [sflag:$0x9], $0x2000, $0x38;
	[tilespmem:$0x1C800] =	vst v63  }
0xb0: {  	s4 =	simm.s32 @!p0 $0xF  }
0xb1: {  	s12 =	simm.s32 $0x80;
	s26 =	sor.u32 $0x6, s29;
	_ =	swait.ge @!p0 [sflag:s4], $0x2000  }
0xb2: {  	s13 =	simm.s32 $0x18800;
	s11 =	sshll.u32 s26, $0x7;
	[sflag:s4] =	ssyncset.done @!p0 $0x0  }
0xb3: {  	s26 =	simm.s32 $0x2;
	s9 =	sand.u32 $0x3FFFFF80, s11;
	[sflag:s4] =	ssyncadd.s32 @!p0 $0xFFFFE000  }
0xb4: {  	[tilespmem:s13], [sflag:$0x7] =	stream.indirect.gather [hbm4b:s5+s12], $0x40, s9, s12, $0xb8;
	[tilespmem:$0x1C800] =	vst v63  }
0xb5: {  	_ =	swait.ge [sflag:s26], $0x2000  }
0xb6: {  	[sflag:s26] =	ssyncset.done $0x0  }
0xb7: {  	s4 =	simm.s32 $0xE900;
	[sflag:s26] =	ssyncadd.s32 $0xFFFFE000  }
0xb8: {  	v0 =	vld [tilespmem:s4+$0xC0]  }
0xb9: {  	v1 =	vld [tilespmem:s2+$0xFFFFFFD0]  }
0xba: {  	v2 =	vld [tilespmem:s2+$0xFFFFFE10]  }
0xbb: {  	v3 =	vld [tilespmem:s4+$0xFFFFFF40]  }
0xbc: {  	v4 =	vld [tilespmem:s4+$0xFFFFFF80]  }
0xbd: {  	v6 =	vld [tilespmem:s2+$0xFFFFFE90]  }
0xbe: {  	v7 =	vld [tilespmem:s4+$0xFFFFFFC0]  }
0xbf: {  	v8 =	vld [tilespmem:s2+$0xFFFFFED0]  }
0xc0: {  	v9 =	vld [tilespmem:s4+$0x0]  }
0xc1: {  	v10 =	vld [tilespmem:s2+$0xFFFFFF10]  }
0xc2: {  	v11 =	vld [tilespmem:s2+$0xFFFFFF50]  }
0xc3: {  	v60 =	vld [tilespmem:s4+$0xFFFFFFD0]  }
0xc4: {  	v13 =	vld [tilespmem:s4+$0x10]  }
0xc5: {  	v61 =	vld [tilespmem:s4+$0xFFFFFFE0]  }
0xc6: {  	v62 =	vld [tilespmem:s4+$0x60];
	v0 =	vadd.f32 v1, v0  }
0xc7: {  	v1 =	vld [tilespmem:s2+$0xFFFFFE50]  }
0xc8: {  	[tilespmem:s4+$0xC0] =	vst v0;
	v0 =	vld [tilespmem:s4+$0xD0]  }
0xc9: {  	v5 =	vld [tilespmem:s2+$0xFFFFFFE0]  }
0xca: {  	v63 =	vld [tilespmem:s4+$0xFFFFFF30];
	v4 =	vadd.f32 v6, v4  }
0xcb: {  	v6 =	vld [tilespmem:s2+$0xFFFFFF90]  }
0xcc: {  	[tilespmem:s4+$0xFFFFFF80] =	vst v4;
	v4 =	vadd.f32 v10, v9;
	v10 =	vld [tilespmem:s4+$0xFFFFFF50];
	v1 =	vadd.f32 v1, v3  }
0xcd: {  	v3 =	vld [tilespmem:s4+$0x80]  }
0xce: {  	[tilespmem:s4+$0xFFFFFF40] =	vst v1;
	v0 =	vadd.f32 v5, v0;
	v5 =	vld [tilespmem:s4+$0x40]  }
0xcf: {  	v1 =	vadd.f32 v8, v7;
	v8 =	vld [tilespmem:s2+$0xFFFFFE60]  }
0xd0: {  	[tilespmem:s4+$0xD0] =	vst v0;
	v0 =	vld [tilespmem:s4+$0xE0]  }
0xd1: {  	[tilespmem:s4+$0x0] =	vst v4;
	v12 =	vld [tilespmem:s2+$0xFFFFFFF0]  }
0xd2: {  	v9 =	vld [tilespmem:s2+$0xFFFFFF20]  }
0xd3: {  	v7 =	vld [tilespmem:s4+$0xFFFFFF00]  }
0xd4: {  	[tilespmem:s4+$0xFFFFFFC0] =	vst v1;
	v1 =	vld [tilespmem:s2+$0xFFFFFEA0]  }
0xd5: {  	v4 =	vld [tilespmem:s2+$0xFFFFFEE0];
	v8 =	vadd.f32 v8, v10  }
0xd6: {  	v5 =	vadd.f32 v11, v5;
	v11 =	vld [tilespmem:s4+$0xFFFFFF90];
	v0 =	vadd.f32 v12, v0  }
0xd7: {  	v10 =	vld [tilespmem:s4+$0x90];
	[tilespmem:s4+$0xFFFFFF50] =	vst v8  }
0xd8: {  	v8 =	vld [tilespmem:s2+$0xFFFFFE70];
	[tilespmem:s4+$0xE0] =	vst v0;
	v0 =	vadd.f32 v2, v7  }
0xd9: {  	[tilespmem:s4+$0x40] =	vst v5;
	v7 =	vld [tilespmem:s4+$0xF0];
	v2 =	vadd.f32 v6, v3  }
0xda: {  	v5 =	vld [tilespmem:s2+$0x0];
	[tilespmem:s4+$0xFFFFFF00] =	vst v0  }
0xdb: {  	v1 =	vadd.f32 v1, v11;
	[tilespmem:s4+$0x80] =	vst v2;
	v2 =	vld [tilespmem:s4+$0xFFFFFF10]  }
0xdc: {  	v3 =	vld [tilespmem:s2+$0xFFFFFE20]  }
0xdd: {  	[tilespmem:s4+$0xFFFFFF90] =	vst v1;
	v1 =	vadd.f32 v9, v13;
	v6 =	vld [tilespmem:s2+$0xFFFFFFA0]  }
0xde: {  	v4 =	vadd.f32 v4, v60;
	v0 =	vld [tilespmem:s2+$0xFFFFFF60]  }
0xdf: {  	v9 =	vld [tilespmem:s2+$0xFFFFFEB0];
	[tilespmem:s4+$0x10] =	vst v1  }
0xe0: {  	[tilespmem:s4+$0xFFFFFFD0] =	vst v4;
	v4 =	vld [tilespmem:s2+$0xFFFFFF30]  }
0xe1: {  	v2 =	vadd.f32 v3, v2;
	v3 =	vld [tilespmem:s4+$0x50]  }
0xe2: {  	v1 =	vadd.f32 v6, v10;
	v10 =	vld [tilespmem:s4+$0xFFFFFFA0]  }
0xe3: {  	[tilespmem:s4+$0xFFFFFF10] =	vst v2;
	v2 =	vld [tilespmem:s4+$0xFFFFFF20]  }
0xe4: {  	v11 =	vld [tilespmem:s2+$0xFFFFFE30]  }
0xe5: {  	v5 =	vadd.f32 v5, v7;
	[tilespmem:s4+$0x90] =	vst v1;
	v1 =	vld [tilespmem:s4+$0xFFFFFF60]  }
0xe6: {  	v7 =	vld [tilespmem:s4+$0x30]  }
0xe7: {  	[tilespmem:s4+$0xF0] =	vst v5;
	v5 =	vld [tilespmem:s4+$0x70]  }
0xe8: {  	v6 =	vld [tilespmem:s2+$0xFFFFFFB0]  }
0xe9: {  	v0 =	vadd.f32 v0, v3;
	v3 =	vld [tilespmem:s2+$0xFFFFFEF0];
	v2 =	vadd.f32 v11, v2  }
0xea: {  	v1 =	vadd.f32 v8, v1;
	v8 =	vadd.f32 v9, v10;
	v9 =	vld [tilespmem:s4+$0xFFFFFFB0]  }
0xeb: {  	[tilespmem:s4+$0xFFFFFF20] =	vst v2;
	v2 =	vld [tilespmem:s4+$0xA0]  }
0xec: {  	[tilespmem:s4+$0x50] =	vst v0;
	v11 =	vld [tilespmem:s4+$0x20]  }
0xed: {  	v0 =	vld [tilespmem:s2+$0xFFFFFF70];
	[tilespmem:s4+$0xFFFFFF60] =	vst v1  }
0xee: {  	[tilespmem:s4+$0xFFFFFFA0] =	vst v8;
	v8 =	vld [tilespmem:s4+$0xFFFFFFF0]  }
0xef: {  	v1 =	vadd.f32 v3, v61;
	v14 =	vld [tilespmem:s2+$0xFFFFFE80]  }
0xf0: {  	v10 =	vld [tilespmem:s2+$0xFFFFFE40];
	v6 =	vadd.f32 v6, v2  }
0xf1: {  	[tilespmem:s4+$0xFFFFFFE0] =	vst v1;
	v3 =	vadd.f32 v4, v11;
	v4 =	vld [tilespmem:s2+$0xFFFFFEC0]  }
0xf2: {  	v0 =	vadd.f32 v0, v62;
	[tilespmem:s4+$0xA0] =	vst v6;
	v6 =	vld [tilespmem:s4+$0xFFFFFF70]  }
0xf3: {  	v1 =	vld [tilespmem:s2+$0xFFFFFF00];
	[tilespmem:s4+$0x20] =	vst v3  }
0xf4: {  	[tilespmem:s4+$0x60] =	vst v0;
	v2 =	vld [tilespmem:s2+$0xFFFFFF40]  }
0xf5: {  	v3 =	vld [tilespmem:s2+$0xFFFFFF80];
	v10 =	vadd.f32 v10, v63  }
0xf6: {  	v0 =	vld [tilespmem:s2+$0xFFFFFFC0]  }
0xf7: {  	s28 =	simm.s32 $0x0;
	s9 =	simm.s32 $0xEB00;
	s26 =	sor.u32 $0x80, s1;
	[tilespmem:s4+$0xFFFFFF30] =	vst v10;
	v10 =	vadd.f32 v14, v6;
	v6 =	vld [tilespmem:s4+$0xB0]  }
.LBB2_5:
0xf8: {  	v11 =	vld [tilespmem:s9+$0xC0];
	v4 =	vadd.f32 v4, v9;
	s2 =	sadd.s32 $0x200, s2  }
0xf9: {  	s28 =	sadd.s32 $0x8, s28;
	v9 =	vld [tilespmem:s2+$0xFFFFFFD0];
	[tilespmem:s4+$0xFFFFFF70] =	vst v10;
	v1 =	vadd.f32 v1, v8  }
0xfa: {  	p1 =	slt.u32 s28, $0x78;
	v8 =	vld [tilespmem:s2+$0xFFFFFE10];
	[tilespmem:s4+$0xFFFFFFB0] =	vst v4;
	v2 =	vadd.f32 v2, v7  }
0xfb: {  	v4 =	vld [tilespmem:s9+$0xFFFFFF40];
	[tilespmem:s4+$0xFFFFFFF0] =	vst v1;
	v1 =	vadd.f32 v3, v5  }
0xfc: {  	v3 =	vld [tilespmem:s2+$0xFFFFFE50];
	[tilespmem:s4+$0x30] =	vst v2;
	v0 =	vadd.f32 v0, v6  }
0xfd: {  	v2 =	vld [tilespmem:s9+$0xFFFFFF80];
	[tilespmem:s4+$0x70] =	vst v1  }
0xfe: {  	v1 =	vld [tilespmem:s2+$0xFFFFFE90];
	v5 =	vadd.f32 v9, v11;
	[tilespmem:s4+$0xB0] =	vst v0;
	s4 =	smov.u32 s9  }
0xff: {  	v0 =	vld [tilespmem:s9+$0xFFFFFFC0]  }
0x100: {  	[tilespmem:s9+$0xC0] =	vst v5;
	v5 =	vld [tilespmem:s9+$0xD0]  }
0x101: {  	v3 =	vadd.f32 v3, v4;
	v4 =	vld [tilespmem:s2+$0xFFFFFFE0]  }
0x102: {  	v6 =	vld [tilespmem:s2+$0xFFFFFED0]  }
0x103: {  	[tilespmem:s9+$0xFFFFFF40] =	vst v3;
	v1 =	vadd.f32 v1, v2;
	v2 =	vld [tilespmem:s9+$0x0]  }
0x104: {  	v3 =	vld [tilespmem:s2+$0xFFFFFF10]  }
0x105: {  	[tilespmem:s9+$0xFFFFFF80] =	vst v1;
	v1 =	vld [tilespmem:s9+$0x40]  }
0x106: {  	v7 =	vld [tilespmem:s2+$0xFFFFFF50];
	v4 =	vadd.f32 v4, v5  }
0x107: {  	v0 =	vadd.f32 v6, v0;
	v5 =	vld [tilespmem:s9+$0x80]  }
0x108: {  	[tilespmem:s9+$0xD0] =	vst v4;
	v4 =	vld [tilespmem:s9+$0xE0]  }
0x109: {  	[tilespmem:s9+$0xFFFFFFC0] =	vst v0;
	v0 =	vadd.f32 v3, v2;
	v2 =	vld [tilespmem:s2+$0xFFFFFFF0]  }
0x10a: {  	v3 =	vld [tilespmem:s2+$0xFFFFFF90]  }
0x10b: {  	v6 =	vld [tilespmem:s9+$0xFFFFFF00];
	[tilespmem:s9+$0x0] =	vst v0;
	v0 =	vadd.f32 v7, v1  }
0x10c: {  	v1 =	vld [tilespmem:s2+$0xFFFFFE60]  }
0x10d: {  	v7 =	vld [tilespmem:s2+$0xFFFFFEA0];
	[tilespmem:s9+$0x40] =	vst v0  }
0x10e: {  	v0 =	vld [tilespmem:s2+$0xFFFFFEE0];
	v2 =	vadd.f32 v2, v4  }
0x10f: {  	v4 =	vld [tilespmem:s2+$0xFFFFFF20];
	v3 =	vadd.f32 v3, v5  }
0x110: {  	v5 =	vadd.f32 v8, v6;
	[tilespmem:s9+$0xE0] =	vst v2;
	v2 =	vld [tilespmem:s9+$0xF0]  }
0x111: {  	[tilespmem:s9+$0x80] =	vst v3;
	v3 =	vld [tilespmem:s2+$0x0]  }
0x112: {  	[tilespmem:s9+$0xFFFFFF00] =	vst v5;
	v5 =	vld [tilespmem:s2+$0xFFFFFF60]  }
0x113: {  	v6 =	vld [tilespmem:s2+$0xFFFFFE20]  }
0x114: {  	v8 =	vld [tilespmem:s2+$0xFFFFFFA0]  }
0x115: {  	v9 =	vld [tilespmem:s9+$0xFFFFFF10]  }
0x116: {  	v10 =	vld [tilespmem:s9+$0xFFFFFF50];
	v2 =	vadd.f32 v3, v2  }
0x117: {  	v3 =	vld [tilespmem:s9+$0xFFFFFF90]  }
0x118: {  	v11 =	vld [tilespmem:s9+$0xFFFFFFD0];
	[tilespmem:s9+$0xF0] =	vst v2  }
0x119: {  	v2 =	vld [tilespmem:s9+$0x10]  }
0x11a: {  	v6 =	vadd.f32 v6, v9;
	v9 =	vld [tilespmem:s9+$0x50]  }
0x11b: {  	v1 =	vadd.f32 v1, v10;
	v10 =	vld [tilespmem:s9+$0x90]  }
0x11c: {  	[tilespmem:s9+$0xFFFFFF10] =	vst v6;
	v6 =	vld [tilespmem:s9+$0xFFFFFF20];
	v3 =	vadd.f32 v7, v3  }
0x11d: {  	v7 =	vld [tilespmem:s2+$0xFFFFFE30];
	[tilespmem:s9+$0xFFFFFF50] =	vst v1;
	v0 =	vadd.f32 v0, v11  }
0x11e: {  	v1 =	vld [tilespmem:s2+$0xFFFFFE70];
	[tilespmem:s9+$0xFFFFFF90] =	vst v3;
	v2 =	vadd.f32 v4, v2  }
0x11f: {  	v3 =	vld [tilespmem:s2+$0xFFFFFEB0];
	[tilespmem:s9+$0xFFFFFFD0] =	vst v0;
	v0 =	vadd.f32 v5, v9  }
0x120: {  	v4 =	vld [tilespmem:s2+$0xFFFFFEF0];
	[tilespmem:s9+$0x10] =	vst v2;
	v2 =	vadd.f32 v8, v10  }
0x121: {  	v5 =	vld [tilespmem:s2+$0xFFFFFF30];
	[tilespmem:s9+$0x50] =	vst v0  }
0x122: {  	v0 =	vadd.f32 v7, v6;
	v6 =	vld [tilespmem:s2+$0xFFFFFF70];
	[tilespmem:s9+$0x90] =	vst v2  }
0x123: {  	v2 =	vld [tilespmem:s2+$0xFFFFFFB0]  }
0x124: {  	[tilespmem:s9+$0xFFFFFF20] =	vst v0;
	v0 =	vld [tilespmem:s9+$0xFFFFFF60]  }
0x125: {  	v7 =	vld [tilespmem:s9+$0xFFFFFFA0]  }
0x126: {  	v8 =	vld [tilespmem:s9+$0xFFFFFFE0]  }
0x127: {  	v9 =	vld [tilespmem:s9+$0x20]  }
0x128: {  	v10 =	vld [tilespmem:s9+$0x60]  }
0x129: {  	v0 =	vadd.f32 v1, v0;
	v11 =	vld [tilespmem:s9+$0xA0]  }
0x12a: {  	v12 =	vld [tilespmem:s2+$0xFFFFFE40];
	v1 =	vadd.f32 v3, v7  }
0x12b: {  	v3 =	vld [tilespmem:s9+$0xFFFFFF30];
	[tilespmem:s9+$0xFFFFFF60] =	vst v0;
	v0 =	vadd.f32 v4, v8  }
0x12c: {  	v13 =	vld [tilespmem:s2+$0xFFFFFE80];
	[tilespmem:s9+$0xFFFFFFA0] =	vst v1;
	v5 =	vadd.f32 v5, v9  }
0x12d: {  	v4 =	vld [tilespmem:s2+$0xFFFFFEC0];
	[tilespmem:s9+$0xFFFFFFE0] =	vst v0;
	v0 =	vadd.f32 v6, v10  }
0x12e: {  	v1 =	vld [tilespmem:s2+$0xFFFFFF00];
	[tilespmem:s9+$0x20] =	vst v5;
	v5 =	vadd.f32 v2, v11  }
0x12f: {  	v2 =	vld [tilespmem:s2+$0xFFFFFF40];
	[tilespmem:s9+$0x60] =	vst v0  }
0x130: {  	v6 =	vadd.f32 v12, v3;
	v3 =	vld [tilespmem:s2+$0xFFFFFF80];
	[tilespmem:s9+$0xA0] =	vst v5  }
0x131: {  	v0 =	vld [tilespmem:s2+$0xFFFFFFC0]  }
0x132: {  	[tilespmem:s9+$0xFFFFFF30] =	vst v6;
	v6 =	vld [tilespmem:s9+$0xFFFFFF70]  }
.Ltmp1:
0x133: {  	v9 =	vld [tilespmem:s9+$0xFFFFFFB0];
	(pc) =	sbr.rel @p1 .LBB2_5-.Ltmp1, $4  }
0x134: {  	v8 =	vld [tilespmem:s9+$0xFFFFFFF0]  }
0x135: {  	v7 =	vld [tilespmem:s9+$0x30]  }
0x136: {  	v5 =	vld [tilespmem:s9+$0x70]  }
0x137: {  	s9 =	sadd.s32 $0x200, s9;
	v10 =	vadd.f32 v13, v6;
	v6 =	vld [tilespmem:s4+$0xB0]  }
0x138: {  	v4 =	vadd.f32 v4, v9  }
0x139: {  	[tilespmem:s4+$0xFFFFFF70] =	vst v10;
	v1 =	vadd.f32 v1, v8  }
0x13a: {  	[tilespmem:s4+$0xFFFFFFB0] =	vst v4;
	v2 =	vadd.f32 v2, v7  }
0x13b: {  	s2 =	sadd.s32 s3, s26;
	[tilespmem:s4+$0xFFFFFFF0] =	vst v1;
	v1 =	vadd.f32 v3, v5  }
0x13c: {  	s2 =	sshll.u32 s2, $0x3;
	[tilespmem:s4+$0x30] =	vst v2;
	v0 =	vadd.f32 v0, v6  }
0x13d: {  	s28 =	smov.u32 s8;
	s2 =	sand.u32 $0x1FFFE400, s2;
	[tilespmem:s4+$0x70] =	vst v1  }
0x13e: {  	s26 =	simm.s32 $0xE800;
	s2 =	sadd.s32 s8, s2;
	s8 =	simm.s32 $0x0;
	[tilespmem:s4+$0xB0] =	vst v0  }
0x13f: {  	[hbm4b:s2+s8] =	stream.linear.scatter [tilespmem:s26], [sflag:$0xA], $0x2000, $0x38;
	[tilespmem:$0x1C800] =	vst v63  }
0x140: {  	s2 =	simm.s32 @!p0 $0x10  }
0x141: {  	s9 =	sor.u32 $0x7, s29;
	s13 =	simm.s32 $0x80;
	_ =	swait.ge @!p0 [sflag:s2], $0x2000  }
0x142: {  	s29 =	sshll.u32 s9, $0x7;
	s9 =	simm.s32 $0x1A800;
	[sflag:s2] =	ssyncset.done @!p0 $0x0  }
0x143: {  	s12 =	sand.u32 $0x3FFFFF80, s29;
	s26 =	simm.s32 $0x3;
	[sflag:s2] =	ssyncadd.s32 @!p0 $0xFFFFE000  }
0x144: {  	[tilespmem:s9], [sflag:$0x8] =	stream.indirect.gather [hbm4b:s5+s13], $0x40, s12, s13, $0xb8;
	[tilespmem:$0x1C800] =	vst v63  }
0x145: {  	_ =	swait.ge [sflag:s26], $0x2000  }
0x146: {  	[sflag:s26] =	ssyncset.done $0x0  }
0x147: {  	s2 =	simm.s32 $0x10900;
	[sflag:s26] =	ssyncadd.s32 $0xFFFFE000  }
0x148: {  	v0 =	vld [tilespmem:s2+$0xC0]  }
0x149: {  	v1 =	vld [tilespmem:s0+$0xFFFFFFD0]  }
0x14a: {  	v2 =	vld [tilespmem:s0+$0xFFFFFE10]  }
0x14b: {  	v3 =	vld [tilespmem:s2+$0xFFFFFF40]  }
0x14c: {  	v4 =	vld [tilespmem:s2+$0xFFFFFF80]  }
0x14d: {  	v6 =	vld [tilespmem:s0+$0xFFFFFE90]  }
0x14e: {  	v7 =	vld [tilespmem:s2+$0xFFFFFFC0]  }
0x14f: {  	v8 =	vld [tilespmem:s0+$0xFFFFFED0]  }
0x150: {  	v9 =	vld [tilespmem:s2+$0x0]  }
0x151: {  	v10 =	vld [tilespmem:s0+$0xFFFFFF10]  }
0x152: {  	v11 =	vld [tilespmem:s0+$0xFFFFFF50]  }
0x153: {  	v60 =	vld [tilespmem:s2+$0xFFFFFFD0]  }
0x154: {  	v13 =	vld [tilespmem:s2+$0x10]  }
0x155: {  	v61 =	vld [tilespmem:s2+$0xFFFFFFE0]  }
0x156: {  	v62 =	vld [tilespmem:s2+$0x60];
	v0 =	vadd.f32 v1, v0  }
0x157: {  	v1 =	vld [tilespmem:s0+$0xFFFFFE50]  }
0x158: {  	[tilespmem:s2+$0xC0] =	vst v0;
	v0 =	vld [tilespmem:s2+$0xD0]  }
0x159: {  	v5 =	vld [tilespmem:s0+$0xFFFFFFE0]  }
0x15a: {  	v63 =	vld [tilespmem:s2+$0xFFFFFF30];
	v4 =	vadd.f32 v6, v4  }
0x15b: {  	v6 =	vld [tilespmem:s0+$0xFFFFFF90]  }
0x15c: {  	[tilespmem:s2+$0xFFFFFF80] =	vst v4;
	v4 =	vadd.f32 v10, v9;
	v10 =	vld [tilespmem:s2+$0xFFFFFF50];
	v1 =	vadd.f32 v1, v3  }
0x15d: {  	v3 =	vld [tilespmem:s2+$0x80]  }
0x15e: {  	[tilespmem:s2+$0xFFFFFF40] =	vst v1;
	v0 =	vadd.f32 v5, v0;
	v5 =	vld [tilespmem:s2+$0x40]  }
0x15f: {  	v1 =	vadd.f32 v8, v7;
	v8 =	vld [tilespmem:s0+$0xFFFFFE60]  }
0x160: {  	[tilespmem:s2+$0xD0] =	vst v0;
	v0 =	vld [tilespmem:s2+$0xE0]  }
0x161: {  	[tilespmem:s2+$0x0] =	vst v4;
	v12 =	vld [tilespmem:s0+$0xFFFFFFF0]  }
0x162: {  	v9 =	vld [tilespmem:s0+$0xFFFFFF20]  }
0x163: {  	v7 =	vld [tilespmem:s2+$0xFFFFFF00]  }
0x164: {  	[tilespmem:s2+$0xFFFFFFC0] =	vst v1;
	v1 =	vld [tilespmem:s0+$0xFFFFFEA0]  }
0x165: {  	v4 =	vld [tilespmem:s0+$0xFFFFFEE0];
	v8 =	vadd.f32 v8, v10  }
0x166: {  	v5 =	vadd.f32 v11, v5;
	v11 =	vld [tilespmem:s2+$0xFFFFFF90];
	v0 =	vadd.f32 v12, v0  }
0x167: {  	v10 =	vld [tilespmem:s2+$0x90];
	[tilespmem:s2+$0xFFFFFF50] =	vst v8  }
0x168: {  	v8 =	vld [tilespmem:s0+$0xFFFFFE70];
	[tilespmem:s2+$0xE0] =	vst v0;
	v0 =	vadd.f32 v2, v7  }
0x169: {  	[tilespmem:s2+$0x40] =	vst v5;
	v7 =	vld [tilespmem:s2+$0xF0];
	v2 =	vadd.f32 v6, v3  }
0x16a: {  	v5 =	vld [tilespmem:s0+$0x0];
	[tilespmem:s2+$0xFFFFFF00] =	vst v0  }
0x16b: {  	v1 =	vadd.f32 v1, v11;
	[tilespmem:s2+$0x80] =	vst v2;
	v2 =	vld [tilespmem:s2+$0xFFFFFF10]  }
0x16c: {  	v3 =	vld [tilespmem:s0+$0xFFFFFE20]  }
0x16d: {  	[tilespmem:s2+$0xFFFFFF90] =	vst v1;
	v1 =	vadd.f32 v9, v13;
	v6 =	vld [tilespmem:s0+$0xFFFFFFA0]  }
0x16e: {  	v4 =	vadd.f32 v4, v60;
	v0 =	vld [tilespmem:s0+$0xFFFFFF60]  }
0x16f: {  	v9 =	vld [tilespmem:s0+$0xFFFFFEB0];
	[tilespmem:s2+$0x10] =	vst v1  }
0x170: {  	[tilespmem:s2+$0xFFFFFFD0] =	vst v4;
	v4 =	vld [tilespmem:s0+$0xFFFFFF30]  }
0x171: {  	v2 =	vadd.f32 v3, v2;
	v3 =	vld [tilespmem:s2+$0x50]  }
0x172: {  	v1 =	vadd.f32 v6, v10;
	v10 =	vld [tilespmem:s2+$0xFFFFFFA0]  }
0x173: {  	[tilespmem:s2+$0xFFFFFF10] =	vst v2;
	v2 =	vld [tilespmem:s2+$0xFFFFFF20]  }
0x174: {  	v11 =	vld [tilespmem:s0+$0xFFFFFE30]  }
0x175: {  	v5 =	vadd.f32 v5, v7;
	[tilespmem:s2+$0x90] =	vst v1;
	v1 =	vld [tilespmem:s2+$0xFFFFFF60]  }
0x176: {  	v7 =	vld [tilespmem:s2+$0x30]  }
0x177: {  	[tilespmem:s2+$0xF0] =	vst v5;
	v5 =	vld [tilespmem:s2+$0x70]  }
0x178: {  	v6 =	vld [tilespmem:s0+$0xFFFFFFB0]  }
0x179: {  	v0 =	vadd.f32 v0, v3;
	v3 =	vld [tilespmem:s0+$0xFFFFFEF0];
	v2 =	vadd.f32 v11, v2  }
0x17a: {  	v1 =	vadd.f32 v8, v1;
	v8 =	vadd.f32 v9, v10;
	v9 =	vld [tilespmem:s2+$0xFFFFFFB0]  }
0x17b: {  	[tilespmem:s2+$0xFFFFFF20] =	vst v2;
	v2 =	vld [tilespmem:s2+$0xA0]  }
0x17c: {  	[tilespmem:s2+$0x50] =	vst v0;
	v11 =	vld [tilespmem:s2+$0x20]  }
0x17d: {  	v0 =	vld [tilespmem:s0+$0xFFFFFF70];
	[tilespmem:s2+$0xFFFFFF60] =	vst v1  }
0x17e: {  	[tilespmem:s2+$0xFFFFFFA0] =	vst v8;
	v8 =	vld [tilespmem:s2+$0xFFFFFFF0]  }
0x17f: {  	v1 =	vadd.f32 v3, v61;
	v14 =	vld [tilespmem:s0+$0xFFFFFE80]  }
0x180: {  	v10 =	vld [tilespmem:s0+$0xFFFFFE40];
	v6 =	vadd.f32 v6, v2  }
0x181: {  	[tilespmem:s2+$0xFFFFFFE0] =	vst v1;
	v3 =	vadd.f32 v4, v11;
	v4 =	vld [tilespmem:s0+$0xFFFFFEC0]  }
0x182: {  	v0 =	vadd.f32 v0, v62;
	[tilespmem:s2+$0xA0] =	vst v6;
	v6 =	vld [tilespmem:s2+$0xFFFFFF70]  }
0x183: {  	v1 =	vld [tilespmem:s0+$0xFFFFFF00];
	[tilespmem:s2+$0x20] =	vst v3  }
0x184: {  	[tilespmem:s2+$0x60] =	vst v0;
	v2 =	vld [tilespmem:s0+$0xFFFFFF40]  }
0x185: {  	v3 =	vld [tilespmem:s0+$0xFFFFFF80];
	v10 =	vadd.f32 v10, v63  }
0x186: {  	v0 =	vld [tilespmem:s0+$0xFFFFFFC0]  }
0x187: {  	s4 =	sor.u32 $0x100, s1;
	s9 =	simm.s32 $0x10B00;
	s26 =	simm.s32 $0x0;
	[tilespmem:s2+$0xFFFFFF30] =	vst v10;
	v10 =	vadd.f32 v14, v6;
	v6 =	vld [tilespmem:s2+$0xB0]  }
.LBB2_7:
0x188: {  	v11 =	vld [tilespmem:s9+$0xC0];
	v4 =	vadd.f32 v4, v9;
	s0 =	sadd.s32 $0x200, s0  }
0x189: {  	s26 =	sadd.s32 $0x8, s26;
	v9 =	vld [tilespmem:s0+$0xFFFFFFD0];
	[tilespmem:s2+$0xFFFFFF70] =	vst v10;
	v1 =	vadd.f32 v1, v8  }
0x18a: {  	p0 =	slt.u32 s26, $0x78;
	v8 =	vld [tilespmem:s0+$0xFFFFFE10];
	[tilespmem:s2+$0xFFFFFFB0] =	vst v4;
	v2 =	vadd.f32 v2, v7  }
0x18b: {  	v4 =	vld [tilespmem:s9+$0xFFFFFF40];
	[tilespmem:s2+$0xFFFFFFF0] =	vst v1;
	v1 =	vadd.f32 v3, v5  }
0x18c: {  	v3 =	vld [tilespmem:s0+$0xFFFFFE50];
	[tilespmem:s2+$0x30] =	vst v2;
	v0 =	vadd.f32 v0, v6  }
0x18d: {  	v2 =	vld [tilespmem:s9+$0xFFFFFF80];
	[tilespmem:s2+$0x70] =	vst v1  }
0x18e: {  	v1 =	vld [tilespmem:s0+$0xFFFFFE90];
	v5 =	vadd.f32 v9, v11;
	[tilespmem:s2+$0xB0] =	vst v0;
	s2 =	smov.u32 s9  }
0x18f: {  	v0 =	vld [tilespmem:s9+$0xFFFFFFC0]  }
0x190: {  	[tilespmem:s9+$0xC0] =	vst v5;
	v5 =	vld [tilespmem:s9+$0xD0]  }
0x191: {  	v3 =	vadd.f32 v3, v4;
	v4 =	vld [tilespmem:s0+$0xFFFFFFE0]  }
0x192: {  	v6 =	vld [tilespmem:s0+$0xFFFFFED0]  }
0x193: {  	[tilespmem:s9+$0xFFFFFF40] =	vst v3;
	v1 =	vadd.f32 v1, v2;
	v2 =	vld [tilespmem:s9+$0x0]  }
0x194: {  	v3 =	vld [tilespmem:s0+$0xFFFFFF10]  }
0x195: {  	[tilespmem:s9+$0xFFFFFF80] =	vst v1;
	v1 =	vld [tilespmem:s9+$0x40]  }
0x196: {  	v7 =	vld [tilespmem:s0+$0xFFFFFF50];
	v4 =	vadd.f32 v4, v5  }
0x197: {  	v0 =	vadd.f32 v6, v0;
	v5 =	vld [tilespmem:s9+$0x80]  }
0x198: {  	[tilespmem:s9+$0xD0] =	vst v4;
	v4 =	vld [tilespmem:s9+$0xE0]  }
0x199: {  	[tilespmem:s9+$0xFFFFFFC0] =	vst v0;
	v0 =	vadd.f32 v3, v2;
	v2 =	vld [tilespmem:s0+$0xFFFFFFF0]  }
0x19a: {  	v3 =	vld [tilespmem:s0+$0xFFFFFF90]  }
0x19b: {  	v6 =	vld [tilespmem:s9+$0xFFFFFF00];
	[tilespmem:s9+$0x0] =	vst v0;
	v0 =	vadd.f32 v7, v1  }
0x19c: {  	v1 =	vld [tilespmem:s0+$0xFFFFFE60]  }
0x19d: {  	v7 =	vld [tilespmem:s0+$0xFFFFFEA0];
	[tilespmem:s9+$0x40] =	vst v0  }
0x19e: {  	v0 =	vld [tilespmem:s0+$0xFFFFFEE0];
	v2 =	vadd.f32 v2, v4  }
0x19f: {  	v4 =	vld [tilespmem:s0+$0xFFFFFF20];
	v3 =	vadd.f32 v3, v5  }
0x1a0: {  	v5 =	vadd.f32 v8, v6;
	[tilespmem:s9+$0xE0] =	vst v2;
	v2 =	vld [tilespmem:s9+$0xF0]  }
0x1a1: {  	[tilespmem:s9+$0x80] =	vst v3;
	v3 =	vld [tilespmem:s0+$0x0]  }
0x1a2: {  	[tilespmem:s9+$0xFFFFFF00] =	vst v5;
	v5 =	vld [tilespmem:s0+$0xFFFFFF60]  }
0x1a3: {  	v6 =	vld [tilespmem:s0+$0xFFFFFE20]  }
0x1a4: {  	v8 =	vld [tilespmem:s0+$0xFFFFFFA0]  }
0x1a5: {  	v9 =	vld [tilespmem:s9+$0xFFFFFF10]  }
0x1a6: {  	v10 =	vld [tilespmem:s9+$0xFFFFFF50];
	v2 =	vadd.f32 v3, v2  }
0x1a7: {  	v3 =	vld [tilespmem:s9+$0xFFFFFF90]  }
0x1a8: {  	v11 =	vld [tilespmem:s9+$0xFFFFFFD0];
	[tilespmem:s9+$0xF0] =	vst v2  }
0x1a9: {  	v2 =	vld [tilespmem:s9+$0x10]  }
0x1aa: {  	v6 =	vadd.f32 v6, v9;
	v9 =	vld [tilespmem:s9+$0x50]  }
0x1ab: {  	v1 =	vadd.f32 v1, v10;
	v10 =	vld [tilespmem:s9+$0x90]  }
0x1ac: {  	[tilespmem:s9+$0xFFFFFF10] =	vst v6;
	v6 =	vld [tilespmem:s9+$0xFFFFFF20];
	v3 =	vadd.f32 v7, v3  }
0x1ad: {  	v7 =	vld [tilespmem:s0+$0xFFFFFE30];
	[tilespmem:s9+$0xFFFFFF50] =	vst v1;
	v0 =	vadd.f32 v0, v11  }
0x1ae: {  	v1 =	vld [tilespmem:s0+$0xFFFFFE70];
	[tilespmem:s9+$0xFFFFFF90] =	vst v3;
	v2 =	vadd.f32 v4, v2  }
0x1af: {  	v3 =	vld [tilespmem:s0+$0xFFFFFEB0];
	[tilespmem:s9+$0xFFFFFFD0] =	vst v0;
	v0 =	vadd.f32 v5, v9  }
0x1b0: {  	v4 =	vld [tilespmem:s0+$0xFFFFFEF0];
	[tilespmem:s9+$0x10] =	vst v2;
	v2 =	vadd.f32 v8, v10  }
0x1b1: {  	v5 =	vld [tilespmem:s0+$0xFFFFFF30];
	[tilespmem:s9+$0x50] =	vst v0  }
0x1b2: {  	v0 =	vadd.f32 v7, v6;
	v6 =	vld [tilespmem:s0+$0xFFFFFF70];
	[tilespmem:s9+$0x90] =	vst v2  }
0x1b3: {  	v2 =	vld [tilespmem:s0+$0xFFFFFFB0]  }
0x1b4: {  	[tilespmem:s9+$0xFFFFFF20] =	vst v0;
	v0 =	vld [tilespmem:s9+$0xFFFFFF60]  }
0x1b5: {  	v7 =	vld [tilespmem:s9+$0xFFFFFFA0]  }
0x1b6: {  	v8 =	vld [tilespmem:s9+$0xFFFFFFE0]  }
0x1b7: {  	v9 =	vld [tilespmem:s9+$0x20]  }
0x1b8: {  	v10 =	vld [tilespmem:s9+$0x60]  }
0x1b9: {  	v0 =	vadd.f32 v1, v0;
	v11 =	vld [tilespmem:s9+$0xA0]  }
0x1ba: {  	v12 =	vld [tilespmem:s0+$0xFFFFFE40];
	v1 =	vadd.f32 v3, v7  }
0x1bb: {  	v3 =	vld [tilespmem:s9+$0xFFFFFF30];
	[tilespmem:s9+$0xFFFFFF60] =	vst v0;
	v0 =	vadd.f32 v4, v8  }
0x1bc: {  	v13 =	vld [tilespmem:s0+$0xFFFFFE80];
	[tilespmem:s9+$0xFFFFFFA0] =	vst v1;
	v5 =	vadd.f32 v5, v9  }
0x1bd: {  	v4 =	vld [tilespmem:s0+$0xFFFFFEC0];
	[tilespmem:s9+$0xFFFFFFE0] =	vst v0;
	v0 =	vadd.f32 v6, v10  }
0x1be: {  	v1 =	vld [tilespmem:s0+$0xFFFFFF00];
	[tilespmem:s9+$0x20] =	vst v5;
	v5 =	vadd.f32 v2, v11  }
0x1bf: {  	v2 =	vld [tilespmem:s0+$0xFFFFFF40];
	[tilespmem:s9+$0x60] =	vst v0  }
0x1c0: {  	v6 =	vadd.f32 v12, v3;
	v3 =	vld [tilespmem:s0+$0xFFFFFF80];
	[tilespmem:s9+$0xA0] =	vst v5  }
0x1c1: {  	v0 =	vld [tilespmem:s0+$0xFFFFFFC0]  }
0x1c2: {  	[tilespmem:s9+$0xFFFFFF30] =	vst v6;
	v6 =	vld [tilespmem:s9+$0xFFFFFF70]  }
.Ltmp2:
0x1c3: {  	v9 =	vld [tilespmem:s9+$0xFFFFFFB0];
	(pc) =	sbr.rel @p0 .LBB2_7-.Ltmp2, $4  }
0x1c4: {  	v8 =	vld [tilespmem:s9+$0xFFFFFFF0]  }
0x1c5: {  	v7 =	vld [tilespmem:s9+$0x30]  }
0x1c6: {  	v5 =	vld [tilespmem:s9+$0x70]  }
0x1c7: {  	s9 =	sadd.s32 $0x200, s9;
	v10 =	vadd.f32 v13, v6;
	v6 =	vld [tilespmem:s2+$0xB0]  }
0x1c8: {  	v4 =	vadd.f32 v4, v9  }
0x1c9: {  	[tilespmem:s2+$0xFFFFFF70] =	vst v10;
	v1 =	vadd.f32 v1, v8  }
0x1ca: {  	[tilespmem:s2+$0xFFFFFFB0] =	vst v4;
	v2 =	vadd.f32 v2, v7  }
0x1cb: {  	s0 =	sadd.s32 s3, s4;
	[tilespmem:s2+$0xFFFFFFF0] =	vst v1;
	v1 =	vadd.f32 v3, v5  }
0x1cc: {  	s0 =	sshll.u32 s0, $0x3;
	[tilespmem:s2+$0x30] =	vst v2;
	v0 =	vadd.f32 v0, v6  }
0x1cd: {  	s12 =	simm.s32 $0x10800;
	s0 =	sand.u32 $0x1FFFE800, s0;
	[tilespmem:s2+$0x70] =	vst v1  }
0x1ce: {  	s13 =	simm.s32 $0x9;
	p0 =	seq.s32 s23, $0x18;
	s0 =	sadd.s32 s28, s0;
	[tilespmem:s2+$0xB0] =	vst v0  }
0x1cf: {  	[hbm4b:s0+s8] =	stream.linear.scatter [tilespmem:s12], [sflag:$0xB], $0x2000, $0x38;
	[tilespmem:$0x1C800] =	vst v63  }
0x1d0: {  	s26 =	simm.s32 $0x4;
	s0 =	sshll.u32 @!p0 s23, $0xA;
	_ =	swait.ge [sflag:s13], $0x2000  }
0x1d1: {  	s4 =	simm.s32 @!p0 $0x80;
	s0 =	sand.u32 @!p0 $0x3FFFFC00, s0;
	[sflag:s13] =	ssyncset.done $0x0  }
0x1d2: {  	s9 =	simm.s32 @!p0 $0xC800;
	s2 =	sadd.s32 @!p0 $0x400, s0;
	[sflag:s13] =	ssyncadd.s32 $0xFFFFE000  }
0x1d3: {  	[tilespmem:s9], [sflag:$0x1] =	stream.indirect.gather @!p0 [hbm4b:s5+s4], $0x40, s2, s4, $0xb8;
	[tilespmem:$0x1C800] =	vst v63  }
0x1d4: {  	_ =	swait.ge [sflag:s26], $0x2000  }
0x1d5: {  	[sflag:s26] =	ssyncset.done $0x0  }
0x1d6: {  	s2 =	simm.s32 $0x12900;
	[sflag:s26] =	ssyncadd.s32 $0xFFFFE000  }
0x1d7: {  	v0 =	vld [tilespmem:s2+$0xC0]  }
0x1d8: {  	v1 =	vld [tilespmem:s16+$0xFFFFFFD0]  }
0x1d9: {  	v2 =	vld [tilespmem:s16+$0xFFFFFE10]  }
0x1da: {  	v3 =	vld [tilespmem:s2+$0xFFFFFF40]  }
0x1db: {  	v4 =	vld [tilespmem:s2+$0xFFFFFF80]  }
0x1dc: {  	v6 =	vld [tilespmem:s16+$0xFFFFFE90]  }
0x1dd: {  	v7 =	vld [tilespmem:s2+$0xFFFFFFC0]  }
0x1de: {  	v8 =	vld [tilespmem:s16+$0xFFFFFED0]  }
0x1df: {  	v9 =	vld [tilespmem:s2+$0x0]  }
0x1e0: {  	v10 =	vld [tilespmem:s16+$0xFFFFFF10]  }
0x1e1: {  	v11 =	vld [tilespmem:s16+$0xFFFFFF50]  }
0x1e2: {  	v60 =	vld [tilespmem:s2+$0xFFFFFFD0]  }
0x1e3: {  	v13 =	vld [tilespmem:s2+$0x10]  }
0x1e4: {  	v61 =	vld [tilespmem:s2+$0xFFFFFFE0]  }
0x1e5: {  	v62 =	vld [tilespmem:s2+$0x60];
	v0 =	vadd.f32 v1, v0  }
0x1e6: {  	v1 =	vld [tilespmem:s16+$0xFFFFFE50]  }
0x1e7: {  	[tilespmem:s2+$0xC0] =	vst v0;
	v0 =	vld [tilespmem:s2+$0xD0]  }
0x1e8: {  	v5 =	vld [tilespmem:s16+$0xFFFFFFE0]  }
0x1e9: {  	v63 =	vld [tilespmem:s2+$0xFFFFFF30];
	v4 =	vadd.f32 v6, v4  }
0x1ea: {  	v6 =	vld [tilespmem:s16+$0xFFFFFF90]  }
0x1eb: {  	[tilespmem:s2+$0xFFFFFF80] =	vst v4;
	v4 =	vadd.f32 v10, v9;
	v10 =	vld [tilespmem:s2+$0xFFFFFF50];
	v1 =	vadd.f32 v1, v3  }
0x1ec: {  	v3 =	vld [tilespmem:s2+$0x80]  }
0x1ed: {  	[tilespmem:s2+$0xFFFFFF40] =	vst v1;
	v0 =	vadd.f32 v5, v0;
	v5 =	vld [tilespmem:s2+$0x40]  }
0x1ee: {  	v1 =	vadd.f32 v8, v7;
	v8 =	vld [tilespmem:s16+$0xFFFFFE60]  }
0x1ef: {  	[tilespmem:s2+$0xD0] =	vst v0;
	v0 =	vld [tilespmem:s2+$0xE0]  }
0x1f0: {  	[tilespmem:s2+$0x0] =	vst v4;
	v12 =	vld [tilespmem:s16+$0xFFFFFFF0]  }
0x1f1: {  	v9 =	vld [tilespmem:s16+$0xFFFFFF20]  }
0x1f2: {  	v7 =	vld [tilespmem:s2+$0xFFFFFF00]  }
0x1f3: {  	[tilespmem:s2+$0xFFFFFFC0] =	vst v1;
	v1 =	vld [tilespmem:s16+$0xFFFFFEA0]  }
0x1f4: {  	v4 =	vld [tilespmem:s16+$0xFFFFFEE0];
	v8 =	vadd.f32 v8, v10  }
0x1f5: {  	v5 =	vadd.f32 v11, v5;
	v11 =	vld [tilespmem:s2+$0xFFFFFF90];
	v0 =	vadd.f32 v12, v0  }
0x1f6: {  	v10 =	vld [tilespmem:s2+$0x90];
	[tilespmem:s2+$0xFFFFFF50] =	vst v8  }
0x1f7: {  	v8 =	vld [tilespmem:s16+$0xFFFFFE70];
	[tilespmem:s2+$0xE0] =	vst v0;
	v0 =	vadd.f32 v2, v7  }
0x1f8: {  	[tilespmem:s2+$0x40] =	vst v5;
	v7 =	vld [tilespmem:s2+$0xF0];
	v2 =	vadd.f32 v6, v3  }
0x1f9: {  	v5 =	vld [tilespmem:s16+$0x0];
	[tilespmem:s2+$0xFFFFFF00] =	vst v0  }
0x1fa: {  	v1 =	vadd.f32 v1, v11;
	[tilespmem:s2+$0x80] =	vst v2;
	v2 =	vld [tilespmem:s2+$0xFFFFFF10]  }
0x1fb: {  	v3 =	vld [tilespmem:s16+$0xFFFFFE20]  }
0x1fc: {  	[tilespmem:s2+$0xFFFFFF90] =	vst v1;
	v1 =	vadd.f32 v9, v13;
	v6 =	vld [tilespmem:s16+$0xFFFFFFA0]  }
0x1fd: {  	v4 =	vadd.f32 v4, v60;
	v0 =	vld [tilespmem:s16+$0xFFFFFF60]  }
0x1fe: {  	v9 =	vld [tilespmem:s16+$0xFFFFFEB0];
	[tilespmem:s2+$0x10] =	vst v1  }
0x1ff: {  	[tilespmem:s2+$0xFFFFFFD0] =	vst v4;
	v4 =	vld [tilespmem:s16+$0xFFFFFF30]  }
0x200: {  	v2 =	vadd.f32 v3, v2;
	v3 =	vld [tilespmem:s2+$0x50]  }
0x201: {  	v1 =	vadd.f32 v6, v10;
	v10 =	vld [tilespmem:s2+$0xFFFFFFA0]  }
0x202: {  	[tilespmem:s2+$0xFFFFFF10] =	vst v2;
	v2 =	vld [tilespmem:s2+$0xFFFFFF20]  }
0x203: {  	v11 =	vld [tilespmem:s16+$0xFFFFFE30]  }
0x204: {  	v5 =	vadd.f32 v5, v7;
	[tilespmem:s2+$0x90] =	vst v1;
	v1 =	vld [tilespmem:s2+$0xFFFFFF60]  }
0x205: {  	v7 =	vld [tilespmem:s2+$0x30]  }
0x206: {  	[tilespmem:s2+$0xF0] =	vst v5;
	v5 =	vld [tilespmem:s2+$0x70]  }
0x207: {  	v6 =	vld [tilespmem:s16+$0xFFFFFFB0]  }
0x208: {  	v0 =	vadd.f32 v0, v3;
	v3 =	vld [tilespmem:s16+$0xFFFFFEF0];
	v2 =	vadd.f32 v11, v2  }
0x209: {  	v1 =	vadd.f32 v8, v1;
	v8 =	vadd.f32 v9, v10;
	v9 =	vld [tilespmem:s2+$0xFFFFFFB0]  }
0x20a: {  	[tilespmem:s2+$0xFFFFFF20] =	vst v2;
	v2 =	vld [tilespmem:s2+$0xA0]  }
0x20b: {  	[tilespmem:s2+$0x50] =	vst v0;
	v11 =	vld [tilespmem:s2+$0x20]  }
0x20c: {  	v0 =	vld [tilespmem:s16+$0xFFFFFF70];
	[tilespmem:s2+$0xFFFFFF60] =	vst v1  }
0x20d: {  	[tilespmem:s2+$0xFFFFFFA0] =	vst v8;
	v8 =	vld [tilespmem:s2+$0xFFFFFFF0]  }
0x20e: {  	v1 =	vadd.f32 v3, v61;
	v14 =	vld [tilespmem:s16+$0xFFFFFE80]  }
0x20f: {  	v10 =	vld [tilespmem:s16+$0xFFFFFE40];
	v6 =	vadd.f32 v6, v2  }
0x210: {  	[tilespmem:s2+$0xFFFFFFE0] =	vst v1;
	v3 =	vadd.f32 v4, v11;
	v4 =	vld [tilespmem:s16+$0xFFFFFEC0]  }
0x211: {  	v0 =	vadd.f32 v0, v62;
	[tilespmem:s2+$0xA0] =	vst v6;
	v6 =	vld [tilespmem:s2+$0xFFFFFF70]  }
0x212: {  	v1 =	vld [tilespmem:s16+$0xFFFFFF00];
	[tilespmem:s2+$0x20] =	vst v3  }
0x213: {  	[tilespmem:s2+$0x60] =	vst v0;
	v2 =	vld [tilespmem:s16+$0xFFFFFF40]  }
0x214: {  	v3 =	vld [tilespmem:s16+$0xFFFFFF80];
	v10 =	vadd.f32 v10, v63  }
0x215: {  	v0 =	vld [tilespmem:s16+$0xFFFFFFC0]  }
0x216: {  	s4 =	sor.u32 $0x180, s1;
	s9 =	simm.s32 $0x12B00;
	s26 =	simm.s32 $0x0;
	[tilespmem:s2+$0xFFFFFF30] =	vst v10;
	v10 =	vadd.f32 v14, v6;
	v6 =	vld [tilespmem:s2+$0xB0]  }
.LBB2_9:
0x217: {  	v11 =	vld [tilespmem:s9+$0xC0];
	v4 =	vadd.f32 v4, v9;
	s16 =	sadd.s32 $0x200, s16  }
0x218: {  	s26 =	sadd.s32 $0x8, s26;
	v9 =	vld [tilespmem:s16+$0xFFFFFFD0];
	[tilespmem:s2+$0xFFFFFF70] =	vst v10;
	v1 =	vadd.f32 v1, v8  }
0x219: {  	p1 =	slt.u32 s26, $0x78;
	v8 =	vld [tilespmem:s16+$0xFFFFFE10];
	[tilespmem:s2+$0xFFFFFFB0] =	vst v4;
	v2 =	vadd.f32 v2, v7  }
0x21a: {  	v4 =	vld [tilespmem:s9+$0xFFFFFF40];
	[tilespmem:s2+$0xFFFFFFF0] =	vst v1;
	v1 =	vadd.f32 v3, v5  }
0x21b: {  	v3 =	vld [tilespmem:s16+$0xFFFFFE50];
	[tilespmem:s2+$0x30] =	vst v2;
	v0 =	vadd.f32 v0, v6  }
0x21c: {  	v2 =	vld [tilespmem:s9+$0xFFFFFF80];
	[tilespmem:s2+$0x70] =	vst v1  }
0x21d: {  	v1 =	vld [tilespmem:s16+$0xFFFFFE90];
	v5 =	vadd.f32 v9, v11;
	[tilespmem:s2+$0xB0] =	vst v0;
	s2 =	smov.u32 s9  }
0x21e: {  	v0 =	vld [tilespmem:s9+$0xFFFFFFC0]  }
0x21f: {  	[tilespmem:s9+$0xC0] =	vst v5;
	v5 =	vld [tilespmem:s9+$0xD0]  }
0x220: {  	v3 =	vadd.f32 v3, v4;
	v4 =	vld [tilespmem:s16+$0xFFFFFFE0]  }
0x221: {  	v6 =	vld [tilespmem:s16+$0xFFFFFED0]  }
0x222: {  	[tilespmem:s9+$0xFFFFFF40] =	vst v3;
	v1 =	vadd.f32 v1, v2;
	v2 =	vld [tilespmem:s9+$0x0]  }
0x223: {  	v3 =	vld [tilespmem:s16+$0xFFFFFF10]  }
0x224: {  	[tilespmem:s9+$0xFFFFFF80] =	vst v1;
	v1 =	vld [tilespmem:s9+$0x40]  }
0x225: {  	v7 =	vld [tilespmem:s16+$0xFFFFFF50];
	v4 =	vadd.f32 v4, v5  }
0x226: {  	v0 =	vadd.f32 v6, v0;
	v5 =	vld [tilespmem:s9+$0x80]  }
0x227: {  	[tilespmem:s9+$0xD0] =	vst v4;
	v4 =	vld [tilespmem:s9+$0xE0]  }
0x228: {  	[tilespmem:s9+$0xFFFFFFC0] =	vst v0;
	v0 =	vadd.f32 v3, v2;
	v2 =	vld [tilespmem:s16+$0xFFFFFFF0]  }
0x229: {  	v3 =	vld [tilespmem:s16+$0xFFFFFF90]  }
0x22a: {  	v6 =	vld [tilespmem:s9+$0xFFFFFF00];
	[tilespmem:s9+$0x0] =	vst v0;
	v0 =	vadd.f32 v7, v1  }
0x22b: {  	v1 =	vld [tilespmem:s16+$0xFFFFFE60]  }
0x22c: {  	v7 =	vld [tilespmem:s16+$0xFFFFFEA0];
	[tilespmem:s9+$0x40] =	vst v0  }
0x22d: {  	v0 =	vld [tilespmem:s16+$0xFFFFFEE0];
	v2 =	vadd.f32 v2, v4  }
0x22e: {  	v4 =	vld [tilespmem:s16+$0xFFFFFF20];
	v3 =	vadd.f32 v3, v5  }
0x22f: {  	v5 =	vadd.f32 v8, v6;
	[tilespmem:s9+$0xE0] =	vst v2;
	v2 =	vld [tilespmem:s9+$0xF0]  }
0x230: {  	[tilespmem:s9+$0x80] =	vst v3;
	v3 =	vld [tilespmem:s16+$0x0]  }
0x231: {  	[tilespmem:s9+$0xFFFFFF00] =	vst v5;
	v5 =	vld [tilespmem:s16+$0xFFFFFF60]  }
0x232: {  	v6 =	vld [tilespmem:s16+$0xFFFFFE20]  }
0x233: {  	v8 =	vld [tilespmem:s16+$0xFFFFFFA0]  }
0x234: {  	v9 =	vld [tilespmem:s9+$0xFFFFFF10]  }
0x235: {  	v10 =	vld [tilespmem:s9+$0xFFFFFF50];
	v2 =	vadd.f32 v3, v2  }
0x236: {  	v3 =	vld [tilespmem:s9+$0xFFFFFF90]  }
0x237: {  	v11 =	vld [tilespmem:s9+$0xFFFFFFD0];
	[tilespmem:s9+$0xF0] =	vst v2  }
0x238: {  	v2 =	vld [tilespmem:s9+$0x10]  }
0x239: {  	v6 =	vadd.f32 v6, v9;
	v9 =	vld [tilespmem:s9+$0x50]  }
0x23a: {  	v1 =	vadd.f32 v1, v10;
	v10 =	vld [tilespmem:s9+$0x90]  }
0x23b: {  	[tilespmem:s9+$0xFFFFFF10] =	vst v6;
	v6 =	vld [tilespmem:s9+$0xFFFFFF20];
	v3 =	vadd.f32 v7, v3  }
0x23c: {  	v7 =	vld [tilespmem:s16+$0xFFFFFE30];
	[tilespmem:s9+$0xFFFFFF50] =	vst v1;
	v0 =	vadd.f32 v0, v11  }
0x23d: {  	v1 =	vld [tilespmem:s16+$0xFFFFFE70];
	[tilespmem:s9+$0xFFFFFF90] =	vst v3;
	v2 =	vadd.f32 v4, v2  }
0x23e: {  	v3 =	vld [tilespmem:s16+$0xFFFFFEB0];
	[tilespmem:s9+$0xFFFFFFD0] =	vst v0;
	v0 =	vadd.f32 v5, v9  }
0x23f: {  	v4 =	vld [tilespmem:s16+$0xFFFFFEF0];
	[tilespmem:s9+$0x10] =	vst v2;
	v2 =	vadd.f32 v8, v10  }
0x240: {  	v5 =	vld [tilespmem:s16+$0xFFFFFF30];
	[tilespmem:s9+$0x50] =	vst v0  }
0x241: {  	v0 =	vadd.f32 v7, v6;
	v6 =	vld [tilespmem:s16+$0xFFFFFF70];
	[tilespmem:s9+$0x90] =	vst v2  }
0x242: {  	v2 =	vld [tilespmem:s16+$0xFFFFFFB0]  }
0x243: {  	[tilespmem:s9+$0xFFFFFF20] =	vst v0;
	v0 =	vld [tilespmem:s9+$0xFFFFFF60]  }
0x244: {  	v7 =	vld [tilespmem:s9+$0xFFFFFFA0]  }
0x245: {  	v8 =	vld [tilespmem:s9+$0xFFFFFFE0]  }
0x246: {  	v9 =	vld [tilespmem:s9+$0x20]  }
0x247: {  	v10 =	vld [tilespmem:s9+$0x60]  }
0x248: {  	v0 =	vadd.f32 v1, v0;
	v11 =	vld [tilespmem:s9+$0xA0]  }
0x249: {  	v12 =	vld [tilespmem:s16+$0xFFFFFE40];
	v1 =	vadd.f32 v3, v7  }
0x24a: {  	v3 =	vld [tilespmem:s9+$0xFFFFFF30];
	[tilespmem:s9+$0xFFFFFF60] =	vst v0;
	v0 =	vadd.f32 v4, v8  }
0x24b: {  	v13 =	vld [tilespmem:s16+$0xFFFFFE80];
	[tilespmem:s9+$0xFFFFFFA0] =	vst v1;
	v5 =	vadd.f32 v5, v9  }
0x24c: {  	v4 =	vld [tilespmem:s16+$0xFFFFFEC0];
	[tilespmem:s9+$0xFFFFFFE0] =	vst v0;
	v0 =	vadd.f32 v6, v10  }
0x24d: {  	v1 =	vld [tilespmem:s16+$0xFFFFFF00];
	[tilespmem:s9+$0x20] =	vst v5;
	v5 =	vadd.f32 v2, v11  }
0x24e: {  	v2 =	vld [tilespmem:s16+$0xFFFFFF40];
	[tilespmem:s9+$0x60] =	vst v0  }
0x24f: {  	v6 =	vadd.f32 v12, v3;
	v3 =	vld [tilespmem:s16+$0xFFFFFF80];
	[tilespmem:s9+$0xA0] =	vst v5  }
0x250: {  	v0 =	vld [tilespmem:s16+$0xFFFFFFC0]  }
0x251: {  	[tilespmem:s9+$0xFFFFFF30] =	vst v6;
	v6 =	vld [tilespmem:s9+$0xFFFFFF70]  }
.Ltmp3:
0x252: {  	v9 =	vld [tilespmem:s9+$0xFFFFFFB0];
	(pc) =	sbr.rel @p1 .LBB2_9-.Ltmp3, $4  }
0x253: {  	v8 =	vld [tilespmem:s9+$0xFFFFFFF0]  }
0x254: {  	v7 =	vld [tilespmem:s9+$0x30]  }
0x255: {  	v5 =	vld [tilespmem:s9+$0x70]  }
0x256: {  	s9 =	sadd.s32 $0x200, s9;
	v10 =	vadd.f32 v13, v6;
	v6 =	vld [tilespmem:s2+$0xB0]  }
0x257: {  	v4 =	vadd.f32 v4, v9  }
0x258: {  	[tilespmem:s2+$0xFFFFFF70] =	vst v10;
	v1 =	vadd.f32 v1, v8  }
0x259: {  	[tilespmem:s2+$0xFFFFFFB0] =	vst v4;
	v2 =	vadd.f32 v2, v7  }
0x25a: {  	s4 =	sadd.s32 s3, s4;
	[tilespmem:s2+$0xFFFFFFF0] =	vst v1;
	v1 =	vadd.f32 v3, v5  }
0x25b: {  	s4 =	sshll.u32 s4, $0x3;
	[tilespmem:s2+$0x30] =	vst v2;
	v0 =	vadd.f32 v0, v6  }
0x25c: {  	s4 =	sand.u32 $0x1FFFEC00, s4;
	[tilespmem:s2+$0x70] =	vst v1  }
0x25d: {  	s13 =	simm.s32 $0x12800;
	s16 =	simm.s32 $0xA;
	s12 =	sadd.s32 s28, s4;
	[tilespmem:s2+$0xB0] =	vst v0  }
0x25e: {  	[hbm4b:s12+s8] =	stream.linear.scatter [tilespmem:s13], [sflag:$0xC], $0x2000, $0x38;
	[tilespmem:$0x1C800] =	vst v63  }
0x25f: {  	_ =	swait.ge [sflag:s16], $0x2000  }
0x260: {  	s9 =	simm.s32 @!p0 $0xE800;
	s26 =	simm.s32 $0x5;
	[sflag:s16] =	ssyncset.done $0x0  }
0x261: {  	s4 =	simm.s32 @!p0 $0x80;
	s2 =	sadd.s32 @!p0 $0x480, s0;
	[sflag:s16] =	ssyncadd.s32 $0xFFFFE000  }
0x262: {  	[tilespmem:s9], [sflag:$0x2] =	stream.indirect.gather @!p0 [hbm4b:s5+s4], $0x40, s2, s4, $0xb8;
	[tilespmem:$0x1C800] =	vst v63  }
0x263: {  	_ =	swait.ge [sflag:s26], $0x2000  }
0x264: {  	[sflag:s26] =	ssyncset.done $0x0  }
0x265: {  	s2 =	simm.s32 $0x14900;
	[sflag:s26] =	ssyncadd.s32 $0xFFFFE000  }
0x266: {  	v0 =	vld [tilespmem:s2+$0xC0]  }
0x267: {  	v1 =	vld [tilespmem:s31+$0xFFFFFFD0]  }
0x268: {  	v2 =	vld [tilespmem:s31+$0xFFFFFE10]  }
0x269: {  	v3 =	vld [tilespmem:s2+$0xFFFFFF40]  }
0x26a: {  	v4 =	vld [tilespmem:s2+$0xFFFFFF80]  }
0x26b: {  	v6 =	vld [tilespmem:s31+$0xFFFFFE90]  }
0x26c: {  	v7 =	vld [tilespmem:s2+$0xFFFFFFC0]  }
0x26d: {  	v8 =	vld [tilespmem:s31+$0xFFFFFED0]  }
0x26e: {  	v9 =	vld [tilespmem:s2+$0x0]  }
0x26f: {  	v10 =	vld [tilespmem:s31+$0xFFFFFF10]  }
0x270: {  	v11 =	vld [tilespmem:s31+$0xFFFFFF50]  }
0x271: {  	v60 =	vld [tilespmem:s2+$0xFFFFFFD0]  }
0x272: {  	v13 =	vld [tilespmem:s2+$0x10]  }
0x273: {  	v61 =	vld [tilespmem:s2+$0xFFFFFFE0]  }
0x274: {  	v62 =	vld [tilespmem:s2+$0x60];
	v0 =	vadd.f32 v1, v0  }
0x275: {  	v1 =	vld [tilespmem:s31+$0xFFFFFE50]  }
0x276: {  	[tilespmem:s2+$0xC0] =	vst v0;
	v0 =	vld [tilespmem:s2+$0xD0]  }
0x277: {  	v5 =	vld [tilespmem:s31+$0xFFFFFFE0]  }
0x278: {  	v63 =	vld [tilespmem:s2+$0xFFFFFF30];
	v4 =	vadd.f32 v6, v4  }
0x279: {  	v6 =	vld [tilespmem:s31+$0xFFFFFF90]  }
0x27a: {  	[tilespmem:s2+$0xFFFFFF80] =	vst v4;
	v4 =	vadd.f32 v10, v9;
	v10 =	vld [tilespmem:s2+$0xFFFFFF50];
	v1 =	vadd.f32 v1, v3  }
0x27b: {  	v3 =	vld [tilespmem:s2+$0x80]  }
0x27c: {  	[tilespmem:s2+$0xFFFFFF40] =	vst v1;
	v0 =	vadd.f32 v5, v0;
	v5 =	vld [tilespmem:s2+$0x40]  }
0x27d: {  	v1 =	vadd.f32 v8, v7;
	v8 =	vld [tilespmem:s31+$0xFFFFFE60]  }
0x27e: {  	[tilespmem:s2+$0xD0] =	vst v0;
	v0 =	vld [tilespmem:s2+$0xE0]  }
0x27f: {  	[tilespmem:s2+$0x0] =	vst v4;
	v12 =	vld [tilespmem:s31+$0xFFFFFFF0]  }
0x280: {  	v9 =	vld [tilespmem:s31+$0xFFFFFF20]  }
0x281: {  	v7 =	vld [tilespmem:s2+$0xFFFFFF00]  }
0x282: {  	[tilespmem:s2+$0xFFFFFFC0] =	vst v1;
	v1 =	vld [tilespmem:s31+$0xFFFFFEA0]  }
0x283: {  	v4 =	vld [tilespmem:s31+$0xFFFFFEE0];
	v8 =	vadd.f32 v8, v10  }
0x284: {  	v5 =	vadd.f32 v11, v5;
	v11 =	vld [tilespmem:s2+$0xFFFFFF90];
	v0 =	vadd.f32 v12, v0  }
0x285: {  	v10 =	vld [tilespmem:s2+$0x90];
	[tilespmem:s2+$0xFFFFFF50] =	vst v8  }
0x286: {  	v8 =	vld [tilespmem:s31+$0xFFFFFE70];
	[tilespmem:s2+$0xE0] =	vst v0;
	v0 =	vadd.f32 v2, v7  }
0x287: {  	[tilespmem:s2+$0x40] =	vst v5;
	v7 =	vld [tilespmem:s2+$0xF0];
	v2 =	vadd.f32 v6, v3  }
0x288: {  	v5 =	vld [tilespmem:s31+$0x0];
	[tilespmem:s2+$0xFFFFFF00] =	vst v0  }
0x289: {  	v1 =	vadd.f32 v1, v11;
	[tilespmem:s2+$0x80] =	vst v2;
	v2 =	vld [tilespmem:s2+$0xFFFFFF10]  }
0x28a: {  	v3 =	vld [tilespmem:s31+$0xFFFFFE20]  }
0x28b: {  	[tilespmem:s2+$0xFFFFFF90] =	vst v1;
	v1 =	vadd.f32 v9, v13;
	v6 =	vld [tilespmem:s31+$0xFFFFFFA0]  }
0x28c: {  	v4 =	vadd.f32 v4, v60;
	v0 =	vld [tilespmem:s31+$0xFFFFFF60]  }
0x28d: {  	v9 =	vld [tilespmem:s31+$0xFFFFFEB0];
	[tilespmem:s2+$0x10] =	vst v1  }
0x28e: {  	[tilespmem:s2+$0xFFFFFFD0] =	vst v4;
	v4 =	vld [tilespmem:s31+$0xFFFFFF30]  }
0x28f: {  	v2 =	vadd.f32 v3, v2;
	v3 =	vld [tilespmem:s2+$0x50]  }
0x290: {  	v1 =	vadd.f32 v6, v10;
	v10 =	vld [tilespmem:s2+$0xFFFFFFA0]  }
0x291: {  	[tilespmem:s2+$0xFFFFFF10] =	vst v2;
	v2 =	vld [tilespmem:s2+$0xFFFFFF20]  }
0x292: {  	v11 =	vld [tilespmem:s31+$0xFFFFFE30]  }
0x293: {  	v5 =	vadd.f32 v5, v7;
	[tilespmem:s2+$0x90] =	vst v1;
	v1 =	vld [tilespmem:s2+$0xFFFFFF60]  }
0x294: {  	v7 =	vld [tilespmem:s2+$0x30]  }
0x295: {  	[tilespmem:s2+$0xF0] =	vst v5;
	v5 =	vld [tilespmem:s2+$0x70]  }
0x296: {  	v6 =	vld [tilespmem:s31+$0xFFFFFFB0]  }
0x297: {  	v0 =	vadd.f32 v0, v3;
	v3 =	vld [tilespmem:s31+$0xFFFFFEF0];
	v2 =	vadd.f32 v11, v2  }
0x298: {  	v1 =	vadd.f32 v8, v1;
	v8 =	vadd.f32 v9, v10;
	v9 =	vld [tilespmem:s2+$0xFFFFFFB0]  }
0x299: {  	[tilespmem:s2+$0xFFFFFF20] =	vst v2;
	v2 =	vld [tilespmem:s2+$0xA0]  }
0x29a: {  	[tilespmem:s2+$0x50] =	vst v0;
	v11 =	vld [tilespmem:s2+$0x20]  }
0x29b: {  	v0 =	vld [tilespmem:s31+$0xFFFFFF70];
	[tilespmem:s2+$0xFFFFFF60] =	vst v1  }
0x29c: {  	[tilespmem:s2+$0xFFFFFFA0] =	vst v8;
	v8 =	vld [tilespmem:s2+$0xFFFFFFF0]  }
0x29d: {  	v1 =	vadd.f32 v3, v61;
	v14 =	vld [tilespmem:s31+$0xFFFFFE80]  }
0x29e: {  	v10 =	vld [tilespmem:s31+$0xFFFFFE40];
	v6 =	vadd.f32 v6, v2  }
0x29f: {  	[tilespmem:s2+$0xFFFFFFE0] =	vst v1;
	v3 =	vadd.f32 v4, v11;
	v4 =	vld [tilespmem:s31+$0xFFFFFEC0]  }
0x2a0: {  	v0 =	vadd.f32 v0, v62;
	[tilespmem:s2+$0xA0] =	vst v6;
	v6 =	vld [tilespmem:s2+$0xFFFFFF70]  }
0x2a1: {  	v1 =	vld [tilespmem:s31+$0xFFFFFF00];
	[tilespmem:s2+$0x20] =	vst v3  }
0x2a2: {  	[tilespmem:s2+$0x60] =	vst v0;
	v2 =	vld [tilespmem:s31+$0xFFFFFF40]  }
0x2a3: {  	v3 =	vld [tilespmem:s31+$0xFFFFFF80];
	v10 =	vadd.f32 v10, v63  }
0x2a4: {  	v0 =	vld [tilespmem:s31+$0xFFFFFFC0]  }
0x2a5: {  	s1 =	sor.u32 $0x200, s1;
	s4 =	simm.s32 $0x0;
	s9 =	simm.s32 $0x14B00;
	[tilespmem:s2+$0xFFFFFF30] =	vst v10;
	v10 =	vadd.f32 v14, v6;
	v6 =	vld [tilespmem:s2+$0xB0]  }
.LBB2_11:
0x2a6: {  	v11 =	vld [tilespmem:s9+$0xC0];
	v4 =	vadd.f32 v4, v9;
	s31 =	sadd.s32 $0x200, s31  }
0x2a7: {  	s4 =	sadd.s32 $0x8, s4;
	v9 =	vld [tilespmem:s31+$0xFFFFFFD0];
	[tilespmem:s2+$0xFFFFFF70] =	vst v10;
	v1 =	vadd.f32 v1, v8  }
0x2a8: {  	p1 =	slt.u32 s4, $0x78;
	v8 =	vld [tilespmem:s31+$0xFFFFFE10];
	[tilespmem:s2+$0xFFFFFFB0] =	vst v4;
	v2 =	vadd.f32 v2, v7  }
0x2a9: {  	v4 =	vld [tilespmem:s9+$0xFFFFFF40];
	[tilespmem:s2+$0xFFFFFFF0] =	vst v1;
	v1 =	vadd.f32 v3, v5  }
0x2aa: {  	v3 =	vld [tilespmem:s31+$0xFFFFFE50];
	[tilespmem:s2+$0x30] =	vst v2;
	v0 =	vadd.f32 v0, v6  }
0x2ab: {  	v2 =	vld [tilespmem:s9+$0xFFFFFF80];
	[tilespmem:s2+$0x70] =	vst v1  }
0x2ac: {  	v1 =	vld [tilespmem:s31+$0xFFFFFE90];
	v5 =	vadd.f32 v9, v11;
	[tilespmem:s2+$0xB0] =	vst v0;
	s2 =	smov.u32 s9  }
0x2ad: {  	v0 =	vld [tilespmem:s9+$0xFFFFFFC0]  }
0x2ae: {  	[tilespmem:s9+$0xC0] =	vst v5;
	v5 =	vld [tilespmem:s9+$0xD0]  }
0x2af: {  	v3 =	vadd.f32 v3, v4;
	v4 =	vld [tilespmem:s31+$0xFFFFFFE0]  }
0x2b0: {  	v6 =	vld [tilespmem:s31+$0xFFFFFED0]  }
0x2b1: {  	[tilespmem:s9+$0xFFFFFF40] =	vst v3;
	v1 =	vadd.f32 v1, v2;
	v2 =	vld [tilespmem:s9+$0x0]  }
0x2b2: {  	v3 =	vld [tilespmem:s31+$0xFFFFFF10]  }
0x2b3: {  	[tilespmem:s9+$0xFFFFFF80] =	vst v1;
	v1 =	vld [tilespmem:s9+$0x40]  }
0x2b4: {  	v7 =	vld [tilespmem:s31+$0xFFFFFF50];
	v4 =	vadd.f32 v4, v5  }
0x2b5: {  	v0 =	vadd.f32 v6, v0;
	v5 =	vld [tilespmem:s9+$0x80]  }
0x2b6: {  	[tilespmem:s9+$0xD0] =	vst v4;
	v4 =	vld [tilespmem:s9+$0xE0]  }
0x2b7: {  	[tilespmem:s9+$0xFFFFFFC0] =	vst v0;
	v0 =	vadd.f32 v3, v2;
	v2 =	vld [tilespmem:s31+$0xFFFFFFF0]  }
0x2b8: {  	v3 =	vld [tilespmem:s31+$0xFFFFFF90]  }
0x2b9: {  	v6 =	vld [tilespmem:s9+$0xFFFFFF00];
	[tilespmem:s9+$0x0] =	vst v0;
	v0 =	vadd.f32 v7, v1  }
0x2ba: {  	v1 =	vld [tilespmem:s31+$0xFFFFFE60]  }
0x2bb: {  	v7 =	vld [tilespmem:s31+$0xFFFFFEA0];
	[tilespmem:s9+$0x40] =	vst v0  }
0x2bc: {  	v0 =	vld [tilespmem:s31+$0xFFFFFEE0];
	v2 =	vadd.f32 v2, v4  }
0x2bd: {  	v4 =	vld [tilespmem:s31+$0xFFFFFF20];
	v3 =	vadd.f32 v3, v5  }
0x2be: {  	v5 =	vadd.f32 v8, v6;
	[tilespmem:s9+$0xE0] =	vst v2;
	v2 =	vld [tilespmem:s9+$0xF0]  }
0x2bf: {  	[tilespmem:s9+$0x80] =	vst v3;
	v3 =	vld [tilespmem:s31+$0x0]  }
0x2c0: {  	[tilespmem:s9+$0xFFFFFF00] =	vst v5;
	v5 =	vld [tilespmem:s31+$0xFFFFFF60]  }
0x2c1: {  	v6 =	vld [tilespmem:s31+$0xFFFFFE20]  }
0x2c2: {  	v8 =	vld [tilespmem:s31+$0xFFFFFFA0]  }
0x2c3: {  	v9 =	vld [tilespmem:s9+$0xFFFFFF10]  }
0x2c4: {  	v10 =	vld [tilespmem:s9+$0xFFFFFF50];
	v2 =	vadd.f32 v3, v2  }
0x2c5: {  	v3 =	vld [tilespmem:s9+$0xFFFFFF90]  }
0x2c6: {  	v11 =	vld [tilespmem:s9+$0xFFFFFFD0];
	[tilespmem:s9+$0xF0] =	vst v2  }
0x2c7: {  	v2 =	vld [tilespmem:s9+$0x10]  }
0x2c8: {  	v6 =	vadd.f32 v6, v9;
	v9 =	vld [tilespmem:s9+$0x50]  }
0x2c9: {  	v1 =	vadd.f32 v1, v10;
	v10 =	vld [tilespmem:s9+$0x90]  }
0x2ca: {  	[tilespmem:s9+$0xFFFFFF10] =	vst v6;
	v6 =	vld [tilespmem:s9+$0xFFFFFF20];
	v3 =	vadd.f32 v7, v3  }
0x2cb: {  	v7 =	vld [tilespmem:s31+$0xFFFFFE30];
	[tilespmem:s9+$0xFFFFFF50] =	vst v1;
	v0 =	vadd.f32 v0, v11  }
0x2cc: {  	v1 =	vld [tilespmem:s31+$0xFFFFFE70];
	[tilespmem:s9+$0xFFFFFF90] =	vst v3;
	v2 =	vadd.f32 v4, v2  }
0x2cd: {  	v3 =	vld [tilespmem:s31+$0xFFFFFEB0];
	[tilespmem:s9+$0xFFFFFFD0] =	vst v0;
	v0 =	vadd.f32 v5, v9  }
0x2ce: {  	v4 =	vld [tilespmem:s31+$0xFFFFFEF0];
	[tilespmem:s9+$0x10] =	vst v2;
	v2 =	vadd.f32 v8, v10  }
0x2cf: {  	v5 =	vld [tilespmem:s31+$0xFFFFFF30];
	[tilespmem:s9+$0x50] =	vst v0  }
0x2d0: {  	v0 =	vadd.f32 v7, v6;
	v6 =	vld [tilespmem:s31+$0xFFFFFF70];
	[tilespmem:s9+$0x90] =	vst v2  }
0x2d1: {  	v2 =	vld [tilespmem:s31+$0xFFFFFFB0]  }
0x2d2: {  	[tilespmem:s9+$0xFFFFFF20] =	vst v0;
	v0 =	vld [tilespmem:s9+$0xFFFFFF60]  }
0x2d3: {  	v7 =	vld [tilespmem:s9+$0xFFFFFFA0]  }
0x2d4: {  	v8 =	vld [tilespmem:s9+$0xFFFFFFE0]  }
0x2d5: {  	v9 =	vld [tilespmem:s9+$0x20]  }
0x2d6: {  	v10 =	vld [tilespmem:s9+$0x60]  }
0x2d7: {  	v0 =	vadd.f32 v1, v0;
	v11 =	vld [tilespmem:s9+$0xA0]  }
0x2d8: {  	v12 =	vld [tilespmem:s31+$0xFFFFFE40];
	v1 =	vadd.f32 v3, v7  }
0x2d9: {  	v3 =	vld [tilespmem:s9+$0xFFFFFF30];
	[tilespmem:s9+$0xFFFFFF60] =	vst v0;
	v0 =	vadd.f32 v4, v8  }
0x2da: {  	v13 =	vld [tilespmem:s31+$0xFFFFFE80];
	[tilespmem:s9+$0xFFFFFFA0] =	vst v1;
	v5 =	vadd.f32 v5, v9  }
0x2db: {  	v4 =	vld [tilespmem:s31+$0xFFFFFEC0];
	[tilespmem:s9+$0xFFFFFFE0] =	vst v0;
	v0 =	vadd.f32 v6, v10  }
0x2dc: {  	v1 =	vld [tilespmem:s31+$0xFFFFFF00];
	[tilespmem:s9+$0x20] =	vst v5;
	v5 =	vadd.f32 v2, v11  }
0x2dd: {  	v2 =	vld [tilespmem:s31+$0xFFFFFF40];
	[tilespmem:s9+$0x60] =	vst v0  }
0x2de: {  	v6 =	vadd.f32 v12, v3;
	v3 =	vld [tilespmem:s31+$0xFFFFFF80];
	[tilespmem:s9+$0xA0] =	vst v5  }
0x2df: {  	v0 =	vld [tilespmem:s31+$0xFFFFFFC0]  }
0x2e0: {  	[tilespmem:s9+$0xFFFFFF30] =	vst v6;
	v6 =	vld [tilespmem:s9+$0xFFFFFF70]  }
.Ltmp4:
0x2e1: {  	v9 =	vld [tilespmem:s9+$0xFFFFFFB0];
	(pc) =	sbr.rel @p1 .LBB2_11-.Ltmp4, $4  }
0x2e2: {  	v8 =	vld [tilespmem:s9+$0xFFFFFFF0]  }
0x2e3: {  	v7 =	vld [tilespmem:s9+$0x30]  }
0x2e4: {  	v5 =	vld [tilespmem:s9+$0x70]  }
0x2e5: {  	s9 =	sadd.s32 $0x200, s9;
	v10 =	vadd.f32 v13, v6;
	v6 =	vld [tilespmem:s2+$0xB0]  }
0x2e6: {  	v4 =	vadd.f32 v4, v9  }
0x2e7: {  	[tilespmem:s2+$0xFFFFFF70] =	vst v10;
	v1 =	vadd.f32 v1, v8  }
0x2e8: {  	[tilespmem:s2+$0xFFFFFFB0] =	vst v4;
	v2 =	vadd.f32 v2, v7  }
0x2e9: {  	s1 =	sadd.s32 s3, s1;
	[tilespmem:s2+$0xFFFFFFF0] =	vst v1;
	v1 =	vadd.f32 v3, v5  }
0x2ea: {  	s1 =	sshll.u32 s1, $0x3;
	[tilespmem:s2+$0x30] =	vst v2;
	v0 =	vadd.f32 v0, v6  }
0x2eb: {  	s1 =	sand.u32 $0x1FFFF000, s1;
	[tilespmem:s2+$0x70] =	vst v1  }
0x2ec: {  	s16 =	simm.s32 $0x14800;
	s26 =	simm.s32 $0xB;
	s1 =	sadd.s32 s28, s1;
	[tilespmem:s2+$0xB0] =	vst v0  }
0x2ed: {  	[hbm4b:s1+s8] =	stream.linear.scatter [tilespmem:s16], [sflag:$0xD], $0x2000, $0x38;
	[tilespmem:$0x1C800] =	vst v63  }
0x2ee: {  	_ =	swait.ge [sflag:s26], $0x2000  }
0x2ef: {  	s4 =	simm.s32 @!p0 $0x10800;
	s31 =	simm.s32 $0x6;
	[sflag:s26] =	ssyncset.done $0x0  }
0x2f0: {  	s2 =	simm.s32 @!p0 $0x80;
	s1 =	sadd.s32 @!p0 $0x500, s0;
	[sflag:s26] =	ssyncadd.s32 $0xFFFFE000  }
0x2f1: {  	[tilespmem:s4], [sflag:$0x3] =	stream.indirect.gather @!p0 [hbm4b:s5+s2], $0x40, s1, s2, $0xb8;
	[tilespmem:$0x1C800] =	vst v63  }
0x2f2: {  	_ =	swait.ge [sflag:s31], $0x2000  }
0x2f3: {  	[sflag:s31] =	ssyncset.done $0x0  }
0x2f4: {  	s1 =	simm.s32 $0x16900;
	[sflag:s31] =	ssyncadd.s32 $0xFFFFE000  }
0x2f5: {  	v0 =	vld [tilespmem:s1+$0xC0]  }
0x2f6: {  	v1 =	vld [tilespmem:s30+$0xFFFFFFD0]  }
0x2f7: {  	v2 =	vld [tilespmem:s30+$0xFFFFFE10]  }
0x2f8: {  	v3 =	vld [tilespmem:s1+$0xFFFFFF40]  }
0x2f9: {  	v4 =	vld [tilespmem:s1+$0xFFFFFF80]  }
0x2fa: {  	v6 =	vld [tilespmem:s30+$0xFFFFFE90]  }
0x2fb: {  	v7 =	vld [tilespmem:s1+$0xFFFFFFC0]  }
0x2fc: {  	v8 =	vld [tilespmem:s30+$0xFFFFFED0]  }
0x2fd: {  	v9 =	vld [tilespmem:s1+$0x0]  }
0x2fe: {  	v10 =	vld [tilespmem:s30+$0xFFFFFF10]  }
0x2ff: {  	v11 =	vld [tilespmem:s30+$0xFFFFFF50]  }
0x300: {  	v60 =	vld [tilespmem:s1+$0xFFFFFFD0]  }
0x301: {  	v13 =	vld [tilespmem:s1+$0x10]  }
0x302: {  	v61 =	vld [tilespmem:s1+$0xFFFFFFE0]  }
0x303: {  	v62 =	vld [tilespmem:s1+$0x60];
	v0 =	vadd.f32 v1, v0  }
0x304: {  	v1 =	vld [tilespmem:s30+$0xFFFFFE50]  }
0x305: {  	[tilespmem:s1+$0xC0] =	vst v0;
	v0 =	vld [tilespmem:s1+$0xD0]  }
0x306: {  	v5 =	vld [tilespmem:s30+$0xFFFFFFE0]  }
0x307: {  	v63 =	vld [tilespmem:s1+$0xFFFFFF30];
	v4 =	vadd.f32 v6, v4  }
0x308: {  	v6 =	vld [tilespmem:s30+$0xFFFFFF90]  }
0x309: {  	[tilespmem:s1+$0xFFFFFF80] =	vst v4;
	v4 =	vadd.f32 v10, v9;
	v10 =	vld [tilespmem:s1+$0xFFFFFF50];
	v1 =	vadd.f32 v1, v3  }
0x30a: {  	v3 =	vld [tilespmem:s1+$0x80]  }
0x30b: {  	[tilespmem:s1+$0xFFFFFF40] =	vst v1;
	v0 =	vadd.f32 v5, v0;
	v5 =	vld [tilespmem:s1+$0x40]  }
0x30c: {  	v1 =	vadd.f32 v8, v7;
	v8 =	vld [tilespmem:s30+$0xFFFFFE60]  }
0x30d: {  	[tilespmem:s1+$0xD0] =	vst v0;
	v0 =	vld [tilespmem:s1+$0xE0]  }
0x30e: {  	[tilespmem:s1+$0x0] =	vst v4;
	v12 =	vld [tilespmem:s30+$0xFFFFFFF0]  }
0x30f: {  	v9 =	vld [tilespmem:s30+$0xFFFFFF20]  }
0x310: {  	v7 =	vld [tilespmem:s1+$0xFFFFFF00]  }
0x311: {  	[tilespmem:s1+$0xFFFFFFC0] =	vst v1;
	v1 =	vld [tilespmem:s30+$0xFFFFFEA0]  }
0x312: {  	v4 =	vld [tilespmem:s30+$0xFFFFFEE0];
	v8 =	vadd.f32 v8, v10  }
0x313: {  	v5 =	vadd.f32 v11, v5;
	v11 =	vld [tilespmem:s1+$0xFFFFFF90];
	v0 =	vadd.f32 v12, v0  }
0x314: {  	v10 =	vld [tilespmem:s1+$0x90];
	[tilespmem:s1+$0xFFFFFF50] =	vst v8  }
0x315: {  	v8 =	vld [tilespmem:s30+$0xFFFFFE70];
	[tilespmem:s1+$0xE0] =	vst v0;
	v0 =	vadd.f32 v2, v7  }
0x316: {  	[tilespmem:s1+$0x40] =	vst v5;
	v7 =	vld [tilespmem:s1+$0xF0];
	v2 =	vadd.f32 v6, v3  }
0x317: {  	v5 =	vld [tilespmem:s30+$0x0];
	[tilespmem:s1+$0xFFFFFF00] =	vst v0  }
0x318: {  	v1 =	vadd.f32 v1, v11;
	[tilespmem:s1+$0x80] =	vst v2;
	v2 =	vld [tilespmem:s1+$0xFFFFFF10]  }
0x319: {  	v3 =	vld [tilespmem:s30+$0xFFFFFE20]  }
0x31a: {  	[tilespmem:s1+$0xFFFFFF90] =	vst v1;
	v1 =	vadd.f32 v9, v13;
	v6 =	vld [tilespmem:s30+$0xFFFFFFA0]  }
0x31b: {  	v4 =	vadd.f32 v4, v60;
	v0 =	vld [tilespmem:s30+$0xFFFFFF60]  }
0x31c: {  	v9 =	vld [tilespmem:s30+$0xFFFFFEB0];
	[tilespmem:s1+$0x10] =	vst v1  }
0x31d: {  	[tilespmem:s1+$0xFFFFFFD0] =	vst v4;
	v4 =	vld [tilespmem:s30+$0xFFFFFF30]  }
0x31e: {  	v2 =	vadd.f32 v3, v2;
	v3 =	vld [tilespmem:s1+$0x50]  }
0x31f: {  	v1 =	vadd.f32 v6, v10;
	v10 =	vld [tilespmem:s1+$0xFFFFFFA0]  }
0x320: {  	[tilespmem:s1+$0xFFFFFF10] =	vst v2;
	v2 =	vld [tilespmem:s1+$0xFFFFFF20]  }
0x321: {  	v11 =	vld [tilespmem:s30+$0xFFFFFE30]  }
0x322: {  	v5 =	vadd.f32 v5, v7;
	[tilespmem:s1+$0x90] =	vst v1;
	v1 =	vld [tilespmem:s1+$0xFFFFFF60]  }
0x323: {  	v7 =	vld [tilespmem:s1+$0x30]  }
0x324: {  	[tilespmem:s1+$0xF0] =	vst v5;
	v5 =	vld [tilespmem:s1+$0x70]  }
0x325: {  	v6 =	vld [tilespmem:s30+$0xFFFFFFB0]  }
0x326: {  	v0 =	vadd.f32 v0, v3;
	v3 =	vld [tilespmem:s30+$0xFFFFFEF0];
	v2 =	vadd.f32 v11, v2  }
0x327: {  	v1 =	vadd.f32 v8, v1;
	v8 =	vadd.f32 v9, v10;
	v9 =	vld [tilespmem:s1+$0xFFFFFFB0]  }
0x328: {  	[tilespmem:s1+$0xFFFFFF20] =	vst v2;
	v2 =	vld [tilespmem:s1+$0xA0]  }
0x329: {  	[tilespmem:s1+$0x50] =	vst v0;
	v11 =	vld [tilespmem:s1+$0x20]  }
0x32a: {  	v0 =	vld [tilespmem:s30+$0xFFFFFF70];
	[tilespmem:s1+$0xFFFFFF60] =	vst v1  }
0x32b: {  	[tilespmem:s1+$0xFFFFFFA0] =	vst v8;
	v8 =	vld [tilespmem:s1+$0xFFFFFFF0]  }
0x32c: {  	v1 =	vadd.f32 v3, v61;
	v14 =	vld [tilespmem:s30+$0xFFFFFE80]  }
0x32d: {  	v10 =	vld [tilespmem:s30+$0xFFFFFE40];
	v6 =	vadd.f32 v6, v2  }
0x32e: {  	[tilespmem:s1+$0xFFFFFFE0] =	vst v1;
	v3 =	vadd.f32 v4, v11;
	v4 =	vld [tilespmem:s30+$0xFFFFFEC0]  }
0x32f: {  	v0 =	vadd.f32 v0, v62;
	[tilespmem:s1+$0xA0] =	vst v6;
	v6 =	vld [tilespmem:s1+$0xFFFFFF70]  }
0x330: {  	v1 =	vld [tilespmem:s30+$0xFFFFFF00];
	[tilespmem:s1+$0x20] =	vst v3  }
0x331: {  	[tilespmem:s1+$0x60] =	vst v0;
	v2 =	vld [tilespmem:s30+$0xFFFFFF40]  }
0x332: {  	v3 =	vld [tilespmem:s30+$0xFFFFFF80];
	v10 =	vadd.f32 v10, v63  }
0x333: {  	v0 =	vld [tilespmem:s30+$0xFFFFFFC0]  }
0x334: {  	s2 =	simm.s32 $0x0;
	s4 =	simm.s32 $0x16B00;
	[tilespmem:s1+$0xFFFFFF30] =	vst v10;
	v10 =	vadd.f32 v14, v6;
	v6 =	vld [tilespmem:s1+$0xB0]  }
.LBB2_13:
0x335: {  	v11 =	vld [tilespmem:s4+$0xC0];
	v4 =	vadd.f32 v4, v9;
	s30 =	sadd.s32 $0x200, s30  }
0x336: {  	s2 =	sadd.s32 $0x8, s2;
	v9 =	vld [tilespmem:s30+$0xFFFFFFD0];
	[tilespmem:s1+$0xFFFFFF70] =	vst v10;
	v1 =	vadd.f32 v1, v8  }
0x337: {  	p1 =	slt.u32 s2, $0x78;
	v8 =	vld [tilespmem:s30+$0xFFFFFE10];
	[tilespmem:s1+$0xFFFFFFB0] =	vst v4;
	v2 =	vadd.f32 v2, v7  }
0x338: {  	v4 =	vld [tilespmem:s4+$0xFFFFFF40];
	[tilespmem:s1+$0xFFFFFFF0] =	vst v1;
	v1 =	vadd.f32 v3, v5  }
0x339: {  	v3 =	vld [tilespmem:s30+$0xFFFFFE50];
	[tilespmem:s1+$0x30] =	vst v2;
	v0 =	vadd.f32 v0, v6  }
0x33a: {  	v2 =	vld [tilespmem:s4+$0xFFFFFF80];
	[tilespmem:s1+$0x70] =	vst v1  }
0x33b: {  	v1 =	vld [tilespmem:s30+$0xFFFFFE90];
	v5 =	vadd.f32 v9, v11;
	[tilespmem:s1+$0xB0] =	vst v0;
	s1 =	smov.u32 s4  }
0x33c: {  	v0 =	vld [tilespmem:s4+$0xFFFFFFC0]  }
0x33d: {  	[tilespmem:s4+$0xC0] =	vst v5;
	v5 =	vld [tilespmem:s4+$0xD0]  }
0x33e: {  	v3 =	vadd.f32 v3, v4;
	v4 =	vld [tilespmem:s30+$0xFFFFFFE0]  }
0x33f: {  	v6 =	vld [tilespmem:s30+$0xFFFFFED0]  }
0x340: {  	[tilespmem:s4+$0xFFFFFF40] =	vst v3;
	v1 =	vadd.f32 v1, v2;
	v2 =	vld [tilespmem:s4+$0x0]  }
0x341: {  	v3 =	vld [tilespmem:s30+$0xFFFFFF10]  }
0x342: {  	[tilespmem:s4+$0xFFFFFF80] =	vst v1;
	v1 =	vld [tilespmem:s4+$0x40]  }
0x343: {  	v7 =	vld [tilespmem:s30+$0xFFFFFF50];
	v4 =	vadd.f32 v4, v5  }
0x344: {  	v0 =	vadd.f32 v6, v0;
	v5 =	vld [tilespmem:s4+$0x80]  }
0x345: {  	[tilespmem:s4+$0xD0] =	vst v4;
	v4 =	vld [tilespmem:s4+$0xE0]  }
0x346: {  	[tilespmem:s4+$0xFFFFFFC0] =	vst v0;
	v0 =	vadd.f32 v3, v2;
	v2 =	vld [tilespmem:s30+$0xFFFFFFF0]  }
0x347: {  	v3 =	vld [tilespmem:s30+$0xFFFFFF90]  }
0x348: {  	v6 =	vld [tilespmem:s4+$0xFFFFFF00];
	[tilespmem:s4+$0x0] =	vst v0;
	v0 =	vadd.f32 v7, v1  }
0x349: {  	v1 =	vld [tilespmem:s30+$0xFFFFFE60]  }
0x34a: {  	v7 =	vld [tilespmem:s30+$0xFFFFFEA0];
	[tilespmem:s4+$0x40] =	vst v0  }
0x34b: {  	v0 =	vld [tilespmem:s30+$0xFFFFFEE0];
	v2 =	vadd.f32 v2, v4  }
0x34c: {  	v4 =	vld [tilespmem:s30+$0xFFFFFF20];
	v3 =	vadd.f32 v3, v5  }
0x34d: {  	v5 =	vadd.f32 v8, v6;
	[tilespmem:s4+$0xE0] =	vst v2;
	v2 =	vld [tilespmem:s4+$0xF0]  }
0x34e: {  	[tilespmem:s4+$0x80] =	vst v3;
	v3 =	vld [tilespmem:s30+$0x0]  }
0x34f: {  	[tilespmem:s4+$0xFFFFFF00] =	vst v5;
	v5 =	vld [tilespmem:s30+$0xFFFFFF60]  }
0x350: {  	v6 =	vld [tilespmem:s30+$0xFFFFFE20]  }
0x351: {  	v8 =	vld [tilespmem:s30+$0xFFFFFFA0]  }
0x352: {  	v9 =	vld [tilespmem:s4+$0xFFFFFF10]  }
0x353: {  	v10 =	vld [tilespmem:s4+$0xFFFFFF50];
	v2 =	vadd.f32 v3, v2  }
0x354: {  	v3 =	vld [tilespmem:s4+$0xFFFFFF90]  }
0x355: {  	v11 =	vld [tilespmem:s4+$0xFFFFFFD0];
	[tilespmem:s4+$0xF0] =	vst v2  }
0x356: {  	v2 =	vld [tilespmem:s4+$0x10]  }
0x357: {  	v6 =	vadd.f32 v6, v9;
	v9 =	vld [tilespmem:s4+$0x50]  }
0x358: {  	v1 =	vadd.f32 v1, v10;
	v10 =	vld [tilespmem:s4+$0x90]  }
0x359: {  	[tilespmem:s4+$0xFFFFFF10] =	vst v6;
	v6 =	vld [tilespmem:s4+$0xFFFFFF20];
	v3 =	vadd.f32 v7, v3  }
0x35a: {  	v7 =	vld [tilespmem:s30+$0xFFFFFE30];
	[tilespmem:s4+$0xFFFFFF50] =	vst v1;
	v0 =	vadd.f32 v0, v11  }
0x35b: {  	v1 =	vld [tilespmem:s30+$0xFFFFFE70];
	[tilespmem:s4+$0xFFFFFF90] =	vst v3;
	v2 =	vadd.f32 v4, v2  }
0x35c: {  	v3 =	vld [tilespmem:s30+$0xFFFFFEB0];
	[tilespmem:s4+$0xFFFFFFD0] =	vst v0;
	v0 =	vadd.f32 v5, v9  }
0x35d: {  	v4 =	vld [tilespmem:s30+$0xFFFFFEF0];
	[tilespmem:s4+$0x10] =	vst v2;
	v2 =	vadd.f32 v8, v10  }
0x35e: {  	v5 =	vld [tilespmem:s30+$0xFFFFFF30];
	[tilespmem:s4+$0x50] =	vst v0  }
0x35f: {  	v0 =	vadd.f32 v7, v6;
	v6 =	vld [tilespmem:s30+$0xFFFFFF70];
	[tilespmem:s4+$0x90] =	vst v2  }
0x360: {  	v2 =	vld [tilespmem:s30+$0xFFFFFFB0]  }
0x361: {  	[tilespmem:s4+$0xFFFFFF20] =	vst v0;
	v0 =	vld [tilespmem:s4+$0xFFFFFF60]  }
0x362: {  	v7 =	vld [tilespmem:s4+$0xFFFFFFA0]  }
0x363: {  	v8 =	vld [tilespmem:s4+$0xFFFFFFE0]  }
0x364: {  	v9 =	vld [tilespmem:s4+$0x20]  }
0x365: {  	v10 =	vld [tilespmem:s4+$0x60]  }
0x366: {  	v0 =	vadd.f32 v1, v0;
	v11 =	vld [tilespmem:s4+$0xA0]  }
0x367: {  	v12 =	vld [tilespmem:s30+$0xFFFFFE40];
	v1 =	vadd.f32 v3, v7  }
0x368: {  	v3 =	vld [tilespmem:s4+$0xFFFFFF30];
	[tilespmem:s4+$0xFFFFFF60] =	vst v0;
	v0 =	vadd.f32 v4, v8  }
0x369: {  	v13 =	vld [tilespmem:s30+$0xFFFFFE80];
	[tilespmem:s4+$0xFFFFFFA0] =	vst v1;
	v5 =	vadd.f32 v5, v9  }
0x36a: {  	v4 =	vld [tilespmem:s30+$0xFFFFFEC0];
	[tilespmem:s4+$0xFFFFFFE0] =	vst v0;
	v0 =	vadd.f32 v6, v10  }
0x36b: {  	v1 =	vld [tilespmem:s30+$0xFFFFFF00];
	[tilespmem:s4+$0x20] =	vst v5;
	v5 =	vadd.f32 v2, v11  }
0x36c: {  	v2 =	vld [tilespmem:s30+$0xFFFFFF40];
	[tilespmem:s4+$0x60] =	vst v0  }
0x36d: {  	v6 =	vadd.f32 v12, v3;
	v3 =	vld [tilespmem:s30+$0xFFFFFF80];
	[tilespmem:s4+$0xA0] =	vst v5  }
0x36e: {  	v0 =	vld [tilespmem:s30+$0xFFFFFFC0]  }
0x36f: {  	[tilespmem:s4+$0xFFFFFF30] =	vst v6;
	v6 =	vld [tilespmem:s4+$0xFFFFFF70]  }
.Ltmp5:
0x370: {  	v9 =	vld [tilespmem:s4+$0xFFFFFFB0];
	(pc) =	sbr.rel @p1 .LBB2_13-.Ltmp5, $4  }
0x371: {  	v8 =	vld [tilespmem:s4+$0xFFFFFFF0]  }
0x372: {  	v7 =	vld [tilespmem:s4+$0x30]  }
0x373: {  	v5 =	vld [tilespmem:s4+$0x70]  }
0x374: {  	s4 =	sadd.s32 $0x200, s4;
	v10 =	vadd.f32 v13, v6;
	v6 =	vld [tilespmem:s1+$0xB0]  }
0x375: {  	v4 =	vadd.f32 v4, v9  }
0x376: {  	[tilespmem:s1+$0xFFFFFF70] =	vst v10;
	v1 =	vadd.f32 v1, v8  }
0x377: {  	[tilespmem:s1+$0xFFFFFFB0] =	vst v4  }
0x378: {  	[tilespmem:s1+$0xFFFFFFF0] =	vst v1  }
0x379: {  	v2 =	vadd.f32 v2, v7;
	s2 =	rddreg [dreg:$0xc]  }
0x37a: {  	v1 =	vadd.f32 v3, v5;
	s2 =	sadd.s32 s3, s2  }
0x37b: {  	[tilespmem:s1+$0x30] =	vst v2;
	v0 =	vadd.f32 v0, v6;
	s2 =	sshll.u32 s2, $0x3  }
0x37c: {  	[tilespmem:s1+$0x70] =	vst v1;
	s2 =	sand.u32 $0x1FFFF400, s2  }
0x37d: {  	s9 =	simm.s32 $0x16800;
	s26 =	simm.s32 $0xC;
	[tilespmem:s1+$0xB0] =	vst v0;
	s16 =	sadd.s32 s28, s2  }
0x37e: {  	[hbm4b:s16+s8] =	stream.linear.scatter [tilespmem:s9], [sflag:$0xE], $0x2000, $0x38;
	[tilespmem:$0x1C800] =	vst v63  }
0x37f: {  	_ =	swait.ge [sflag:s26], $0x2000  }
0x380: {  	s4 =	simm.s32 @!p0 $0x12800;
	s30 =	simm.s32 $0x7;
	[sflag:s26] =	ssyncset.done $0x0  }
0x381: {  	s1 =	sadd.s32 @!p0 $0x580, s0;
	s2 =	simm.s32 @!p0 $0x80;
	[sflag:s26] =	ssyncadd.s32 $0xFFFFE000  }
0x382: {  	[tilespmem:s4], [sflag:$0x4] =	stream.indirect.gather @!p0 [hbm4b:s5+s2], $0x40, s1, s2, $0xb8;
	[tilespmem:$0x1C800] =	vst v63  }
0x383: {  	_ =	swait.ge [sflag:s30], $0x2000  }
0x384: {  	[sflag:s30] =	ssyncset.done $0x0  }
0x385: {  	s1 =	simm.s32 $0x18900;
	[sflag:s30] =	ssyncadd.s32 $0xFFFFE000  }
0x386: {  	v0 =	vld [tilespmem:s1+$0xC0]  }
0x387: {  	v1 =	vld [tilespmem:s25+$0xFFFFFFD0]  }
0x388: {  	v2 =	vld [tilespmem:s25+$0xFFFFFE10]  }
0x389: {  	v3 =	vld [tilespmem:s1+$0xFFFFFF40]  }
0x38a: {  	v4 =	vld [tilespmem:s1+$0xFFFFFF80]  }
0x38b: {  	v6 =	vld [tilespmem:s25+$0xFFFFFE90]  }
0x38c: {  	v7 =	vld [tilespmem:s1+$0xFFFFFFC0]  }
0x38d: {  	v8 =	vld [tilespmem:s25+$0xFFFFFED0]  }
0x38e: {  	v9 =	vld [tilespmem:s1+$0x0]  }
0x38f: {  	v10 =	vld [tilespmem:s25+$0xFFFFFF10]  }
0x390: {  	v11 =	vld [tilespmem:s25+$0xFFFFFF50]  }
0x391: {  	v60 =	vld [tilespmem:s1+$0xFFFFFFD0]  }
0x392: {  	v13 =	vld [tilespmem:s1+$0x10]  }
0x393: {  	v61 =	vld [tilespmem:s1+$0xFFFFFFE0]  }
0x394: {  	v62 =	vld [tilespmem:s1+$0x60];
	v0 =	vadd.f32 v1, v0  }
0x395: {  	v1 =	vld [tilespmem:s25+$0xFFFFFE50]  }
0x396: {  	[tilespmem:s1+$0xC0] =	vst v0;
	v0 =	vld [tilespmem:s1+$0xD0]  }
0x397: {  	v5 =	vld [tilespmem:s25+$0xFFFFFFE0]  }
0x398: {  	v63 =	vld [tilespmem:s1+$0xFFFFFF30];
	v4 =	vadd.f32 v6, v4  }
0x399: {  	v6 =	vld [tilespmem:s25+$0xFFFFFF90]  }
0x39a: {  	[tilespmem:s1+$0xFFFFFF80] =	vst v4;
	v4 =	vadd.f32 v10, v9;
	v10 =	vld [tilespmem:s1+$0xFFFFFF50];
	v1 =	vadd.f32 v1, v3  }
0x39b: {  	v3 =	vld [tilespmem:s1+$0x80]  }
0x39c: {  	[tilespmem:s1+$0xFFFFFF40] =	vst v1;
	v0 =	vadd.f32 v5, v0;
	v5 =	vld [tilespmem:s1+$0x40]  }
0x39d: {  	v1 =	vadd.f32 v8, v7;
	v8 =	vld [tilespmem:s25+$0xFFFFFE60]  }
0x39e: {  	[tilespmem:s1+$0xD0] =	vst v0;
	v0 =	vld [tilespmem:s1+$0xE0]  }
0x39f: {  	[tilespmem:s1+$0x0] =	vst v4;
	v12 =	vld [tilespmem:s25+$0xFFFFFFF0]  }
0x3a0: {  	v9 =	vld [tilespmem:s25+$0xFFFFFF20]  }
0x3a1: {  	v7 =	vld [tilespmem:s1+$0xFFFFFF00]  }
0x3a2: {  	[tilespmem:s1+$0xFFFFFFC0] =	vst v1;
	v1 =	vld [tilespmem:s25+$0xFFFFFEA0]  }
0x3a3: {  	v4 =	vld [tilespmem:s25+$0xFFFFFEE0];
	v8 =	vadd.f32 v8, v10  }
0x3a4: {  	v5 =	vadd.f32 v11, v5;
	v11 =	vld [tilespmem:s1+$0xFFFFFF90];
	v0 =	vadd.f32 v12, v0  }
0x3a5: {  	v10 =	vld [tilespmem:s1+$0x90];
	[tilespmem:s1+$0xFFFFFF50] =	vst v8  }
0x3a6: {  	v8 =	vld [tilespmem:s25+$0xFFFFFE70];
	[tilespmem:s1+$0xE0] =	vst v0;
	v0 =	vadd.f32 v2, v7  }
0x3a7: {  	[tilespmem:s1+$0x40] =	vst v5;
	v7 =	vld [tilespmem:s1+$0xF0];
	v2 =	vadd.f32 v6, v3  }
0x3a8: {  	v5 =	vld [tilespmem:s25+$0x0];
	[tilespmem:s1+$0xFFFFFF00] =	vst v0  }
0x3a9: {  	v1 =	vadd.f32 v1, v11;
	[tilespmem:s1+$0x80] =	vst v2;
	v2 =	vld [tilespmem:s1+$0xFFFFFF10]  }
0x3aa: {  	v3 =	vld [tilespmem:s25+$0xFFFFFE20]  }
0x3ab: {  	[tilespmem:s1+$0xFFFFFF90] =	vst v1;
	v1 =	vadd.f32 v9, v13;
	v6 =	vld [tilespmem:s25+$0xFFFFFFA0]  }
0x3ac: {  	v4 =	vadd.f32 v4, v60;
	v0 =	vld [tilespmem:s25+$0xFFFFFF60]  }
0x3ad: {  	v9 =	vld [tilespmem:s25+$0xFFFFFEB0];
	[tilespmem:s1+$0x10] =	vst v1  }
0x3ae: {  	[tilespmem:s1+$0xFFFFFFD0] =	vst v4;
	v4 =	vld [tilespmem:s25+$0xFFFFFF30]  }
0x3af: {  	v2 =	vadd.f32 v3, v2;
	v3 =	vld [tilespmem:s1+$0x50]  }
0x3b0: {  	v1 =	vadd.f32 v6, v10;
	v10 =	vld [tilespmem:s1+$0xFFFFFFA0]  }
0x3b1: {  	[tilespmem:s1+$0xFFFFFF10] =	vst v2;
	v2 =	vld [tilespmem:s1+$0xFFFFFF20]  }
0x3b2: {  	v11 =	vld [tilespmem:s25+$0xFFFFFE30]  }
0x3b3: {  	v5 =	vadd.f32 v5, v7;
	[tilespmem:s1+$0x90] =	vst v1;
	v1 =	vld [tilespmem:s1+$0xFFFFFF60]  }
0x3b4: {  	v7 =	vld [tilespmem:s1+$0x30]  }
0x3b5: {  	[tilespmem:s1+$0xF0] =	vst v5;
	v5 =	vld [tilespmem:s1+$0x70]  }
0x3b6: {  	v6 =	vld [tilespmem:s25+$0xFFFFFFB0]  }
0x3b7: {  	v0 =	vadd.f32 v0, v3;
	v3 =	vld [tilespmem:s25+$0xFFFFFEF0];
	v2 =	vadd.f32 v11, v2  }
0x3b8: {  	v1 =	vadd.f32 v8, v1;
	v8 =	vadd.f32 v9, v10;
	v9 =	vld [tilespmem:s1+$0xFFFFFFB0]  }
0x3b9: {  	[tilespmem:s1+$0xFFFFFF20] =	vst v2;
	v2 =	vld [tilespmem:s1+$0xA0]  }
0x3ba: {  	[tilespmem:s1+$0x50] =	vst v0;
	v11 =	vld [tilespmem:s1+$0x20]  }
0x3bb: {  	v0 =	vld [tilespmem:s25+$0xFFFFFF70]  }
0x3bc: {  	[tilespmem:s1+$0xFFFFFFA0] =	vst v8;
	v8 =	vld [tilespmem:s1+$0xFFFFFFF0]  }
0x3bd: {  	[tilespmem:s1+$0xFFFFFF60] =	vst v1;
	v1 =	vadd.f32 v3, v61;
	v10 =	vld [tilespmem:s25+$0xFFFFFE40]  }
0x3be: {  	v14 =	vld [tilespmem:s25+$0xFFFFFE80];
	v6 =	vadd.f32 v6, v2  }
0x3bf: {  	[tilespmem:s1+$0xFFFFFFE0] =	vst v1;
	v3 =	vadd.f32 v4, v11;
	v4 =	vld [tilespmem:s25+$0xFFFFFEC0]  }
0x3c0: {  	v0 =	vadd.f32 v0, v62;
	[tilespmem:s1+$0xA0] =	vst v6;
	v6 =	vld [tilespmem:s1+$0xFFFFFF70]  }
0x3c1: {  	v1 =	vld [tilespmem:s25+$0xFFFFFF00];
	[tilespmem:s1+$0x20] =	vst v3  }
0x3c2: {  	[tilespmem:s1+$0x60] =	vst v0;
	v2 =	vld [tilespmem:s25+$0xFFFFFF40];
	v10 =	vadd.f32 v10, v63  }
0x3c3: {  	v3 =	vld [tilespmem:s25+$0xFFFFFF80]  }
0x3c4: {  	v0 =	vld [tilespmem:s25+$0xFFFFFFC0];
	[tilespmem:s1+$0xFFFFFF30] =	vst v10  }
0x3c5: {  	s2 =	simm.s32 $0x0;
	s4 =	simm.s32 $0x18B00;
	s31 =	rddreg [dreg:$0xb];
	v10 =	vadd.f32 v14, v6;
	v6 =	vld [tilespmem:s1+$0xB0]  }
.LBB2_15:
0x3c6: {  	v11 =	vld [tilespmem:s4+$0xC0];
	v4 =	vadd.f32 v4, v9;
	s25 =	sadd.s32 $0x200, s25  }
0x3c7: {  	s2 =	sadd.s32 $0x8, s2;
	v9 =	vld [tilespmem:s25+$0xFFFFFFD0];
	[tilespmem:s1+$0xFFFFFF70] =	vst v10;
	v1 =	vadd.f32 v1, v8  }
0x3c8: {  	p1 =	slt.u32 s2, $0x78;
	v8 =	vld [tilespmem:s25+$0xFFFFFE10];
	[tilespmem:s1+$0xFFFFFFB0] =	vst v4;
	v2 =	vadd.f32 v2, v7  }
0x3c9: {  	v4 =	vld [tilespmem:s4+$0xFFFFFF40];
	[tilespmem:s1+$0xFFFFFFF0] =	vst v1;
	v1 =	vadd.f32 v3, v5  }
0x3ca: {  	v3 =	vld [tilespmem:s25+$0xFFFFFE50];
	[tilespmem:s1+$0x30] =	vst v2;
	v0 =	vadd.f32 v0, v6  }
0x3cb: {  	v2 =	vld [tilespmem:s4+$0xFFFFFF80];
	[tilespmem:s1+$0x70] =	vst v1  }
0x3cc: {  	v1 =	vld [tilespmem:s25+$0xFFFFFE90];
	v5 =	vadd.f32 v9, v11;
	[tilespmem:s1+$0xB0] =	vst v0;
	s1 =	smov.u32 s4  }
0x3cd: {  	v0 =	vld [tilespmem:s4+$0xFFFFFFC0]  }
0x3ce: {  	[tilespmem:s4+$0xC0] =	vst v5;
	v5 =	vld [tilespmem:s4+$0xD0]  }
0x3cf: {  	v3 =	vadd.f32 v3, v4;
	v4 =	vld [tilespmem:s25+$0xFFFFFFE0]  }
0x3d0: {  	v6 =	vld [tilespmem:s25+$0xFFFFFED0]  }
0x3d1: {  	[tilespmem:s4+$0xFFFFFF40] =	vst v3;
	v1 =	vadd.f32 v1, v2;
	v2 =	vld [tilespmem:s4+$0x0]  }
0x3d2: {  	v3 =	vld [tilespmem:s25+$0xFFFFFF10]  }
0x3d3: {  	[tilespmem:s4+$0xFFFFFF80] =	vst v1;
	v1 =	vld [tilespmem:s4+$0x40]  }
0x3d4: {  	v7 =	vld [tilespmem:s25+$0xFFFFFF50];
	v4 =	vadd.f32 v4, v5  }
0x3d5: {  	v0 =	vadd.f32 v6, v0;
	v5 =	vld [tilespmem:s4+$0x80]  }
0x3d6: {  	[tilespmem:s4+$0xD0] =	vst v4;
	v4 =	vld [tilespmem:s4+$0xE0]  }
0x3d7: {  	[tilespmem:s4+$0xFFFFFFC0] =	vst v0;
	v0 =	vadd.f32 v3, v2;
	v2 =	vld [tilespmem:s25+$0xFFFFFFF0]  }
0x3d8: {  	v3 =	vld [tilespmem:s25+$0xFFFFFF90]  }
0x3d9: {  	v6 =	vld [tilespmem:s4+$0xFFFFFF00];
	[tilespmem:s4+$0x0] =	vst v0;
	v0 =	vadd.f32 v7, v1  }
0x3da: {  	v1 =	vld [tilespmem:s25+$0xFFFFFE60]  }
0x3db: {  	v7 =	vld [tilespmem:s25+$0xFFFFFEA0];
	[tilespmem:s4+$0x40] =	vst v0  }
0x3dc: {  	v0 =	vld [tilespmem:s25+$0xFFFFFEE0];
	v2 =	vadd.f32 v2, v4  }
0x3dd: {  	v4 =	vld [tilespmem:s25+$0xFFFFFF20];
	v3 =	vadd.f32 v3, v5  }
0x3de: {  	v5 =	vadd.f32 v8, v6;
	[tilespmem:s4+$0xE0] =	vst v2;
	v2 =	vld [tilespmem:s4+$0xF0]  }
0x3df: {  	[tilespmem:s4+$0x80] =	vst v3;
	v3 =	vld [tilespmem:s25+$0x0]  }
0x3e0: {  	[tilespmem:s4+$0xFFFFFF00] =	vst v5;
	v5 =	vld [tilespmem:s25+$0xFFFFFF60]  }
0x3e1: {  	v6 =	vld [tilespmem:s25+$0xFFFFFE20]  }
0x3e2: {  	v8 =	vld [tilespmem:s25+$0xFFFFFFA0]  }
0x3e3: {  	v9 =	vld [tilespmem:s4+$0xFFFFFF10]  }
0x3e4: {  	v10 =	vld [tilespmem:s4+$0xFFFFFF50];
	v2 =	vadd.f32 v3, v2  }
0x3e5: {  	v3 =	vld [tilespmem:s4+$0xFFFFFF90]  }
0x3e6: {  	v11 =	vld [tilespmem:s4+$0xFFFFFFD0];
	[tilespmem:s4+$0xF0] =	vst v2  }
0x3e7: {  	v2 =	vld [tilespmem:s4+$0x10]  }
0x3e8: {  	v6 =	vadd.f32 v6, v9;
	v9 =	vld [tilespmem:s4+$0x50]  }
0x3e9: {  	v1 =	vadd.f32 v1, v10;
	v10 =	vld [tilespmem:s4+$0x90]  }
0x3ea: {  	[tilespmem:s4+$0xFFFFFF10] =	vst v6;
	v6 =	vld [tilespmem:s4+$0xFFFFFF20];
	v3 =	vadd.f32 v7, v3  }
0x3eb: {  	v7 =	vld [tilespmem:s25+$0xFFFFFE30];
	[tilespmem:s4+$0xFFFFFF50] =	vst v1;
	v0 =	vadd.f32 v0, v11  }
0x3ec: {  	v1 =	vld [tilespmem:s25+$0xFFFFFE70];
	[tilespmem:s4+$0xFFFFFF90] =	vst v3;
	v2 =	vadd.f32 v4, v2  }
0x3ed: {  	v3 =	vld [tilespmem:s25+$0xFFFFFEB0];
	[tilespmem:s4+$0xFFFFFFD0] =	vst v0;
	v0 =	vadd.f32 v5, v9  }
0x3ee: {  	v4 =	vld [tilespmem:s25+$0xFFFFFEF0];
	[tilespmem:s4+$0x10] =	vst v2;
	v2 =	vadd.f32 v8, v10  }
0x3ef: {  	v5 =	vld [tilespmem:s25+$0xFFFFFF30];
	[tilespmem:s4+$0x50] =	vst v0  }
0x3f0: {  	v0 =	vadd.f32 v7, v6;
	v6 =	vld [tilespmem:s25+$0xFFFFFF70];
	[tilespmem:s4+$0x90] =	vst v2  }
0x3f1: {  	v2 =	vld [tilespmem:s25+$0xFFFFFFB0]  }
0x3f2: {  	[tilespmem:s4+$0xFFFFFF20] =	vst v0;
	v0 =	vld [tilespmem:s4+$0xFFFFFF60]  }
0x3f3: {  	v7 =	vld [tilespmem:s4+$0xFFFFFFA0]  }
0x3f4: {  	v8 =	vld [tilespmem:s4+$0xFFFFFFE0]  }
0x3f5: {  	v9 =	vld [tilespmem:s4+$0x20]  }
0x3f6: {  	v10 =	vld [tilespmem:s4+$0x60]  }
0x3f7: {  	v0 =	vadd.f32 v1, v0;
	v11 =	vld [tilespmem:s4+$0xA0]  }
0x3f8: {  	v12 =	vld [tilespmem:s25+$0xFFFFFE40];
	v1 =	vadd.f32 v3, v7  }
0x3f9: {  	v3 =	vld [tilespmem:s4+$0xFFFFFF30];
	[tilespmem:s4+$0xFFFFFF60] =	vst v0;
	v0 =	vadd.f32 v4, v8  }
0x3fa: {  	v13 =	vld [tilespmem:s25+$0xFFFFFE80];
	[tilespmem:s4+$0xFFFFFFA0] =	vst v1;
	v5 =	vadd.f32 v5, v9  }
0x3fb: {  	v4 =	vld [tilespmem:s25+$0xFFFFFEC0];
	[tilespmem:s4+$0xFFFFFFE0] =	vst v0;
	v0 =	vadd.f32 v6, v10  }
0x3fc: {  	v1 =	vld [tilespmem:s25+$0xFFFFFF00];
	[tilespmem:s4+$0x20] =	vst v5;
	v5 =	vadd.f32 v2, v11  }
0x3fd: {  	v2 =	vld [tilespmem:s25+$0xFFFFFF40];
	[tilespmem:s4+$0x60] =	vst v0  }
0x3fe: {  	v6 =	vadd.f32 v12, v3;
	v3 =	vld [tilespmem:s25+$0xFFFFFF80];
	[tilespmem:s4+$0xA0] =	vst v5  }
0x3ff: {  	v0 =	vld [tilespmem:s25+$0xFFFFFFC0]  }
0x400: {  	[tilespmem:s4+$0xFFFFFF30] =	vst v6;
	v6 =	vld [tilespmem:s4+$0xFFFFFF70]  }
.Ltmp6:
0x401: {  	v9 =	vld [tilespmem:s4+$0xFFFFFFB0];
	(pc) =	sbr.rel @p1 .LBB2_15-.Ltmp6, $4  }
0x402: {  	v8 =	vld [tilespmem:s4+$0xFFFFFFF0]  }
0x403: {  	v7 =	vld [tilespmem:s4+$0x30]  }
0x404: {  	v5 =	vld [tilespmem:s4+$0x70]  }
0x405: {  	s4 =	sadd.s32 $0x200, s4;
	v10 =	vadd.f32 v13, v6;
	v6 =	vld [tilespmem:s1+$0xB0]  }
0x406: {  	v4 =	vadd.f32 v4, v9  }
0x407: {  	[tilespmem:s1+$0xFFFFFF70] =	vst v10;
	v1 =	vadd.f32 v1, v8  }
0x408: {  	[tilespmem:s1+$0xFFFFFFB0] =	vst v4;
	v2 =	vadd.f32 v2, v7  }
0x409: {  	s2 =	sadd.s32 s3, s11;
	[tilespmem:s1+$0xFFFFFFF0] =	vst v1;
	v1 =	vadd.f32 v3, v5  }
0x40a: {  	s2 =	sshll.u32 s2, $0x3;
	[tilespmem:s1+$0x30] =	vst v2;
	v0 =	vadd.f32 v0, v6  }
0x40b: {  	s2 =	sand.u32 $0x1FFFF800, s2;
	[tilespmem:s1+$0x70] =	vst v1  }
0x40c: {  	s25 =	simm.s32 $0x18800;
	s26 =	simm.s32 $0xD;
	s16 =	sadd.s32 s28, s2;
	[tilespmem:s1+$0xB0] =	vst v0  }
0x40d: {  	[hbm4b:s16+s8] =	stream.linear.scatter [tilespmem:s25], [sflag:$0xF], $0x2000, $0x38;
	[tilespmem:$0x1C800] =	vst v63  }
0x40e: {  	_ =	swait.ge [sflag:s26], $0x2000  }
0x40f: {  	s0 =	sadd.s32 @!p0 $0x600, s0;
	s30 =	simm.s32 $0x8;
	[sflag:s26] =	ssyncset.done $0x0  }
0x410: {  	s2 =	simm.s32 @!p0 $0x14800;
	s1 =	simm.s32 @!p0 $0x80;
	[sflag:s26] =	ssyncadd.s32 $0xFFFFE000  }
0x411: {  	[tilespmem:s2], [sflag:$0x5] =	stream.indirect.gather @!p0 [hbm4b:s5+s1], $0x40, s0, s1, $0xb8;
	[tilespmem:$0x1C800] =	vst v63  }
0x412: {  	_ =	swait.ge [sflag:s30], $0x2000  }
0x413: {  	[sflag:s30] =	ssyncset.done $0x0  }
0x414: {  	s0 =	simm.s32 $0x1A900;
	[sflag:s30] =	ssyncadd.s32 $0xFFFFE000  }
0x415: {  	v0 =	vld [tilespmem:s0+$0xC0]  }
0x416: {  	v1 =	vld [tilespmem:s24+$0xFFFFFFD0]  }
0x417: {  	v2 =	vld [tilespmem:s24+$0xFFFFFE10]  }
0x418: {  	v3 =	vld [tilespmem:s0+$0xFFFFFF40]  }
0x419: {  	v4 =	vld [tilespmem:s0+$0xFFFFFF80]  }
0x41a: {  	v6 =	vld [tilespmem:s24+$0xFFFFFE90]  }
0x41b: {  	v7 =	vld [tilespmem:s0+$0xFFFFFFC0]  }
0x41c: {  	v8 =	vld [tilespmem:s24+$0xFFFFFED0]  }
0x41d: {  	v9 =	vld [tilespmem:s0+$0x0]  }
0x41e: {  	v10 =	vld [tilespmem:s24+$0xFFFFFF10]  }
0x41f: {  	v11 =	vld [tilespmem:s24+$0xFFFFFF50]  }
0x420: {  	v60 =	vld [tilespmem:s0+$0xFFFFFFD0]  }
0x421: {  	v13 =	vld [tilespmem:s0+$0x10]  }
0x422: {  	v61 =	vld [tilespmem:s0+$0xFFFFFFE0]  }
0x423: {  	v62 =	vld [tilespmem:s0+$0x60];
	v0 =	vadd.f32 v1, v0  }
0x424: {  	v1 =	vld [tilespmem:s24+$0xFFFFFE50]  }
0x425: {  	[tilespmem:s0+$0xC0] =	vst v0;
	v0 =	vld [tilespmem:s0+$0xD0]  }
0x426: {  	v5 =	vld [tilespmem:s24+$0xFFFFFFE0]  }
0x427: {  	v63 =	vld [tilespmem:s0+$0xFFFFFF30];
	v4 =	vadd.f32 v6, v4  }
0x428: {  	v6 =	vld [tilespmem:s24+$0xFFFFFF90]  }
0x429: {  	[tilespmem:s0+$0xFFFFFF80] =	vst v4;
	v4 =	vadd.f32 v10, v9;
	v10 =	vld [tilespmem:s0+$0xFFFFFF50];
	v1 =	vadd.f32 v1, v3  }
0x42a: {  	v3 =	vld [tilespmem:s0+$0x80]  }
0x42b: {  	[tilespmem:s0+$0xFFFFFF40] =	vst v1;
	v0 =	vadd.f32 v5, v0;
	v5 =	vld [tilespmem:s0+$0x40]  }
0x42c: {  	v1 =	vadd.f32 v8, v7;
	v8 =	vld [tilespmem:s24+$0xFFFFFE60]  }
0x42d: {  	[tilespmem:s0+$0xD0] =	vst v0;
	v0 =	vld [tilespmem:s0+$0xE0]  }
0x42e: {  	[tilespmem:s0+$0x0] =	vst v4;
	v12 =	vld [tilespmem:s24+$0xFFFFFFF0]  }
0x42f: {  	v9 =	vld [tilespmem:s24+$0xFFFFFF20]  }
0x430: {  	v7 =	vld [tilespmem:s0+$0xFFFFFF00]  }
0x431: {  	[tilespmem:s0+$0xFFFFFFC0] =	vst v1;
	v1 =	vld [tilespmem:s24+$0xFFFFFEA0]  }
0x432: {  	v4 =	vld [tilespmem:s24+$0xFFFFFEE0];
	v8 =	vadd.f32 v8, v10  }
0x433: {  	v5 =	vadd.f32 v11, v5;
	v11 =	vld [tilespmem:s0+$0xFFFFFF90];
	v0 =	vadd.f32 v12, v0  }
0x434: {  	v10 =	vld [tilespmem:s0+$0x90];
	[tilespmem:s0+$0xFFFFFF50] =	vst v8  }
0x435: {  	v8 =	vld [tilespmem:s24+$0xFFFFFE70];
	[tilespmem:s0+$0xE0] =	vst v0;
	v0 =	vadd.f32 v2, v7  }
0x436: {  	[tilespmem:s0+$0x40] =	vst v5;
	v7 =	vld [tilespmem:s0+$0xF0];
	v2 =	vadd.f32 v6, v3  }
0x437: {  	v5 =	vld [tilespmem:s24+$0x0];
	[tilespmem:s0+$0xFFFFFF00] =	vst v0  }
0x438: {  	v1 =	vadd.f32 v1, v11;
	[tilespmem:s0+$0x80] =	vst v2;
	v2 =	vld [tilespmem:s0+$0xFFFFFF10]  }
0x439: {  	v3 =	vld [tilespmem:s24+$0xFFFFFE20]  }
0x43a: {  	[tilespmem:s0+$0xFFFFFF90] =	vst v1;
	v1 =	vadd.f32 v9, v13;
	v6 =	vld [tilespmem:s24+$0xFFFFFFA0]  }
0x43b: {  	v4 =	vadd.f32 v4, v60;
	v0 =	vld [tilespmem:s24+$0xFFFFFF60]  }
0x43c: {  	v9 =	vld [tilespmem:s24+$0xFFFFFEB0];
	[tilespmem:s0+$0x10] =	vst v1  }
0x43d: {  	[tilespmem:s0+$0xFFFFFFD0] =	vst v4;
	v4 =	vld [tilespmem:s24+$0xFFFFFF30]  }
0x43e: {  	v2 =	vadd.f32 v3, v2;
	v3 =	vld [tilespmem:s0+$0x50]  }
0x43f: {  	v1 =	vadd.f32 v6, v10;
	v10 =	vld [tilespmem:s0+$0xFFFFFFA0]  }
0x440: {  	[tilespmem:s0+$0xFFFFFF10] =	vst v2;
	v2 =	vld [tilespmem:s0+$0xFFFFFF20]  }
0x441: {  	v11 =	vld [tilespmem:s24+$0xFFFFFE30]  }
0x442: {  	v5 =	vadd.f32 v5, v7;
	[tilespmem:s0+$0x90] =	vst v1;
	v1 =	vld [tilespmem:s0+$0xFFFFFF60]  }
0x443: {  	v7 =	vld [tilespmem:s0+$0x30]  }
0x444: {  	[tilespmem:s0+$0xF0] =	vst v5;
	v5 =	vld [tilespmem:s0+$0x70]  }
0x445: {  	v6 =	vld [tilespmem:s24+$0xFFFFFFB0]  }
0x446: {  	v0 =	vadd.f32 v0, v3;
	v3 =	vld [tilespmem:s24+$0xFFFFFEF0];
	v2 =	vadd.f32 v11, v2  }
0x447: {  	v1 =	vadd.f32 v8, v1;
	v8 =	vadd.f32 v9, v10;
	v9 =	vld [tilespmem:s0+$0xFFFFFFB0]  }
0x448: {  	[tilespmem:s0+$0xFFFFFF20] =	vst v2;
	v2 =	vld [tilespmem:s0+$0xA0]  }
0x449: {  	[tilespmem:s0+$0x50] =	vst v0;
	v11 =	vld [tilespmem:s0+$0x20]  }
0x44a: {  	v0 =	vld [tilespmem:s24+$0xFFFFFF70];
	[tilespmem:s0+$0xFFFFFF60] =	vst v1  }
0x44b: {  	[tilespmem:s0+$0xFFFFFFA0] =	vst v8;
	v8 =	vld [tilespmem:s0+$0xFFFFFFF0]  }
0x44c: {  	v1 =	vadd.f32 v3, v61;
	v14 =	vld [tilespmem:s24+$0xFFFFFE80]  }
0x44d: {  	v10 =	vld [tilespmem:s24+$0xFFFFFE40];
	v6 =	vadd.f32 v6, v2  }
0x44e: {  	[tilespmem:s0+$0xFFFFFFE0] =	vst v1;
	v3 =	vadd.f32 v4, v11;
	v4 =	vld [tilespmem:s24+$0xFFFFFEC0]  }
0x44f: {  	v0 =	vadd.f32 v0, v62;
	[tilespmem:s0+$0xA0] =	vst v6;
	v6 =	vld [tilespmem:s0+$0xFFFFFF70]  }
0x450: {  	v1 =	vld [tilespmem:s24+$0xFFFFFF00];
	[tilespmem:s0+$0x20] =	vst v3  }
0x451: {  	[tilespmem:s0+$0x60] =	vst v0;
	v2 =	vld [tilespmem:s24+$0xFFFFFF40]  }
0x452: {  	v3 =	vld [tilespmem:s24+$0xFFFFFF80];
	v10 =	vadd.f32 v10, v63  }
0x453: {  	v0 =	vld [tilespmem:s24+$0xFFFFFFC0]  }
0x454: {  	s1 =	simm.s32 $0x0;
	s2 =	simm.s32 $0x1AB00;
	[tilespmem:s0+$0xFFFFFF30] =	vst v10;
	v10 =	vadd.f32 v14, v6;
	v6 =	vld [tilespmem:s0+$0xB0]  }
.LBB2_17:
0x455: {  	v11 =	vld [tilespmem:s2+$0xC0];
	v4 =	vadd.f32 v4, v9;
	s24 =	sadd.s32 $0x200, s24  }
0x456: {  	s1 =	sadd.s32 $0x8, s1;
	v9 =	vld [tilespmem:s24+$0xFFFFFFD0];
	[tilespmem:s0+$0xFFFFFF70] =	vst v10;
	v1 =	vadd.f32 v1, v8  }
0x457: {  	p0 =	slt.u32 s1, $0x78;
	v8 =	vld [tilespmem:s24+$0xFFFFFE10];
	[tilespmem:s0+$0xFFFFFFB0] =	vst v4;
	v2 =	vadd.f32 v2, v7  }
0x458: {  	v4 =	vld [tilespmem:s2+$0xFFFFFF40];
	[tilespmem:s0+$0xFFFFFFF0] =	vst v1;
	v1 =	vadd.f32 v3, v5  }
0x459: {  	v3 =	vld [tilespmem:s24+$0xFFFFFE50];
	[tilespmem:s0+$0x30] =	vst v2;
	v0 =	vadd.f32 v0, v6  }
0x45a: {  	v2 =	vld [tilespmem:s2+$0xFFFFFF80];
	[tilespmem:s0+$0x70] =	vst v1  }
0x45b: {  	v1 =	vld [tilespmem:s24+$0xFFFFFE90];
	v5 =	vadd.f32 v9, v11;
	[tilespmem:s0+$0xB0] =	vst v0;
	s0 =	smov.u32 s2  }
0x45c: {  	v0 =	vld [tilespmem:s2+$0xFFFFFFC0]  }
0x45d: {  	[tilespmem:s2+$0xC0] =	vst v5;
	v5 =	vld [tilespmem:s2+$0xD0]  }
0x45e: {  	v3 =	vadd.f32 v3, v4;
	v4 =	vld [tilespmem:s24+$0xFFFFFFE0]  }
0x45f: {  	v6 =	vld [tilespmem:s24+$0xFFFFFED0]  }
0x460: {  	[tilespmem:s2+$0xFFFFFF40] =	vst v3;
	v1 =	vadd.f32 v1, v2;
	v2 =	vld [tilespmem:s2+$0x0]  }
0x461: {  	v3 =	vld [tilespmem:s24+$0xFFFFFF10]  }
0x462: {  	[tilespmem:s2+$0xFFFFFF80] =	vst v1;
	v1 =	vld [tilespmem:s2+$0x40]  }
0x463: {  	v7 =	vld [tilespmem:s24+$0xFFFFFF50];
	v4 =	vadd.f32 v4, v5  }
0x464: {  	v0 =	vadd.f32 v6, v0;
	v5 =	vld [tilespmem:s2+$0x80]  }
0x465: {  	[tilespmem:s2+$0xD0] =	vst v4;
	v4 =	vld [tilespmem:s2+$0xE0]  }
0x466: {  	[tilespmem:s2+$0xFFFFFFC0] =	vst v0;
	v0 =	vadd.f32 v3, v2;
	v2 =	vld [tilespmem:s24+$0xFFFFFFF0]  }
0x467: {  	v3 =	vld [tilespmem:s24+$0xFFFFFF90]  }
0x468: {  	v6 =	vld [tilespmem:s2+$0xFFFFFF00];
	[tilespmem:s2+$0x0] =	vst v0;
	v0 =	vadd.f32 v7, v1  }
0x469: {  	v1 =	vld [tilespmem:s24+$0xFFFFFE60]  }
0x46a: {  	v7 =	vld [tilespmem:s24+$0xFFFFFEA0];
	[tilespmem:s2+$0x40] =	vst v0  }
0x46b: {  	v0 =	vld [tilespmem:s24+$0xFFFFFEE0];
	v2 =	vadd.f32 v2, v4  }
0x46c: {  	v4 =	vld [tilespmem:s24+$0xFFFFFF20];
	v3 =	vadd.f32 v3, v5  }
0x46d: {  	v5 =	vadd.f32 v8, v6;
	[tilespmem:s2+$0xE0] =	vst v2;
	v2 =	vld [tilespmem:s2+$0xF0]  }
0x46e: {  	[tilespmem:s2+$0x80] =	vst v3;
	v3 =	vld [tilespmem:s24+$0x0]  }
0x46f: {  	[tilespmem:s2+$0xFFFFFF00] =	vst v5;
	v5 =	vld [tilespmem:s24+$0xFFFFFF60]  }
0x470: {  	v6 =	vld [tilespmem:s24+$0xFFFFFE20]  }
0x471: {  	v8 =	vld [tilespmem:s24+$0xFFFFFFA0]  }
0x472: {  	v9 =	vld [tilespmem:s2+$0xFFFFFF10]  }
0x473: {  	v10 =	vld [tilespmem:s2+$0xFFFFFF50];
	v2 =	vadd.f32 v3, v2  }
0x474: {  	v3 =	vld [tilespmem:s2+$0xFFFFFF90]  }
0x475: {  	v11 =	vld [tilespmem:s2+$0xFFFFFFD0];
	[tilespmem:s2+$0xF0] =	vst v2  }
0x476: {  	v2 =	vld [tilespmem:s2+$0x10]  }
0x477: {  	v6 =	vadd.f32 v6, v9;
	v9 =	vld [tilespmem:s2+$0x50]  }
0x478: {  	v1 =	vadd.f32 v1, v10;
	v10 =	vld [tilespmem:s2+$0x90]  }
0x479: {  	[tilespmem:s2+$0xFFFFFF10] =	vst v6;
	v6 =	vld [tilespmem:s2+$0xFFFFFF20];
	v3 =	vadd.f32 v7, v3  }
0x47a: {  	v7 =	vld [tilespmem:s24+$0xFFFFFE30];
	[tilespmem:s2+$0xFFFFFF50] =	vst v1;
	v0 =	vadd.f32 v0, v11  }
0x47b: {  	v1 =	vld [tilespmem:s24+$0xFFFFFE70];
	[tilespmem:s2+$0xFFFFFF90] =	vst v3;
	v2 =	vadd.f32 v4, v2  }
0x47c: {  	v3 =	vld [tilespmem:s24+$0xFFFFFEB0];
	[tilespmem:s2+$0xFFFFFFD0] =	vst v0;
	v0 =	vadd.f32 v5, v9  }
0x47d: {  	v4 =	vld [tilespmem:s24+$0xFFFFFEF0];
	[tilespmem:s2+$0x10] =	vst v2;
	v2 =	vadd.f32 v8, v10  }
0x47e: {  	v5 =	vld [tilespmem:s24+$0xFFFFFF30];
	[tilespmem:s2+$0x50] =	vst v0  }
0x47f: {  	v0 =	vadd.f32 v7, v6;
	v6 =	vld [tilespmem:s24+$0xFFFFFF70];
	[tilespmem:s2+$0x90] =	vst v2  }
0x480: {  	v2 =	vld [tilespmem:s24+$0xFFFFFFB0]  }
0x481: {  	[tilespmem:s2+$0xFFFFFF20] =	vst v0;
	v0 =	vld [tilespmem:s2+$0xFFFFFF60]  }
0x482: {  	v7 =	vld [tilespmem:s2+$0xFFFFFFA0]  }
0x483: {  	v8 =	vld [tilespmem:s2+$0xFFFFFFE0]  }
0x484: {  	v9 =	vld [tilespmem:s2+$0x20]  }
0x485: {  	v10 =	vld [tilespmem:s2+$0x60]  }
0x486: {  	v0 =	vadd.f32 v1, v0;
	v11 =	vld [tilespmem:s2+$0xA0]  }
0x487: {  	v12 =	vld [tilespmem:s24+$0xFFFFFE40];
	v1 =	vadd.f32 v3, v7  }
0x488: {  	v3 =	vld [tilespmem:s2+$0xFFFFFF30];
	[tilespmem:s2+$0xFFFFFF60] =	vst v0;
	v0 =	vadd.f32 v4, v8  }
0x489: {  	v13 =	vld [tilespmem:s24+$0xFFFFFE80];
	[tilespmem:s2+$0xFFFFFFA0] =	vst v1;
	v5 =	vadd.f32 v5, v9  }
0x48a: {  	v4 =	vld [tilespmem:s24+$0xFFFFFEC0];
	[tilespmem:s2+$0xFFFFFFE0] =	vst v0;
	v0 =	vadd.f32 v6, v10  }
0x48b: {  	v1 =	vld [tilespmem:s24+$0xFFFFFF00];
	[tilespmem:s2+$0x20] =	vst v5;
	v5 =	vadd.f32 v2, v11  }
0x48c: {  	v2 =	vld [tilespmem:s24+$0xFFFFFF40];
	[tilespmem:s2+$0x60] =	vst v0  }
0x48d: {  	v6 =	vadd.f32 v12, v3;
	v3 =	vld [tilespmem:s24+$0xFFFFFF80];
	[tilespmem:s2+$0xA0] =	vst v5  }
0x48e: {  	v0 =	vld [tilespmem:s24+$0xFFFFFFC0]  }
0x48f: {  	[tilespmem:s2+$0xFFFFFF30] =	vst v6;
	v6 =	vld [tilespmem:s2+$0xFFFFFF70]  }
.Ltmp7:
0x490: {  	v9 =	vld [tilespmem:s2+$0xFFFFFFB0];
	(pc) =	sbr.rel @p0 .LBB2_17-.Ltmp7, $4  }
0x491: {  	v8 =	vld [tilespmem:s2+$0xFFFFFFF0]  }
0x492: {  	v7 =	vld [tilespmem:s2+$0x30]  }
0x493: {  	v5 =	vld [tilespmem:s2+$0x70]  }
0x494: {  	s2 =	sadd.s32 $0x200, s2;
	v10 =	vadd.f32 v13, v6;
	v6 =	vld [tilespmem:s0+$0xB0]  }
0x495: {  	v4 =	vadd.f32 v4, v9  }
0x496: {  	[tilespmem:s0+$0xFFFFFF70] =	vst v10;
	v1 =	vadd.f32 v1, v8  }
0x497: {  	s1 =	sadd.s32 s3, s29;
	[tilespmem:s0+$0xFFFFFFB0] =	vst v4;
	v2 =	vadd.f32 v2, v7  }
0x498: {  	s30 =	simm.s32 $0x1A800;
	s23 =	sadd.s32 $0x1, s23;
	s22 =	sadd.s32 $0x400, s22;
	[tilespmem:s0+$0xFFFFFFF0] =	vst v1;
	v63 =	vadd.f32 v3, v5  }
0x499: {  	s20 =	sadd.s32 $0x400, s20;
	s10 =	sadd.s32 $0x400, s10;
	s1 =	sshll.u32 s1, $0x3;
	[tilespmem:s0+$0x30] =	vst v2;
	v0 =	vadd.f32 v0, v6  }
0x49a: {  	s6 =	sadd.s32 $0x400, s6;
	s31 =	sadd.s32 $0x10000, s31;
	s1 =	sand.u32 $0x1FFFFC00, s1;
	[tilespmem:s0+$0x70] =	vst v63  }
0x49b: {  	s7 =	sadd.s32 $0x400, s7;
	p0 =	sne.s32 s23, $0x19;
	s29 =	sadd.s32 s28, s1;
	[tilespmem:s0+$0xB0] =	vst v0  }
0x49c: {  	[hbm4b:s29+s8] =	stream.linear.scatter [tilespmem:s30], [sflag:$0x10], $0x2000, $0x38;
	[tilespmem:$0x1C800] =	vst v63  }
.Ltmp8:
0x49d: {  	s14 =	sadd.s32 $0x10000, s14;
	s4 =	rddreg [dreg:$0x7];
	(pc) =	sbr.rel @p0 .LBB2_2-.Ltmp8, $4  }
0x49e: {  	s15 =	sadd.s32 $0x400, s15;
	s17 =	sadd.s32 $0x10000, s17;
	s11 =	rddreg [dreg:$0x8]  }
0x49f: {  	s19 =	sadd.s32 $0x400, s19;
	s21 =	sadd.s32 $0x10000, s21;
	s12 =	rddreg [dreg:$0x9]  }
0x4a0: {  	s18 =	sadd.s32 $0x400, s18;
	s13 =	rddreg [dreg:$0xa];
	s4 =	sadd.s32 $0x10000, s4  }
0x4a1: {  	s11 =	sadd.s32 $0x10000, s11;
	s12 =	sadd.s32 $0x10000, s12;
	s13 =	sadd.s32 $0x10000, s13  }
0x4a2: {  	s0 =	simm.s32 $0xE  }
0x4a3: {  	_ =	swait.ge [sflag:s0], $0x2000  }
0x4a4: {  	[sflag:s0] =	ssyncset.done $0x0  }
0x4a5: {  	s30 =	simm.s32 $0xF;
	[sflag:s0] =	ssyncadd.s32 $0xFFFFE000  }
0x4a6: {  	_ =	swait.ge [sflag:s30], $0x2000  }
0x4a7: {  	[sflag:s30] =	ssyncset.done $0x0  }
0x4a8: {  	s1 =	simm.s32 $0x10;
	[sflag:s30] =	ssyncadd.s32 $0xFFFFE000  }
0x4a9: {  	_ =	swait.ge [sflag:s1], $0x2000  }
0x4aa: {  	s2 =	rddreg [dreg:$0x6]  }
0x4ab: {  	s31 =	rddreg [dreg:$0x5];
	s2 =	sadd.s32 $0x1, s2  }
0x4ac: {  	p0 =	sne.s32 s2, s31  }
.Ltmp9:
0x4ad: {  	_ = 	snop;
	(pc) =	sbr.rel @p0 .LBB2_1-.Ltmp9, $3  }
0x4ae: {  	_ =	sdelay $0x1  }
0x4af: {  	[sflag:s1] =	ssyncset.done $0x0  }
0x4b0: {  	[sflag:s1] =	ssyncadd.s32 $0xFFFFE000  }
0x4b1: {  	_ =	sfence.sel $0x180000  }
0x4b2: {  	[bflag:$0x0] =	sbarrier.arrive $0xFFFF  }
0x4b3: {  	_ =	strace $0x90000047  }
0x4b4: {  	s0 =	stileid.u32;
	[bflag:$0x2] =	sbarrier.arrive $0xFFFF  }
0x4b5: {  	p0 =	sne.s32 s0, $0x0;
	s0 =	rddreg [dreg:$0x2]  }
0x4b6: {  	s0 =	sadd.s32 @!p0 $0x100000, s0  }
0x4b7: {  	[sflag:s0] =	ssyncadd.tile.s32 @!p0 $0x1;
	_ =	shalt  }
.Lfunc_end2:
_tile_overlayer_lowered:
.L_overlay_start_2:
0x4b8: {  	(tag) =	ssettag $0x2  }
0x4b9: {  	s0 =	rddreg [dreg:$0x0];
	s2 =	stileid.u32  }
0x4ba: {  	s1 =	rddreg [dreg:$0x1];
	p0 =	sne.s32 s2, $0x0  }
0x4bb: {  	s3 =	rddreg [dreg:$0x2];
	[bflag:$0x3] =	sbarrier.arrive $0xFFFF;
	s2 =	simm.s32 @!p0 $0x1C11  }
0x4bc: {  	[timem:s3], [sflag:s2] =	dma.local @!p0 [hbm:s0], s1  }
0x4bd: {  	s0 =	simm.s32 @!p0 $0x11  }
0x4be: {  	_ =	swait.ge @!p0 [sflag:s0], s1  }
0x4bf: {  	s1 =	ssub.s32 @!p0 $0x0, s1;
	[sflag:s0] =	ssyncset.done @!p0 $0x0  }
0x4c0: {  	[sflag:s0] =	ssyncadd.s32 @!p0 s1  }
0x4c1: {  	[bflag:$0x3] =	sbarrier.arrive $0xFFFF  }
0x4c2: {  	_ =	shalt  }

// kernel: sparse-core-data-format-call.cloned.1.call-start
scs
called_computation_lowered:
.L_overlay_start_0:
0x0: {  	s2 =	sld [smem:$0x3FD9]  }
0x1: {  	s3 =	sld [smem:$0x3FFE];
	_ =	sdelay $0x1  }
0x2: {  	s1 =	srdreg.scid  }
0x3: {  	s0 =	sand.u32 $0x1, s1  }
0x4: {  	s18 =	sshll.u32 s0, $0xA;
	s2 =	sadd.s32 s3, s2  }
0x5: {  	s2 =	sadd.s32 s2, s18  }
0x6: {  	[smem:$0x3FC6] =	sst s2  }
0x7: {  	_ = 	snop  }
0x8: {  	s2 =	sld [smem:$0x3FD0];
	(tm) =	ssettm $0x1  }
0x9: {  	s19 =	sld [smem:$0x3FFB];
	_ =	sdelay $0x3  }
0xa: {  	_ =	strace s19  }
0xb: {  	s3 =	sld [smem:$0x3FFC];
	_ =	sdelay $0x3  }
0xc: {  	_ =	strace s3  }
0xd: {  	s3 =	sld [smem:$0x3FFD];
	_ =	sdelay $0x3  }
0xe: {  	_ =	strace s3  }
0xf: {  	_ =	strace $0x8FFFFFFF  }
0x10: {  	s20 =	sld [smem:$0x3FDB];
	_ =	sdelay $0x1  }
0x11: {  	s4 =	simm.s32 $_scs_section_size  }
0x12: {  	s5 =	simm.s32 $_size__tile_overlayer_lowered;
	s6 =	simm.s32 $_tile_overlayer_lowered  }
0x13: {  	s23 =	simm.s32 $0x1BFF;
	s22 =	sshll.u32 s6, $0x1;
	s3 =	sadd.s32 s4, s20  }
0x14: {  	s7 =	simm.s32 $0x0;
	s21 =	sshll.u32 s5, $0x1;
	s5 =	sadd.s32 s22, s3  }
0x15: {  	[timem:s7], [sflag:s23] =	dma.local [hbm:s5], s21  }
0x16: {  	_ =	swait.ge [sflag:s23], s21  }
0x17: {  	s4 =	ssub.s32 $0x0, s21;
	[sflag:s23] =	ssyncset.done $0x0  }
0x18: {  	[sflag:s23] =	ssyncadd.s32 s4;
	_ =	sdelay $0x1  }
0x19: {  	s24 =	simm.s32 $0x1B8B  }
0x1a: {  	_ =	swait.ge [sflag:s24], $0x1  }
0x1b: {  	[sflag:s24] =	ssyncset.done $0x0  }
0x1c: {  	s26 =	simm.s32 $0x1B8E;
	s25 =	sld [smem:$0x3FFE];
	[sflag:s24] =	ssyncadd.s32 $0xFFFFFFFF  }
0x1d: {  	s27 =	simm.s32 $execute0_lowered;
	[smem:$0x3FD2] =	sst s26  }
0x1e: {  	s5 =	sshll.u32 s27, $0x1;
	_ =	strace $0x80000049;
	[dreg:$0x1] =	wrdreg $0xFFFFFFFF  }
0x1f: {  	s28 =	simm.s32 $_size_execute0_lowered;
	s3 =	sadd.s32 s3, s5;
	[dreg:$0x0] =	wrdreg $0x0  }
0x20: {  	s5 =	sshll.u32 s28, $0x1;
	[dreg:$0x2] =	wrdreg s3  }
0x21: {  	[dreg:$0x3] =	wrdreg s5  }
0x22: {  	[dreg:$0x4] =	wrdreg $0xC0  }
0x23: {  	_ =	task [dreg:s7], $0x5FFFF  }
0x24: {  	[dreg:$0x1] =	wrdreg $0xFFFFFFFF  }
0x25: {  	[dreg:$0x0] =	wrdreg $0x60  }
0x26: {  	[dreg:$0x2] =	wrdreg s25  }
0x27: {  	[dreg:$0x3] =	wrdreg s2  }
0x28: {  	[dreg:$0x4] =	wrdreg $0x9  }
0x29: {  	_ =	task.clear_ibuf [dreg:s7], $0x5FFFF;
	_ =	strace $0x90000049  }
0x2a: {  	s29 =	simm.s32 $0x9;
	_ =	strace $0x8000004B  }
0x2b: {  	_ =	swait.ge [sflag:s29], $0x1  }
0x2c: {  	[sflag:s29] =	ssyncadd.s32 $0xFFFFFFFF  }
0x2d: {  	_ =	strace $0x9000004B  }
0x2e: {  	_ =	sfence  }
0x2f: {  	s30 =	sld [smem:$0x0];
	_ =	sdelay $0x2  }
0x30: {  	s31 =	sshll.u32 s1, $0xD;
	s1 =	sshrl.u32 s1, $0x2  }
0x31: {  	s3 =	sand.u32 $0x4000, s31;
	s1 =	sadd.s32 s1, s30  }
0x32: {  	s0 =	sor.u32 s3, s0;
	s1 =	sshll.u32 s1, $0x11  }
0x33: {  	s0 =	sor.u32 s1, s0  }
0x34: {  	s0 =	sadd.s32 $0x8F2B, s0  }
0x35: {  	[sflag:s0] =	ssyncadd.remote.s32 $0x1  }
0x36: {  	_ =	sfence.sel $0xFFFF  }
0x37: {  	[dreg:$0x0] =	wrdreg $0xFFFFFFFF;
	(pc) =	sbr.abs _section_cstart, $3  }
0x38: {  	[dreg:$0x1] =	wrdreg $0xFFFFFFFF  }
0x39: {  	_ =	task.clear_ibuf [dreg:s7], $0x2FFFF;
	_ =	strace $0x9FFFFFFF  }
0x3a: {  	(tm) =	ssettm $0x7FFFFFFF  }
0x3b: {  	_ =	shalt  }
tec
execute0_lowered:
.L_overlay_start_1:
0x0: {  	(tag) =	ssettag $0x1  }
0x1: {  	s0 =	srdreg.scid  }
0x2: {  	s1 =	sshll.u32 s0, $0x4  }
0x3: {  	s0 =	stileid.u32;
	s1 =	sand.u32 $0x10, s1  }
0x4: {  	s1 =	sor.u32 s0, s1  }
0x5: {  	s6 =	rddreg [dreg:$0x0];
	s4 =	simm.s32 $0x1;
	s2 =	sshll.u32 s1, $0x7  }
0x6: {  	s7 =	simm.s32 $0x2;
	s12 =	simm.s32 $0x0;
	s1 =	ssub.s32 $0x1000, s2  }
0x7: {  	s8 =	simm.s32 $0x8000;
	s13 =	simm.s32 $0x0;
	s3 =	sand.u32 $0xF80, s1  }
0x8: {  	s9 =	simm.s32 $0x0;
	s5 =	sshrl.u32 s1, $0xC;
	p0 =	sne.s32 s3, $0x0  }
.Ltmp0:
0x9: {  	s1 =	rddreg [dreg:$0x2];
	s4 =	simm.s32 @!p0 $0x0;
	(pc) =	sbr.rel .LBB1_1-.Ltmp0, $4  }
0xa: {  	s11 =	simm.s32 $0x0;
	s3 =	rddreg [dreg:$0x1];
	s5 =	sadd.s32 s4, s5  }
0xb: {  	_ =	strace $0x8000004A;
	s4 =	simm.s32 $0x1;
	s5 =	smul.u32 $0xC8, s5  }
0xc: {  	s6 =	sadd.s32 $0xC00, s6;
	s10 =	smov.u32 s2;
	[sflag:s4] =	ssyncpa.u1 $0x0  }
0xd: {  	p0 =	por $0x0, $0x0;
	[sflag:s7] =	ssyncpa.u1 $0x0;
	s7 =	sor.u32 $0x1, s5  }
.LBB1_4:
0xe: {  	s16 =	sshll.u32 s13, $0x3;
	s17 =	sand.u32 $0x78, s13  }
0xf: {  	s30 =	sand.u32 $0x7E00, s13;
	s12 =	sshll.u32 s12, $0xF;
	s16 =	sand.u32 $0xC00, s16  }
0x10: {  	[tilespmem:s15+$0x810 ss:$0x81] =	vst.msk $0xffff, v2;
	s31 =	sand.u32 $0x7, s13;
	s16 =	sor.u32 s17, s16;
	s17 =	sadd.s32 s3, s30  }
0x11: {  	[tilespmem:s15+$0x1020 ss:$0x81] =	vst.msk $0xffff, v0;
	s13 =	sshll.u32 s31, $0x12;
	s12 =	sadd.s32 s12, s17;
	s16 =	sshrl.u32 s16, $0x3  }
0x12: {  	[tilespmem:s15+$0x0 ss:$0x81] =	vst.msk $0xffff, v1;
	s13 =	sor.u32 $0x400, s13;
	s12 =	sadd.s32 s16, s12  }
0x13: {  	[hbm4b:s12+s13] =	stream.strided.scatter [tilespmem:s14], [sflag:$0x2], $0x2000, s8, s13, $0x20;
	[tilespmem:$0x8080] =	vst v63  }
.LBB1_5:
0x14: {  	s14 =	sadd.s32 $0x1, s9  }
0x15: {  	s12 =	sadd.s32 $0x1000, s10;
	s16 =	smov.u32 s10;
	p2 =	sgt.s32 s14, $0xC7  }
0x16: {  	s16 =	smov.u32 @p2 s12  }
0x17: {  	s14 =	simm.s32 @p2 $0x0;
	p2 =	sgt.s32 s16, $0xFFF  }
0x18: {  	s16 =	smov.u32 @p2 s2;
	p2 =	sne.s32 s11, s7  }
.Ltmp1:
0x19: {  	p1 =	slt.u32 s11, $0x2;
	(pc) =	sbr.rel @!p2 .LBB1_6-.Ltmp1, $4  }
0x1a: {  	s15 =	simm.s32 @!p1 $0x2  }
0x1b: {  	s13 =	smov.u32 s10;
	p0 =	por !p0, !p0;
	_ =	swait.ge @!p1 [sflag:s15], $0x2000  }
0x1c: {  	s12 =	smov.u32 s9;
	[sflag:s15] =	ssyncset.done @!p1 $0x0;
	s9 =	smov.u32 s14  }
0x1d: {  	s11 =	sadd.s32 $0x1, s11;
	[sflag:s15] =	ssyncadd.s32 @!p1 $0xFFFFE000;
	s10 =	smov.u32 s16  }
.LBB1_1:
0x1e: {  	p1 =	sge.u32 s11, s5  }
0x1f: {  	s14 =	sand.u32 @!p1 $0x1FFFFFF, s9  }
0x20: {  	s15 =	smulhi.u32 @!p1 $0x147AE15, s14;
	_ =	sdelay $0x1  }
0x21: {  	s15 =	smul.u32 @!p1 $0xC8, s15  }
0x22: {  	s16 =	sxor.u32 @!p1 $0xFFFFFFFF, s11;
	s17 =	smul.u32 @!p1 $0xC80, s10  }
0x23: {  	s31 =	sadd.s32 $0xFFFFFFFF, s11;
	s16 =	sshll.u32 @!p1 s16, $0xD;
	s14 =	ssub.s32 @!p1 s14, s15  }
0x24: {  	s15 =	sand.u32 @!p1 $0x2000, s16;
	s16 =	sadd.s32 @!p1 s6, s17;
	s14 =	sshll.u32 @!p1 s14, $0x4  }
0x25: {  	s17 =	simm.s32 @!p1 $0x6400;
	s14 =	sadd.s32 @!p1 s14, s16;
	s16 =	simm.s32 @!p1 $0x40  }
0x26: {  	[tilespmem:s15], [sflag:$0x1] =	stream.strided.gather @!p1 [hbm4b:s14+s16], $0x2000, s17, s16, $0x38;
	[tilespmem:$0x8080] =	vst v63  }
0x27: {  	p1 =	sge.u32 s31, s5  }
.Ltmp2:
0x28: {  	_ = 	snop;
	(pc) =	sbr.rel @p1 .LBB1_5-.Ltmp2, $1  }
0x29: {  	_ =	sdelay $0x3  }
0x2a: {  	s14 =	simm.s32 $0x1  }
0x2b: {  	_ =	swait.ge [sflag:s4], $0x2000;
	s14 =	simm.s32 @!p0 $0x0  }
0x2c: {  	[sflag:s4] =	ssyncset.done $0x0;
	s15 =	sshll.u32 s14, $0xD  }
0x2d: {  	[sflag:s4] =	ssyncadd.s32 $0xFFFFE000;
	s18 =	sor.u32 $0x20, s15  }
0x2e: {  	s14 =	smul.u32 $0x8100, s14;
	v3 =	vld [tilespmem:s18+$0x10]  }
0x2f: {  	s30 =	sand.u32 $0x1, s11;
	v2 =	vld [tilespmem:s18+$0xFFFFFFF0]  }
0x30: {  	s15 =	smul.u32 $0x8100, s30;
	s14 =	sshrl.u32 s14, $0x2;
	v0 =	vld [tilespmem:s18+$0x0]  }
0x31: {  	v1 =	vld [tilespmem:s18+$0xFFFFFFE0];
	s16 =	sor.u32 $0x4000, s14  }
0x32: {  	s31 =	sshrl.u32 s15, $0x2;
	s15 =	sadd.s32 $0x0, s16  }
0x33: {  	s17 =	simm.s32 $0x4;
	s18 =	sadd.s32 $0x40, s18;
	s14 =	sor.u32 $0x4000, s31;
	[tilespmem:s15+$0x1830 ss:$0x81] =	vst.msk $0xffff, v3  }
.LBB1_3:
0x34: {  	v3 =	vld [tilespmem:s18+$0x10];
	p1 =	sne.s32 s17, $0x1FC;
	[tilespmem:s15+$0x810 ss:$0x81] =	vst.msk $0xffff, v2;
	s19 =	smov.u32 s17;
	s17 =	sadd.s32 $0x4, s17  }
.Ltmp3:
0x35: {  	v2 =	vld [tilespmem:s18+$0xFFFFFFF0];
	[tilespmem:s15+$0x1020 ss:$0x81] =	vst.msk $0xffff, v0;
	(pc) =	sbr.rel @p1 .LBB1_3-.Ltmp3, $4  }
0x36: {  	v0 =	vld [tilespmem:s18+$0x0];
	[tilespmem:s15+$0x0 ss:$0x81] =	vst.msk $0xffff, v1  }
0x37: {  	s15 =	sshra.s32 s19, $0x2;
	v1 =	vld [tilespmem:s18+$0xFFFFFFE0]  }
0x38: {  	s15 =	sadd.s32 s15, s16  }
0x39: {  	s18 =	sadd.s32 $0x40, s18;
	[tilespmem:s15+$0x1830 ss:$0x81] =	vst.msk $0xffff, v3  }
.Ltmp4:
0x3a: {  	_ = 	snop;
	(pc) =	sbr.rel .LBB1_4-.Ltmp4, $1  }
0x3b: {  	_ =	sdelay $0x3  }
.LBB1_6:
0x3c: {  	_ =	sfence.sel $0x180000  }
0x3d: {  	s2 =	simm.s32 $0x1;
	[bflag:$0x0] =	sbarrier.arrive $0xFFFF  }
0x3e: {  	s31 =	simm.s32 $0x2;
	[sflag:s2] =	ssyncpa.u1 $0x1  }
0x3f: {  	[sflag:s31] =	ssyncpa.u1 $0x1  }
0x40: {  	p0 =	sne.s32 s0, $0x0;
	_ =	strace $0x9000004A  }
0x41: {  	s0 =	sadd.s32 @!p0 $0x100000, s1;
	[bflag:$0x2] =	sbarrier.arrive $0xFFFF  }
0x42: {  	[sflag:s0] =	ssyncadd.tile.s32 @!p0 $0x1;
	_ =	shalt  }
.Lfunc_end1:
_tile_overlayer_lowered:
.L_overlay_start_2:
0x43: {  	(tag) =	ssettag $0x2  }
0x44: {  	s0 =	rddreg [dreg:$0x0];
	s2 =	stileid.u32  }
0x45: {  	s1 =	rddreg [dreg:$0x1];
	p0 =	sne.s32 s2, $0x0  }
0x46: {  	s3 =	rddreg [dreg:$0x2];
	[bflag:$0x3] =	sbarrier.arrive $0xFFFF;
	s2 =	simm.s32 @!p0 $0x1C01  }
0x47: {  	[timem:s3], [sflag:s2] =	dma.local @!p0 [hbm:s0], s1  }
0x48: {  	s0 =	simm.s32 @!p0 $0x1  }
0x49: {  	_ =	swait.ge @!p0 [sflag:s0], s1  }
0x4a: {  	s1 =	ssub.s32 @!p0 $0x0, s1;
	[sflag:s0] =	ssyncset.done @!p0 $0x0  }
0x4b: {  	[sflag:s0] =	ssyncadd.s32 @!p0 s1  }
0x4c: {  	[bflag:$0x3] =	sbarrier.arrive $0xFFFF  }
0x4d: {  	_ =	shalt  }

</sc_bundles>
